<compile_context>
chip_gen: v7x
topology: tpu7x:2x2x1
jax: 0.10.2.dev20260603
libtpu: 0.0.44.dev20260713+nightly
codegen_flags: <defaults>
</compile_context>

<pallas_src>
import jax
import jax.numpy as jnp
from jax import lax
from jax.experimental import pallas as pl
from jax.experimental.pallas import tpu as pltpu
from jax.experimental.pallas import tpu_sc as plsc

N_ELEM = 500000
NBINS = 4096
BIN_SHIFT = 19
HISTW = NBINS + 16
CHUNK = 4000
NCHUNKS = N_ELEM // CHUNK
NSUB = 16
CHUNKS_PER_TILE = -(-NCHUNKS // NSUB)
NROW = NBINS // 128

CUTS = (501.0, 5001.0, 25001.0, 50001.0)


def _sc_hist_body(in_hbm, out_hbm, chunks, hist, red, idxv, shared, sems):
    cc = lax.axis_index("c")
    sid = lax.axis_index("s")

    lane = lax.iota(jnp.int32, 16)
    ones = jnp.ones((16,), jnp.int32)
    zeros = jnp.zeros((16,), jnp.int32)
    for k in range(CHUNKS_PER_TILE):
        c = sid + k * NSUB

        @pl.when(c < NCHUNKS)
        def _():
            base = pl.multiple_of(c * CHUNK, CHUNK)
            pltpu.async_copy(
                in_hbm.at[pl.ds(cc * N_ELEM + base, CHUNK)], chunks[k], sems[k]
            )

    idxv[pl.ds(0, 16)] = lane
    idxv[pl.ds(16, 16)] = lane + 16

    @pl.loop(0, NBINS // 16, unroll=4)
    def _zero(j):
        off = pl.multiple_of(j * 16, 16)
        for l in range(16):
            hist[l, pl.ds(off, 16)] = zeros

    @pl.when(sid == 0)
    def _init_shared():
        @pl.loop(0, NROW)
        def _zr(r):
            @pl.loop(0, 128 // 16)
            def _zc(jj):
                red[r, pl.ds(pl.multiple_of(jj * 16, 16), 16)] = zeros

        pltpu.sync_copy(red, shared)

    plsc.subcore_barrier()

    for k in range(CHUNKS_PER_TILE):
        c = sid + k * NSUB

        @pl.when(c < NCHUNKS)
        def _do():
            base = pl.multiple_of(c * CHUNK, CHUNK)
            pltpu.make_async_copy(
                in_hbm.at[pl.ds(cc * N_ELEM + base, CHUNK)], chunks[k], sems[k]
            ).wait()

            @plsc.parallel_loop(0, CHUNK, step=16, unroll=8)
            def _vecs(i):
                v = chunks[k][pl.ds(pl.multiple_of(i, 16), 16)]
                u = lax.bitcast_convert_type(v, jnp.int32)
                bn = jnp.minimum(lax.shift_right_logical(u, BIN_SHIFT), NBINS)
                plsc.addupdate_scatter(hist, [lane, bn], ones, mask=bn < NBINS)

    @pl.loop(0, NROW)
    def _reduce_r(r):
        @pl.loop(0, 128 // 16)
        def _reduce(jj):
            off = pl.multiple_of(r * 128 + jj * 16, 16)
            acc = hist[0, pl.ds(off, 16)]
            for l in range(1, 16):
                acc = acc + hist[l, pl.ds(off, 16)]
            red[r, pl.ds(pl.multiple_of(jj * 16, 16), 16)] = acc

    pltpu.sync_copy(red, shared.at[idxv], add=True)
    plsc.subcore_barrier()

    @pl.when(sid == 0)
    def _writeout():
        pltpu.sync_copy(shared, out_hbm.at[cc])


def _make_sc_call():
    mesh = plsc.VectorSubcoreMesh(core_axis_name="c", subcore_axis_name="s")
    return pl.kernel(
        _sc_hist_body,
        out_type=jax.ShapeDtypeStruct((2, NROW, 128), jnp.int32),
        mesh=mesh,
        compiler_params=pltpu.CompilerParams(needs_layout_passes=False),
        scratch_types=[
            [pltpu.VMEM((CHUNK,), jnp.float32)] * CHUNKS_PER_TILE,
            pltpu.VMEM((16, HISTW), jnp.int32),
            pltpu.VMEM((NROW, 128), jnp.int32),
            pltpu.VMEM((32,), jnp.int32),
            pltpu.VMEM_SHARED((NROW, 128), jnp.int32),
            [pltpu.SemaphoreType.DMA] * CHUNKS_PER_TILE,
        ],
    )


def _tc_finish_kernel(h_ref, o_ref):
    f32 = jnp.float32
    hs = h_ref[0].astype(f32)
    hb = h_ref[1].astype(f32)

    ri = lax.broadcasted_iota(jnp.int32, (32, 128), 0)
    ci = lax.broadcasted_iota(jnp.int32, (32, 128), 1)
    onehot00 = jnp.where((ri == 0) & (ci == 0), 1.0, 0.0)

    hs = hs + onehot00 * (float(N_ELEM) - jnp.sum(hs))
    hb = hb + onehot00 * (float(N_ELEM) - jnp.sum(hb))

    jc = lax.broadcasted_iota(jnp.int32, (128, 128), 0)
    jr = lax.broadcasted_iota(jnp.int32, (128, 128), 1)
    mcol = jnp.where(jc > jr, 1.0, 0.0)
    rc = lax.broadcasted_iota(jnp.int32, (32, 32), 0)
    rr = lax.broadcasted_iota(jnp.int32, (32, 32), 1)
    mrow = jnp.where(rr > rc, 1.0, 0.0)

    def revcum(x):
        within = jnp.dot(x, mcol, preferred_element_type=f32)
        t2 = jnp.sum(x, axis=1, keepdims=True)
        rows_after = jnp.dot(mrow, t2, preferred_element_type=f32)
        return within + rows_after

    chs = revcum(hs)
    nbab = revcum(hb)
    w = hb * (chs + 0.5 * hs)
    wrev = revcum(w)

    acc = jnp.zeros((1, 4), f32)
    oh = lax.broadcasted_iota(jnp.int32, (1, 4), 1)
    for t, ct in enumerate(CUTS):
        sel = jnp.where((nbab < ct) & (nbab + hb >= ct), 1.0, 0.0)
        nb = jnp.sum(sel * nbab)
        hbt = jnp.sum(sel * hb)
        hst = jnp.sum(sel * hs)
        chst = jnp.sum(sel * chs)
        wrt = jnp.sum(sel * wrev)
        p = ct - nb
        tot = wrt + p * chst + 0.5 * hst * p * p / jnp.maximum(hbt, 1.0)
        val = tot * (1.0 / (float(N_ELEM) * float(N_ELEM)))
        acc = acc + val * jnp.where(oh == t, 1.0, 0.0)
    o_ref[...] = acc


@jax.jit
def kernel(signal_preds, background_preds):
    stacked = jnp.concatenate([signal_preds, background_preds])
    hist = _make_sc_call()(stacked)
    out14 = pl.pallas_call(
        _tc_finish_kernel,
        out_shape=jax.ShapeDtypeStruct((1, 4), jnp.float32),
    )(hist)
    return out14.reshape(4)

# --- scband reference (transcript-rebuilt; emitter-appended) ---
"""Pipeline reference for scband-multi-threshold-auroc-86638080295586 (READ-ONLY COPY).

The authoritative reference and input builder live on the scoring server;
editing this copy changes nothing except your own understanding.
"""

import jax, jax.numpy as jnp
import numpy as np

THRESHOLDS = jnp.array([0.001, 0.01, 0.05, 0.1], dtype=jnp.float32)


def setup_inputs(seed: int = 0) -> dict:
    key = jax.random.key(seed)
    k1, k2 = jax.random.split(key)
    signal_preds = jax.random.normal(k1, (500000,), dtype=jnp.float32)
    background_preds = jax.random.normal(k2, (500000,), dtype=jnp.float32)
    return {"signal_preds": signal_preds, "background_preds": background_preds}


def reference(signal_preds, background_preds):
    x = jnp.concatenate([signal_preds, background_preds])
    y = jnp.concatenate([jnp.ones_like(signal_preds), jnp.zeros_like(background_preds)])
    # descending sort of scores
    idx = jnp.argsort(-x)
    y = jnp.take(y, idx, axis=0)
    tpr = jnp.cumsum(y, axis=-1) / y.sum()
    fpr = jnp.cumsum(1.0 - y, axis=-1) / (1.0 - y).sum()
    dfpr = jnp.diff(fpr)
    dtpr = jnp.diff(tpr)
    mask = fpr[:-1, None] <= THRESHOLDS
    dfpr_m = dfpr[:, None] * mask
    integral = (tpr[:-1, None] + dtpr[:, None] * 0.5) * dfpr_m
    return integral.sum(0)

if __name__ == "__main__":
    import jax
    _d = setup_inputs()
    print(jax.jit(kernel)(*tuple(_d.values())))

</pallas_src>

<mosaic_0001>
#map = affine_map<(d0, d1) -> (0)>
#map1 = affine_map<(d0, d1) -> (0, 0, 0)>
module attributes {stable_mosaic.version = 14 : i64} {
  func.func @_sc_hist_body(%arg0: i32, %arg1: i32, %arg2: memref<1000000xf32, #tpu.memory_space<hbm>>, %arg3: memref<2x32x128xi32, #tpu.memory_space<hbm>>, %arg4: memref<4000xf32, #tpu.memory_space<vmem>>, %arg5: memref<4000xf32, #tpu.memory_space<vmem>>, %arg6: memref<4000xf32, #tpu.memory_space<vmem>>, %arg7: memref<4000xf32, #tpu.memory_space<vmem>>, %arg8: memref<4000xf32, #tpu.memory_space<vmem>>, %arg9: memref<4000xf32, #tpu.memory_space<vmem>>, %arg10: memref<4000xf32, #tpu.memory_space<vmem>>, %arg11: memref<4000xf32, #tpu.memory_space<vmem>>, %arg12: memref<16x4112xi32, #tpu.memory_space<vmem>>, %arg13: memref<32x128xi32, #tpu.memory_space<vmem>>, %arg14: memref<32xi32, #tpu.memory_space<vmem>>, %arg15: memref<32x128xi32, #tpu.memory_space<vmem_shared>>, %arg16: memref<!tpu.dma_semaphore, #tpu.memory_space<semaphore_mem>>, %arg17: memref<!tpu.dma_semaphore, #tpu.memory_space<semaphore_mem>>, %arg18: memref<!tpu.dma_semaphore, #tpu.memory_space<semaphore_mem>>, %arg19: memref<!tpu.dma_semaphore, #tpu.memory_space<semaphore_mem>>, %arg20: memref<!tpu.dma_semaphore, #tpu.memory_space<semaphore_mem>>, %arg21: memref<!tpu.dma_semaphore, #tpu.memory_space<semaphore_mem>>, %arg22: memref<!tpu.dma_semaphore, #tpu.memory_space<semaphore_mem>>, %arg23: memref<!tpu.dma_semaphore, #tpu.memory_space<semaphore_mem>>) attributes {dimension_semantics = [#tpu.dimension_semantics<core_parallel>, #tpu.dimension_semantics<subcore_parallel>], iteration_bounds = array<i64: 2, 16>, scalar_prefetch = 0 : i64, scratch_operands = 20 : i64, tpu.core_type = #tpu.core_type<sc_vector_subcore>, window_params = [{transform_indices = #map}, {transform_indices = #map1}]} {
    %iota3A = tpu.iota {dimensions = array<i32: 0>} : vector<16xi32>
    %broadcast_in_dim3A = arith.constant 1 : i32
    %broadcast_in_dim3A_0 = vector.broadcast %broadcast_in_dim3A : i32 to vector<16xi32>
    %broadcast_in_dim3A_1 = arith.constant 0 : i32
    %broadcast_in_dim3A_2 = vector.broadcast %broadcast_in_dim3A_1 : i32 to vector<16xi32>
    %add3A = arith.constant 0 : i32
    %add3A_3 = arith.addi %arg1, %add3A : i32
    %lt3A = arith.constant 125 : i32
    %lt3A_4 = arith.cmpi slt, %add3A_3, %lt3A : i32
    %convert_element_type3A = arith.extui %lt3A_4 : i1 to i32
    %cond3A = arith.constant 0 : i32
    %cond3A_5 = arith.cmpi ne, %convert_element_type3A, %cond3A : i32
    scf.if %cond3A_5 {
      %mul3A = arith.constant 4000 : i32
      %mul3A_136 = arith.muli %add3A_3, %mul3A : i32
      %multiple_of3A = tpu.assume_multiple %mul3A_136, 4000 : i32
      %mul3A_137 = arith.constant 500000 : i32
      %mul3A_138 = arith.muli %arg0, %mul3A_137 : i32
      %add3A_139 = arith.addi %mul3A_138, %multiple_of3A : i32
      %dma_start3A = tpu.memref_slice %arg2[%add3A_139] : memref<1000000xf32, #tpu.memory_space<hbm>> -> memref<4000xf32, #tpu.memory_space<hbm>>
      %dma_start3A_140 = tpu.memref_slice %arg2[%add3A_139] : memref<1000000xf32, #tpu.memory_space<hbm>> -> memref<4000xf32, #tpu.memory_space<hbm>>
      tpu.enqueue_dma source(%dma_start3A_140 : memref<4000xf32, #tpu.memory_space<hbm>>) target(%arg4 : memref<4000xf32, #tpu.memory_space<vmem>>) target_semaphore(%arg16 : memref<!tpu.dma_semaphore, #tpu.memory_space<semaphore_mem>>)
    } else {
    }
    %add3A_6 = arith.constant 16 : i32
    %add3A_7 = arith.addi %arg1, %add3A_6 : i32
    %lt3A_8 = arith.constant 125 : i32
    %lt3A_9 = arith.cmpi slt, %add3A_7, %lt3A_8 : i32
    %convert_element_type3A_10 = arith.extui %lt3A_9 : i1 to i32
    %cond3A_11 = arith.constant 0 : i32
    %cond3A_12 = arith.cmpi ne, %convert_element_type3A_10, %cond3A_11 : i32
    scf.if %cond3A_12 {
      %mul3A = arith.constant 4000 : i32
      %mul3A_136 = arith.muli %add3A_7, %mul3A : i32
      %multiple_of3A = tpu.assume_multiple %mul3A_136, 4000 : i32
      %mul3A_137 = arith.constant 500000 : i32
      %mul3A_138 = arith.muli %arg0, %mul3A_137 : i32
      %add3A_139 = arith.addi %mul3A_138, %multiple_of3A : i32
      %dma_start3A = tpu.memref_slice %arg2[%add3A_139] : memref<1000000xf32, #tpu.memory_space<hbm>> -> memref<4000xf32, #tpu.memory_space<hbm>>
      %dma_start3A_140 = tpu.memref_slice %arg2[%add3A_139] : memref<1000000xf32, #tpu.memory_space<hbm>> -> memref<4000xf32, #tpu.memory_space<hbm>>
      tpu.enqueue_dma source(%dma_start3A_140 : memref<4000xf32, #tpu.memory_space<hbm>>) target(%arg5 : memref<4000xf32, #tpu.memory_space<vmem>>) target_semaphore(%arg17 : memref<!tpu.dma_semaphore, #tpu.memory_space<semaphore_mem>>)
    } else {
    }
    %add3A_13 = arith.constant 32 : i32
    %add3A_14 = arith.addi %arg1, %add3A_13 : i32
    %lt3A_15 = arith.constant 125 : i32
    %lt3A_16 = arith.cmpi slt, %add3A_14, %lt3A_15 : i32
    %convert_element_type3A_17 = arith.extui %lt3A_16 : i1 to i32
    %cond3A_18 = arith.constant 0 : i32
    %cond3A_19 = arith.cmpi ne, %convert_element_type3A_17, %cond3A_18 : i32
    scf.if %cond3A_19 {
      %mul3A = arith.constant 4000 : i32
      %mul3A_136 = arith.muli %add3A_14, %mul3A : i32
      %multiple_of3A = tpu.assume_multiple %mul3A_136, 4000 : i32
      %mul3A_137 = arith.constant 500000 : i32
      %mul3A_138 = arith.muli %arg0, %mul3A_137 : i32
      %add3A_139 = arith.addi %mul3A_138, %multiple_of3A : i32
      %dma_start3A = tpu.memref_slice %arg2[%add3A_139] : memref<1000000xf32, #tpu.memory_space<hbm>> -> memref<4000xf32, #tpu.memory_space<hbm>>
      %dma_start3A_140 = tpu.memref_slice %arg2[%add3A_139] : memref<1000000xf32, #tpu.memory_space<hbm>> -> memref<4000xf32, #tpu.memory_space<hbm>>
      tpu.enqueue_dma source(%dma_start3A_140 : memref<4000xf32, #tpu.memory_space<hbm>>) target(%arg6 : memref<4000xf32, #tpu.memory_space<vmem>>) target_semaphore(%arg18 : memref<!tpu.dma_semaphore, #tpu.memory_space<semaphore_mem>>)
    } else {
    }
    %add3A_20 = arith.constant 48 : i32
    %add3A_21 = arith.addi %arg1, %add3A_20 : i32
    %lt3A_22 = arith.constant 125 : i32
    %lt3A_23 = arith.cmpi slt, %add3A_21, %lt3A_22 : i32
    %convert_element_type3A_24 = arith.extui %lt3A_23 : i1 to i32
    %cond3A_25 = arith.constant 0 : i32
    %cond3A_26 = arith.cmpi ne, %convert_element_type3A_24, %cond3A_25 : i32
    scf.if %cond3A_26 {
      %mul3A = arith.constant 4000 : i32
      %mul3A_136 = arith.muli %add3A_21, %mul3A : i32
      %multiple_of3A = tpu.assume_multiple %mul3A_136, 4000 : i32
      %mul3A_137 = arith.constant 500000 : i32
      %mul3A_138 = arith.muli %arg0, %mul3A_137 : i32
      %add3A_139 = arith.addi %mul3A_138, %multiple_of3A : i32
      %dma_start3A = tpu.memref_slice %arg2[%add3A_139] : memref<1000000xf32, #tpu.memory_space<hbm>> -> memref<4000xf32, #tpu.memory_space<hbm>>
      %dma_start3A_140 = tpu.memref_slice %arg2[%add3A_139] : memref<1000000xf32, #tpu.memory_space<hbm>> -> memref<4000xf32, #tpu.memory_space<hbm>>
      tpu.enqueue_dma source(%dma_start3A_140 : memref<4000xf32, #tpu.memory_space<hbm>>) target(%arg7 : memref<4000xf32, #tpu.memory_space<vmem>>) target_semaphore(%arg19 : memref<!tpu.dma_semaphore, #tpu.memory_space<semaphore_mem>>)
    } else {
    }
    %add3A_27 = arith.constant 64 : i32
    %add3A_28 = arith.addi %arg1, %add3A_27 : i32
    %lt3A_29 = arith.constant 125 : i32
    %lt3A_30 = arith.cmpi slt, %add3A_28, %lt3A_29 : i32
    %convert_element_type3A_31 = arith.extui %lt3A_30 : i1 to i32
    %cond3A_32 = arith.constant 0 : i32
    %cond3A_33 = arith.cmpi ne, %convert_element_type3A_31, %cond3A_32 : i32
    scf.if %cond3A_33 {
      %mul3A = arith.constant 4000 : i32
      %mul3A_136 = arith.muli %add3A_28, %mul3A : i32
      %multiple_of3A = tpu.assume_multiple %mul3A_136, 4000 : i32
      %mul3A_137 = arith.constant 500000 : i32
      %mul3A_138 = arith.muli %arg0, %mul3A_137 : i32
      %add3A_139 = arith.addi %mul3A_138, %multiple_of3A : i32
      %dma_start3A = tpu.memref_slice %arg2[%add3A_139] : memref<1000000xf32, #tpu.memory_space<hbm>> -> memref<4000xf32, #tpu.memory_space<hbm>>
      %dma_start3A_140 = tpu.memref_slice %arg2[%add3A_139] : memref<1000000xf32, #tpu.memory_space<hbm>> -> memref<4000xf32, #tpu.memory_space<hbm>>
      tpu.enqueue_dma source(%dma_start3A_140 : memref<4000xf32, #tpu.memory_space<hbm>>) target(%arg8 : memref<4000xf32, #tpu.memory_space<vmem>>) target_semaphore(%arg20 : memref<!tpu.dma_semaphore, #tpu.memory_space<semaphore_mem>>)
    } else {
    }
    %add3A_34 = arith.constant 80 : i32
    %add3A_35 = arith.addi %arg1, %add3A_34 : i32
    %lt3A_36 = arith.constant 125 : i32
    %lt3A_37 = arith.cmpi slt, %add3A_35, %lt3A_36 : i32
    %convert_element_type3A_38 = arith.extui %lt3A_37 : i1 to i32
    %cond3A_39 = arith.constant 0 : i32
    %cond3A_40 = arith.cmpi ne, %convert_element_type3A_38, %cond3A_39 : i32
    scf.if %cond3A_40 {
      %mul3A = arith.constant 4000 : i32
      %mul3A_136 = arith.muli %add3A_35, %mul3A : i32
      %multiple_of3A = tpu.assume_multiple %mul3A_136, 4000 : i32
      %mul3A_137 = arith.constant 500000 : i32
      %mul3A_138 = arith.muli %arg0, %mul3A_137 : i32
      %add3A_139 = arith.addi %mul3A_138, %multiple_of3A : i32
      %dma_start3A = tpu.memref_slice %arg2[%add3A_139] : memref<1000000xf32, #tpu.memory_space<hbm>> -> memref<4000xf32, #tpu.memory_space<hbm>>
      %dma_start3A_140 = tpu.memref_slice %arg2[%add3A_139] : memref<1000000xf32, #tpu.memory_space<hbm>> -> memref<4000xf32, #tpu.memory_space<hbm>>
      tpu.enqueue_dma source(%dma_start3A_140 : memref<4000xf32, #tpu.memory_space<hbm>>) target(%arg9 : memref<4000xf32, #tpu.memory_space<vmem>>) target_semaphore(%arg21 : memref<!tpu.dma_semaphore, #tpu.memory_space<semaphore_mem>>)
    } else {
    }
    %add3A_41 = arith.constant 96 : i32
    %add3A_42 = arith.addi %arg1, %add3A_41 : i32
    %lt3A_43 = arith.constant 125 : i32
    %lt3A_44 = arith.cmpi slt, %add3A_42, %lt3A_43 : i32
    %convert_element_type3A_45 = arith.extui %lt3A_44 : i1 to i32
    %cond3A_46 = arith.constant 0 : i32
    %cond3A_47 = arith.cmpi ne, %convert_element_type3A_45, %cond3A_46 : i32
    scf.if %cond3A_47 {
      %mul3A = arith.constant 4000 : i32
      %mul3A_136 = arith.muli %add3A_42, %mul3A : i32
      %multiple_of3A = tpu.assume_multiple %mul3A_136, 4000 : i32
      %mul3A_137 = arith.constant 500000 : i32
      %mul3A_138 = arith.muli %arg0, %mul3A_137 : i32
      %add3A_139 = arith.addi %mul3A_138, %multiple_of3A : i32
      %dma_start3A = tpu.memref_slice %arg2[%add3A_139] : memref<1000000xf32, #tpu.memory_space<hbm>> -> memref<4000xf32, #tpu.memory_space<hbm>>
      %dma_start3A_140 = tpu.memref_slice %arg2[%add3A_139] : memref<1000000xf32, #tpu.memory_space<hbm>> -> memref<4000xf32, #tpu.memory_space<hbm>>
      tpu.enqueue_dma source(%dma_start3A_140 : memref<4000xf32, #tpu.memory_space<hbm>>) target(%arg10 : memref<4000xf32, #tpu.memory_space<vmem>>) target_semaphore(%arg22 : memref<!tpu.dma_semaphore, #tpu.memory_space<semaphore_mem>>)
    } else {
    }
    %add3A_48 = arith.constant 112 : i32
    %add3A_49 = arith.addi %arg1, %add3A_48 : i32
    %lt3A_50 = arith.constant 125 : i32
    %lt3A_51 = arith.cmpi slt, %add3A_49, %lt3A_50 : i32
    %convert_element_type3A_52 = arith.extui %lt3A_51 : i1 to i32
    %cond3A_53 = arith.constant 0 : i32
    %cond3A_54 = arith.cmpi ne, %convert_element_type3A_52, %cond3A_53 : i32
    scf.if %cond3A_54 {
      %mul3A = arith.constant 4000 : i32
      %mul3A_136 = arith.muli %add3A_49, %mul3A : i32
      %multiple_of3A = tpu.assume_multiple %mul3A_136, 4000 : i32
      %mul3A_137 = arith.constant 500000 : i32
      %mul3A_138 = arith.muli %arg0, %mul3A_137 : i32
      %add3A_139 = arith.addi %mul3A_138, %multiple_of3A : i32
      %dma_start3A = tpu.memref_slice %arg2[%add3A_139] : memref<1000000xf32, #tpu.memory_space<hbm>> -> memref<4000xf32, #tpu.memory_space<hbm>>
      %dma_start3A_140 = tpu.memref_slice %arg2[%add3A_139] : memref<1000000xf32, #tpu.memory_space<hbm>> -> memref<4000xf32, #tpu.memory_space<hbm>>
      tpu.enqueue_dma source(%dma_start3A_140 : memref<4000xf32, #tpu.memory_space<hbm>>) target(%arg11 : memref<4000xf32, #tpu.memory_space<vmem>>) target_semaphore(%arg23 : memref<!tpu.dma_semaphore, #tpu.memory_space<semaphore_mem>>)
    } else {
    }
    %swap3A = arith.constant 0 : index
    %swap3A_55 = tpu.vector_load %arg14[%swap3A] {strides = array<i32>} : memref<32xi32, #tpu.memory_space<vmem>>, vector<16xi32>,
    tpu.vector_store %arg14[%swap3A], %iota3A {strides = array<i32>} : memref<32xi32, #tpu.memory_space<vmem>>, vector<16xi32>,
    %add3A_56 = arith.constant 16 : i32
    %add3A_57 = vector.broadcast %add3A_56 : i32 to vector<16xi32>
    %add3A_58 = arith.addi %iota3A, %add3A_57 : vector<16xi32>
    %swap3A_59 = arith.constant 16 : index
    %swap3A_60 = tpu.vector_load %arg14[%swap3A_59] {strides = array<i32>} : memref<32xi32, #tpu.memory_space<vmem>>, vector<16xi32>,
    tpu.vector_store %arg14[%swap3A_59], %add3A_58 {strides = array<i32>} : memref<32xi32, #tpu.memory_space<vmem>>, vector<16xi32>,
    %scan3A = arith.constant 0 : i32
    %scan3A_61 = arith.constant 256 : i32
    %scan3A_62 = arith.addi %scan3A, %scan3A_61 : i32
    %scan3A_63 = arith.constant 4 : i32
    scf.for %scan3A_136 = %scan3A to %scan3A_62 step %scan3A_63  : i32 {
      %mul3A = arith.constant 1 : i32
      %mul3A_137 = arith.muli %scan3A_136, %mul3A : i32
      %add3A_138 = arith.constant 0 : i32
      %add3A_139 = arith.addi %add3A_138, %mul3A_137 : i32
      %mul3A_140 = arith.constant 16 : i32
      %mul3A_141 = arith.muli %add3A_139, %mul3A_140 : i32
      %multiple_of3A = tpu.assume_multiple %mul3A_141, 16 : i32
      %swap3A_142 = arith.constant 0 : i32
      %swap3A_143 = arith.index_cast %swap3A_142 : i32 to index
      %swap3A_144 = arith.index_cast %multiple_of3A : i32 to index
      %swap3A_145 = tpu.vector_load %arg12[%swap3A_143, %swap3A_144] {strides = array<i32>} : memref<16x4112xi32, #tpu.memory_space<vmem>>, vector<16xi32>,
      tpu.vector_store %arg12[%swap3A_143, %swap3A_144], %broadcast_in_dim3A_2 {strides = array<i32>} : memref<16x4112xi32, #tpu.memory_space<vmem>>, vector<16xi32>,
      %swap3A_146 = arith.constant 1 : i32
      %swap3A_147 = arith.index_cast %swap3A_146 : i32 to index
      %swap3A_148 = arith.index_cast %multiple_of3A : i32 to index
      %swap3A_149 = tpu.vector_load %arg12[%swap3A_147, %swap3A_148] {strides = array<i32>} : memref<16x4112xi32, #tpu.memory_space<vmem>>, vector<16xi32>,
      tpu.vector_store %arg12[%swap3A_147, %swap3A_148], %broadcast_in_dim3A_2 {strides = array<i32>} : memref<16x4112xi32, #tpu.memory_space<vmem>>, vector<16xi32>,
      %swap3A_150 = arith.constant 2 : i32
      %swap3A_151 = arith.index_cast %swap3A_150 : i32 to index
      %swap3A_152 = arith.index_cast %multiple_of3A : i32 to index
      %swap3A_153 = tpu.vector_load %arg12[%swap3A_151, %swap3A_152] {strides = array<i32>} : memref<16x4112xi32, #tpu.memory_space<vmem>>, vector<16xi32>,
      tpu.vector_store %arg12[%swap3A_151, %swap3A_152], %broadcast_in_dim3A_2 {strides = array<i32>} : memref<16x4112xi32, #tpu.memory_space<vmem>>, vector<16xi32>,
      %swap3A_154 = arith.constant 3 : i32
      %swap3A_155 = arith.index_cast %swap3A_154 : i32 to index
      %swap3A_156 = arith.index_cast %multiple_of3A : i32 to index
      %swap3A_157 = tpu.vector_load %arg12[%swap3A_155, %swap3A_156] {strides = array<i32>} : memref<16x4112xi32, #tpu.memory_space<vmem>>, vector<16xi32>,
      tpu.vector_store %arg12[%swap3A_155, %swap3A_156], %broadcast_in_dim3A_2 {strides = array<i32>} : memref<16x4112xi32, #tpu.memory_space<vmem>>, vector<16xi32>,
      %swap3A_158 = arith.constant 4 : i32
      %swap3A_159 = arith.index_cast %swap3A_158 : i32 to index
      %swap3A_160 = arith.index_cast %multiple_of3A : i32 to index
      %swap3A_161 = tpu.vector_load %arg12[%swap3A_159, %swap3A_160] {strides = array<i32>} : memref<16x4112xi32, #tpu.memory_space<vmem>>, vector<16xi32>,
      tpu.vector_store %arg12[%swap3A_159, %swap3A_160], %broadcast_in_dim3A_2 {strides = array<i32>} : memref<16x4112xi32, #tpu.memory_space<vmem>>, vector<16xi32>,
      %swap3A_162 = arith.constant 5 : i32
      %swap3A_163 = arith.index_cast %swap3A_162 : i32 to index
      %swap3A_164 = arith.index_cast %multiple_of3A : i32 to index
      %swap3A_165 = tpu.vector_load %arg12[%swap3A_163, %swap3A_164] {strides = array<i32>} : memref<16x4112xi32, #tpu.memory_space<vmem>>, vector<16xi32>,
      tpu.vector_store %arg12[%swap3A_163, %swap3A_164], %broadcast_in_dim3A_2 {strides = array<i32>} : memref<16x4112xi32, #tpu.memory_space<vmem>>, vector<16xi32>,
      %swap3A_166 = arith.constant 6 : i32
      %swap3A_167 = arith.index_cast %swap3A_166 : i32 to index
      %swap3A_168 = arith.index_cast %multiple_of3A : i32 to index
      %swap3A_169 = tpu.vector_load %arg12[%swap3A_167, %swap3A_168] {strides = array<i32>} : memref<16x4112xi32, #tpu.memory_space<vmem>>, vector<16xi32>,
      tpu.vector_store %arg12[%swap3A_167, %swap3A_168], %broadcast_in_dim3A_2 {strides = array<i32>} : memref<16x4112xi32, #tpu.memory_space<vmem>>, vector<16xi32>,
      %swap3A_170 = arith.constant 7 : i32
      %swap3A_171 = arith.index_cast %swap3A_170 : i32 to index
      %swap3A_172 = arith.index_cast %multiple_of3A : i32 to index
      %swap3A_173 = tpu.vector_load %arg12[%swap3A_171, %swap3A_172] {strides = array<i32>} : memref<16x4112xi32, #tpu.memory_space<vmem>>, vector<16xi32>,
      tpu.vector_store %arg12[%swap3A_171, %swap3A_172], %broadcast_in_dim3A_2 {strides = array<i32>} : memref<16x4112xi32, #tpu.memory_space<vmem>>, vector<16xi32>,
      %swap3A_174 = arith.constant 8 : i32
      %swap3A_175 = arith.index_cast %swap3A_174 : i32 to index
      %swap3A_176 = arith.index_cast %multiple_of3A : i32 to index
      %swap3A_177 = tpu.vector_load %arg12[%swap3A_175, %swap3A_176] {strides = array<i32>} : memref<16x4112xi32, #tpu.memory_space<vmem>>, vector<16xi32>,
      tpu.vector_store %arg12[%swap3A_175, %swap3A_176], %broadcast_in_dim3A_2 {strides = array<i32>} : memref<16x4112xi32, #tpu.memory_space<vmem>>, vector<16xi32>,
      %swap3A_178 = arith.constant 9 : i32
      %swap3A_179 = arith.index_cast %swap3A_178 : i32 to index
      %swap3A_180 = arith.index_cast %multiple_of3A : i32 to index
      %swap3A_181 = tpu.vector_load %arg12[%swap3A_179, %swap3A_180] {strides = array<i32>} : memref<16x4112xi32, #tpu.memory_space<vmem>>, vector<16xi32>,
      tpu.vector_store %arg12[%swap3A_179, %swap3A_180], %broadcast_in_dim3A_2 {strides = array<i32>} : memref<16x4112xi32, #tpu.memory_space<vmem>>, vector<16xi32>,
      %swap3A_182 = arith.constant 10 : i32
      %swap3A_183 = arith.index_cast %swap3A_182 : i32 to index
      %swap3A_184 = arith.index_cast %multiple_of3A : i32 to index
      %swap3A_185 = tpu.vector_load %arg12[%swap3A_183, %swap3A_184] {strides = array<i32>} : memref<16x4112xi32, #tpu.memory_space<vmem>>, vector<16xi32>,
      tpu.vector_store %arg12[%swap3A_183, %swap3A_184], %broadcast_in_dim3A_2 {strides = array<i32>} : memref<16x4112xi32, #tpu.memory_space<vmem>>, vector<16xi32>,
      %swap3A_186 = arith.constant 11 : i32
      %swap3A_187 = arith.index_cast %swap3A_186 : i32 to index
      %swap3A_188 = arith.index_cast %multiple_of3A : i32 to index
      %swap3A_189 = tpu.vector_load %arg12[%swap3A_187, %swap3A_188] {strides = array<i32>} : memref<16x4112xi32, #tpu.memory_space<vmem>>, vector<16xi32>,
      tpu.vector_store %arg12[%swap3A_187, %swap3A_188], %broadcast_in_dim3A_2 {strides = array<i32>} : memref<16x4112xi32, #tpu.memory_space<vmem>>, vector<16xi32>,
      %swap3A_190 = arith.constant 12 : i32
      %swap3A_191 = arith.index_cast %swap3A_190 : i32 to index
      %swap3A_192 = arith.index_cast %multiple_of3A : i32 to index
      %swap3A_193 = tpu.vector_load %arg12[%swap3A_191, %swap3A_192] {strides = array<i32>} : memref<16x4112xi32, #tpu.memory_space<vmem>>, vector<16xi32>,
      tpu.vector_store %arg12[%swap3A_191, %swap3A_192], %broadcast_in_dim3A_2 {strides = array<i32>} : memref<16x4112xi32, #tpu.memory_space<vmem>>, vector<16xi32>,
      %swap3A_194 = arith.constant 13 : i32
      %swap3A_195 = arith.index_cast %swap3A_194 : i32 to index
      %swap3A_196 = arith.index_cast %multiple_of3A : i32 to index
      %swap3A_197 = tpu.vector_load %arg12[%swap3A_195, %swap3A_196] {strides = array<i32>} : memref<16x4112xi32, #tpu.memory_space<vmem>>, vector<16xi32>,
      tpu.vector_store %arg12[%swap3A_195, %swap3A_196], %broadcast_in_dim3A_2 {strides = array<i32>} : memref<16x4112xi32, #tpu.memory_space<vmem>>, vector<16xi32>,
      %swap3A_198 = arith.constant 14 : i32
      %swap3A_199 = arith.index_cast %swap3A_198 : i32 to index
      %swap3A_200 = arith.index_cast %multiple_of3A : i32 to index
      %swap3A_201 = tpu.vector_load %arg12[%swap3A_199, %swap3A_200] {strides = array<i32>} : memref<16x4112xi32, #tpu.memory_space<vmem>>, vector<16xi32>,
      tpu.vector_store %arg12[%swap3A_199, %swap3A_200], %broadcast_in_dim3A_2 {strides = array<i32>} : memref<16x4112xi32, #tpu.memory_space<vmem>>, vector<16xi32>,
      %swap3A_202 = arith.constant 15 : i32
      %swap3A_203 = arith.index_cast %swap3A_202 : i32 to index
      %swap3A_204 = arith.index_cast %multiple_of3A : i32 to index
      %swap3A_205 = tpu.vector_load %arg12[%swap3A_203, %swap3A_204] {strides = array<i32>} : memref<16x4112xi32, #tpu.memory_space<vmem>>, vector<16xi32>,
      tpu.vector_store %arg12[%swap3A_203, %swap3A_204], %broadcast_in_dim3A_2 {strides = array<i32>} : memref<16x4112xi32, #tpu.memory_space<vmem>>, vector<16xi32>,
      %scan3A_206 = arith.constant 1 : i32
      %scan3A_207 = arith.addi %scan3A_136, %scan3A_206 : i32
      %mul3A_208 = arith.constant 1 : i32
      %mul3A_209 = arith.muli %scan3A_207, %mul3A_208 : i32
      %add3A_210 = arith.constant 0 : i32
      %add3A_211 = arith.addi %add3A_210, %mul3A_209 : i32
      %mul3A_212 = arith.constant 16 : i32
      %mul3A_213 = arith.muli %add3A_211, %mul3A_212 : i32
      %multiple_of3A_214 = tpu.assume_multiple %mul3A_213, 16 : i32
      %swap3A_215 = arith.constant 0 : i32
      %swap3A_216 = arith.index_cast %swap3A_215 : i32 to index
      %swap3A_217 = arith.index_cast %multiple_of3A_214 : i32 to index
      %swap3A_218 = tpu.vector_load %arg12[%swap3A_216, %swap3A_217] {strides = array<i32>} : memref<16x4112xi32, #tpu.memory_space<vmem>>, vector<16xi32>,
      tpu.vector_store %arg12[%swap3A_216, %swap3A_217], %broadcast_in_dim3A_2 {strides = array<i32>} : memref<16x4112xi32, #tpu.memory_space<vmem>>, vector<16xi32>,
      %swap3A_219 = arith.constant 1 : i32
      %swap3A_220 = arith.index_cast %swap3A_219 : i32 to index
      %swap3A_221 = arith.index_cast %multiple_of3A_214 : i32 to index
      %swap3A_222 = tpu.vector_load %arg12[%swap3A_220, %swap3A_221] {strides = array<i32>} : memref<16x4112xi32, #tpu.memory_space<vmem>>, vector<16xi32>,
      tpu.vector_store %arg12[%swap3A_220, %swap3A_221], %broadcast_in_dim3A_2 {strides = array<i32>} : memref<16x4112xi32, #tpu.memory_space<vmem>>, vector<16xi32>,
      %swap3A_223 = arith.constant 2 : i32
      %swap3A_224 = arith.index_cast %swap3A_223 : i32 to index
      %swap3A_225 = arith.index_cast %multiple_of3A_214 : i32 to index
      %swap3A_226 = tpu.vector_load %arg12[%swap3A_224, %swap3A_225] {strides = array<i32>} : memref<16x4112xi32, #tpu.memory_space<vmem>>, vector<16xi32>,
      tpu.vector_store %arg12[%swap3A_224, %swap3A_225], %broadcast_in_dim3A_2 {strides = array<i32>} : memref<16x4112xi32, #tpu.memory_space<vmem>>, vector<16xi32>,
      %swap3A_227 = arith.constant 3 : i32
      %swap3A_228 = arith.index_cast %swap3A_227 : i32 to index
      %swap3A_229 = arith.index_cast %multiple_of3A_214 : i32 to index
      %swap3A_230 = tpu.vector_load %arg12[%swap3A_228, %swap3A_229] {strides = array<i32>} : memref<16x4112xi32, #tpu.memory_space<vmem>>, vector<16xi32>,
      tpu.vector_store %arg12[%swap3A_228, %swap3A_229], %broadcast_in_dim3A_2 {strides = array<i32>} : memref<16x4112xi32, #tpu.memory_space<vmem>>, vector<16xi32>,
      %swap3A_231 = arith.constant 4 : i32
      %swap3A_232 = arith.index_cast %swap3A_231 : i32 to index
      %swap3A_233 = arith.index_cast %multiple_of3A_214 : i32 to index
      %swap3A_234 = tpu.vector_load %arg12[%swap3A_232, %swap3A_233] {strides = array<i32>} : memref<16x4112xi32, #tpu.memory_space<vmem>>, vector<16xi32>,
      tpu.vector_store %arg12[%swap3A_232, %swap3A_233], %broadcast_in_dim3A_2 {strides = array<i32>} : memref<16x4112xi32, #tpu.memory_space<vmem>>, vector<16xi32>,
      %swap3A_235 = arith.constant 5 : i32
      %swap3A_236 = arith.index_cast %swap3A_235 : i32 to index
      %swap3A_237 = arith.index_cast %multiple_of3A_214 : i32 to index
      %swap3A_238 = tpu.vector_load %arg12[%swap3A_236, %swap3A_237] {strides = array<i32>} : memref<16x4112xi32, #tpu.memory_space<vmem>>, vector<16xi32>,
      tpu.vector_store %arg12[%swap3A_236, %swap3A_237], %broadcast_in_dim3A_2 {strides = array<i32>} : memref<16x4112xi32, #tpu.memory_space<vmem>>, vector<16xi32>,
      %swap3A_239 = arith.constant 6 : i32
      %swap3A_240 = arith.index_cast %swap3A_239 : i32 to index
      %swap3A_241 = arith.index_cast %multiple_of3A_214 : i32 to index
      %swap3A_242 = tpu.vector_load %arg12[%swap3A_240, %swap3A_241] {strides = array<i32>} : memref<16x4112xi32, #tpu.memory_space<vmem>>, vector<16xi32>,
      tpu.vector_store %arg12[%swap3A_240, %swap3A_241], %broadcast_in_dim3A_2 {strides = array<i32>} : memref<16x4112xi32, #tpu.memory_space<vmem>>, vector<16xi32>,
      %swap3A_243 = arith.constant 7 : i32
      %swap3A_244 = arith.index_cast %swap3A_243 : i32 to index
      %swap3A_245 = arith.index_cast %multiple_of3A_214 : i32 to index
      %swap3A_246 = tpu.vector_load %arg12[%swap3A_244, %swap3A_245] {strides = array<i32>} : memref<16x4112xi32, #tpu.memory_space<vmem>>, vector<16xi32>,
      tpu.vector_store %arg12[%swap3A_244, %swap3A_245], %broadcast_in_dim3A_2 {strides = array<i32>} : memref<16x4112xi32, #tpu.memory_space<vmem>>, vector<16xi32>,
      %swap3A_247 = arith.constant 8 : i32
      %swap3A_248 = arith.index_cast %swap3A_247 : i32 to index
      %swap3A_249 = arith.index_cast %multiple_of3A_214 : i32 to index
      %swap3A_250 = tpu.vector_load %arg12[%swap3A_248, %swap3A_249] {strides = array<i32>} : memref<16x4112xi32, #tpu.memory_space<vmem>>, vector<16xi32>,
      tpu.vector_store %arg12[%swap3A_248, %swap3A_249], %broadcast_in_dim3A_2 {strides = array<i32>} : memref<16x4112xi32, #tpu.memory_space<vmem>>, vector<16xi32>,
      %swap3A_251 = arith.constant 9 : i32
      %swap3A_252 = arith.index_cast %swap3A_251 : i32 to index
      %swap3A_253 = arith.index_cast %multiple_of3A_214 : i32 to index
      %swap3A_254 = tpu.vector_load %arg12[%swap3A_252, %swap3A_253] {strides = array<i32>} : memref<16x4112xi32, #tpu.memory_space<vmem>>, vector<16xi32>,
      tpu.vector_store %arg12[%swap3A_252, %swap3A_253], %broadcast_in_dim3A_2 {strides = array<i32>} : memref<16x4112xi32, #tpu.memory_space<vmem>>, vector<16xi32>,
      %swap3A_255 = arith.constant 10 : i32
      %swap3A_256 = arith.index_cast %swap3A_255 : i32 to index
      %swap3A_257 = arith.index_cast %multiple_of3A_214 : i32 to index
      %swap3A_258 = tpu.vector_load %arg12[%swap3A_256, %swap3A_257] {strides = array<i32>} : memref<16x4112xi32, #tpu.memory_space<vmem>>, vector<16xi32>,
      tpu.vector_store %arg12[%swap3A_256, %swap3A_257], %broadcast_in_dim3A_2 {strides = array<i32>} : memref<16x4112xi32, #tpu.memory_space<vmem>>, vector<16xi32>,
      %swap3A_259 = arith.constant 11 : i32
      %swap3A_260 = arith.index_cast %swap3A_259 : i32 to index
      %swap3A_261 = arith.index_cast %multiple_of3A_214 : i32 to index
      %swap3A_262 = tpu.vector_load %arg12[%swap3A_260, %swap3A_261] {strides = array<i32>} : memref<16x4112xi32, #tpu.memory_space<vmem>>, vector<16xi32>,
      tpu.vector_store %arg12[%swap3A_260, %swap3A_261], %broadcast_in_dim3A_2 {strides = array<i32>} : memref<16x4112xi32, #tpu.memory_space<vmem>>, vector<16xi32>,
      %swap3A_263 = arith.constant 12 : i32
      %swap3A_264 = arith.index_cast %swap3A_263 : i32 to index
      %swap3A_265 = arith.index_cast %multiple_of3A_214 : i32 to index
      %swap3A_266 = tpu.vector_load %arg12[%swap3A_264, %swap3A_265] {strides = array<i32>} : memref<16x4112xi32, #tpu.memory_space<vmem>>, vector<16xi32>,
      tpu.vector_store %arg12[%swap3A_264, %swap3A_265], %broadcast_in_dim3A_2 {strides = array<i32>} : memref<16x4112xi32, #tpu.memory_space<vmem>>, vector<16xi32>,
      %swap3A_267 = arith.constant 13 : i32
      %swap3A_268 = arith.index_cast %swap3A_267 : i32 to index
      %swap3A_269 = arith.index_cast %multiple_of3A_214 : i32 to index
      %swap3A_270 = tpu.vector_load %arg12[%swap3A_268, %swap3A_269] {strides = array<i32>} : memref<16x4112xi32, #tpu.memory_space<vmem>>, vector<16xi32>,
      tpu.vector_store %arg12[%swap3A_268, %swap3A_269], %broadcast_in_dim3A_2 {strides = array<i32>} : memref<16x4112xi32, #tpu.memory_space<vmem>>, vector<16xi32>,
      %swap3A_271 = arith.constant 14 : i32
      %swap3A_272 = arith.index_cast %swap3A_271 : i32 to index
      %swap3A_273 = arith.index_cast %multiple_of3A_214 : i32 to index
      %swap3A_274 = tpu.vector_load %arg12[%swap3A_272, %swap3A_273] {strides = array<i32>} : memref<16x4112xi32, #tpu.memory_space<vmem>>, vector<16xi32>,
      tpu.vector_store %arg12[%swap3A_272, %swap3A_273], %broadcast_in_dim3A_2 {strides = array<i32>} : memref<16x4112xi32, #tpu.memory_space<vmem>>, vector<16xi32>,
      %swap3A_275 = arith.constant 15 : i32
      %swap3A_276 = arith.index_cast %swap3A_275 : i32 to index
      %swap3A_277 = arith.index_cast %multiple_of3A_214 : i32 to index
      %swap3A_278 = tpu.vector_load %arg12[%swap3A_276, %swap3A_277] {strides = array<i32>} : memref<16x4112xi32, #tpu.memory_space<vmem>>, vector<16xi32>,
      tpu.vector_store %arg12[%swap3A_276, %swap3A_277], %broadcast_in_dim3A_2 {strides = array<i32>} : memref<16x4112xi32, #tpu.memory_space<vmem>>, vector<16xi32>,
      %scan3A_279 = arith.constant 2 : i32
      %scan3A_280 = arith.addi %scan3A_136, %scan3A_279 : i32
      %mul3A_281 = arith.constant 1 : i32
      %mul3A_282 = arith.muli %scan3A_280, %mul3A_281 : i32
      %add3A_283 = arith.constant 0 : i32
      %add3A_284 = arith.addi %add3A_283, %mul3A_282 : i32
      %mul3A_285 = arith.constant 16 : i32
      %mul3A_286 = arith.muli %add3A_284, %mul3A_285 : i32
      %multiple_of3A_287 = tpu.assume_multiple %mul3A_286, 16 : i32
      %swap3A_288 = arith.constant 0 : i32
      %swap3A_289 = arith.index_cast %swap3A_288 : i32 to index
      %swap3A_290 = arith.index_cast %multiple_of3A_287 : i32 to index
      %swap3A_291 = tpu.vector_load %arg12[%swap3A_289, %swap3A_290] {strides = array<i32>} : memref<16x4112xi32, #tpu.memory_space<vmem>>, vector<16xi32>,
      tpu.vector_store %arg12[%swap3A_289, %swap3A_290], %broadcast_in_dim3A_2 {strides = array<i32>} : memref<16x4112xi32, #tpu.memory_space<vmem>>, vector<16xi32>,
      %swap3A_292 = arith.constant 1 : i32
      %swap3A_293 = arith.index_cast %swap3A_292 : i32 to index
      %swap3A_294 = arith.index_cast %multiple_of3A_287 : i32 to index
      %swap3A_295 = tpu.vector_load %arg12[%swap3A_293, %swap3A_294] {strides = array<i32>} : memref<16x4112xi32, #tpu.memory_space<vmem>>, vector<16xi32>,
      tpu.vector_store %arg12[%swap3A_293, %swap3A_294], %broadcast_in_dim3A_2 {strides = array<i32>} : memref<16x4112xi32, #tpu.memory_space<vmem>>, vector<16xi32>,
      %swap3A_296 = arith.constant 2 : i32
      %swap3A_297 = arith.index_cast %swap3A_296 : i32 to index
      %swap3A_298 = arith.index_cast %multiple_of3A_287 : i32 to index
      %swap3A_299 = tpu.vector_load %arg12[%swap3A_297, %swap3A_298] {strides = array<i32>} : memref<16x4112xi32, #tpu.memory_space<vmem>>, vector<16xi32>,
      tpu.vector_store %arg12[%swap3A_297, %swap3A_298], %broadcast_in_dim3A_2 {strides = array<i32>} : memref<16x4112xi32, #tpu.memory_space<vmem>>, vector<16xi32>,
      %swap3A_300 = arith.constant 3 : i32
      %swap3A_301 = arith.index_cast %swap3A_300 : i32 to index
      %swap3A_302 = arith.index_cast %multiple_of3A_287 : i32 to index
      %swap3A_303 = tpu.vector_load %arg12[%swap3A_301, %swap3A_302] {strides = array<i32>} : memref<16x4112xi32, #tpu.memory_space<vmem>>, vector<16xi32>,
      tpu.vector_store %arg12[%swap3A_301, %swap3A_302], %broadcast_in_dim3A_2 {strides = array<i32>} : memref<16x4112xi32, #tpu.memory_space<vmem>>, vector<16xi32>,
      %swap3A_304 = arith.constant 4 : i32
      %swap3A_305 = arith.index_cast %swap3A_304 : i32 to index
      %swap3A_306 = arith.index_cast %multiple_of3A_287 : i32 to index
      %swap3A_307 = tpu.vector_load %arg12[%swap3A_305, %swap3A_306] {strides = array<i32>} : memref<16x4112xi32, #tpu.memory_space<vmem>>, vector<16xi32>,
      tpu.vector_store %arg12[%swap3A_305, %swap3A_306], %broadcast_in_dim3A_2 {strides = array<i32>} : memref<16x4112xi32, #tpu.memory_space<vmem>>, vector<16xi32>,
      %swap3A_308 = arith.constant 5 : i32
      %swap3A_309 = arith.index_cast %swap3A_308 : i32 to index
      %swap3A_310 = arith.index_cast %multiple_of3A_287 : i32 to index
      %swap3A_311 = tpu.vector_load %arg12[%swap3A_309, %swap3A_310] {strides = array<i32>} : memref<16x4112xi32, #tpu.memory_space<vmem>>, vector<16xi32>,
      tpu.vector_store %arg12[%swap3A_309, %swap3A_310], %broadcast_in_dim3A_2 {strides = array<i32>} : memref<16x4112xi32, #tpu.memory_space<vmem>>, vector<16xi32>,
      %swap3A_312 = arith.constant 6 : i32
      %swap3A_313 = arith.index_cast %swap3A_312 : i32 to index
      %swap3A_314 = arith.index_cast %multiple_of3A_287 : i32 to index
      %swap3A_315 = tpu.vector_load %arg12[%swap3A_313, %swap3A_314] {strides = array<i32>} : memref<16x4112xi32, #tpu.memory_space<vmem>>, vector<16xi32>,
      tpu.vector_store %arg12[%swap3A_313, %swap3A_314], %broadcast_in_dim3A_2 {strides = array<i32>} : memref<16x4112xi32, #tpu.memory_space<vmem>>, vector<16xi32>,
      %swap3A_316 = arith.constant 7 : i32
      %swap3A_317 = arith.index_cast %swap3A_316 : i32 to index
      %swap3A_318 = arith.index_cast %multiple_of3A_287 : i32 to index
      %swap3A_319 = tpu.vector_load %arg12[%swap3A_317, %swap3A_318] {strides = array<i32>} : memref<16x4112xi32, #tpu.memory_space<vmem>>, vector<16xi32>,
      tpu.vector_store %arg12[%swap3A_317, %swap3A_318], %broadcast_in_dim3A_2 {strides = array<i32>} : memref<16x4112xi32, #tpu.memory_space<vmem>>, vector<16xi32>,
      %swap3A_320 = arith.constant 8 : i32
      %swap3A_321 = arith.index_cast %swap3A_320 : i32 to index
      %swap3A_322 = arith.index_cast %multiple_of3A_287 : i32 to index
      %swap3A_323 = tpu.vector_load %arg12[%swap3A_321, %swap3A_322] {strides = array<i32>} : memref<16x4112xi32, #tpu.memory_space<vmem>>, vector<16xi32>,
      tpu.vector_store %arg12[%swap3A_321, %swap3A_322], %broadcast_in_dim3A_2 {strides = array<i32>} : memref<16x4112xi32, #tpu.memory_space<vmem>>, vector<16xi32>,
      %swap3A_324 = arith.constant 9 : i32
      %swap3A_325 = arith.index_cast %swap3A_324 : i32 to index
      %swap3A_326 = arith.index_cast %multiple_of3A_287 : i32 to index
      %swap3A_327 = tpu.vector_load %arg12[%swap3A_325, %swap3A_326] {strides = array<i32>} : memref<16x4112xi32, #tpu.memory_space<vmem>>, vector<16xi32>,
      tpu.vector_store %arg12[%swap3A_325, %swap3A_326], %broadcast_in_dim3A_2 {strides = array<i32>} : memref<16x4112xi32, #tpu.memory_space<vmem>>, vector<16xi32>,
      %swap3A_328 = arith.constant 10 : i32
      %swap3A_329 = arith.index_cast %swap3A_328 : i32 to index
      %swap3A_330 = arith.index_cast %multiple_of3A_287 : i32 to index
      %swap3A_331 = tpu.vector_load %arg12[%swap3A_329, %swap3A_330] {strides = array<i32>} : memref<16x4112xi32, #tpu.memory_space<vmem>>, vector<16xi32>,
      tpu.vector_store %arg12[%swap3A_329, %swap3A_330], %broadcast_in_dim3A_2 {strides = array<i32>} : memref<16x4112xi32, #tpu.memory_space<vmem>>, vector<16xi32>,
      %swap3A_332 = arith.constant 11 : i32
      %swap3A_333 = arith.index_cast %swap3A_332 : i32 to index
      %swap3A_334 = arith.index_cast %multiple_of3A_287 : i32 to index
      %swap3A_335 = tpu.vector_load %arg12[%swap3A_333, %swap3A_334] {strides = array<i32>} : memref<16x4112xi32, #tpu.memory_space<vmem>>, vector<16xi32>,
      tpu.vector_store %arg12[%swap3A_333, %swap3A_334], %broadcast_in_dim3A_2 {strides = array<i32>} : memref<16x4112xi32, #tpu.memory_space<vmem>>, vector<16xi32>,
      %swap3A_336 = arith.constant 12 : i32
      %swap3A_337 = arith.index_cast %swap3A_336 : i32 to index
      %swap3A_338 = arith.index_cast %multiple_of3A_287 : i32 to index
      %swap3A_339 = tpu.vector_load %arg12[%swap3A_337, %swap3A_338] {strides = array<i32>} : memref<16x4112xi32, #tpu.memory_space<vmem>>, vector<16xi32>,
      tpu.vector_store %arg12[%swap3A_337, %swap3A_338], %broadcast_in_dim3A_2 {strides = array<i32>} : memref<16x4112xi32, #tpu.memory_space<vmem>>, vector<16xi32>,
      %swap3A_340 = arith.constant 13 : i32
      %swap3A_341 = arith.index_cast %swap3A_340 : i32 to index
      %swap3A_342 = arith.index_cast %multiple_of3A_287 : i32 to index
      %swap3A_343 = tpu.vector_load %arg12[%swap3A_341, %swap3A_342] {strides = array<i32>} : memref<16x4112xi32, #tpu.memory_space<vmem>>, vector<16xi32>,
      tpu.vector_store %arg12[%swap3A_341, %swap3A_342], %broadcast_in_dim3A_2 {strides = array<i32>} : memref<16x4112xi32, #tpu.memory_space<vmem>>, vector<16xi32>,
      %swap3A_344 = arith.constant 14 : i32
      %swap3A_345 = arith.index_cast %swap3A_344 : i32 to index
      %swap3A_346 = arith.index_cast %multiple_of3A_287 : i32 to index
      %swap3A_347 = tpu.vector_load %arg12[%swap3A_345, %swap3A_346] {strides = array<i32>} : memref<16x4112xi32, #tpu.memory_space<vmem>>, vector<16xi32>,
      tpu.vector_store %arg12[%swap3A_345, %swap3A_346], %broadcast_in_dim3A_2 {strides = array<i32>} : memref<16x4112xi32, #tpu.memory_space<vmem>>, vector<16xi32>,
      %swap3A_348 = arith.constant 15 : i32
      %swap3A_349 = arith.index_cast %swap3A_348 : i32 to index
      %swap3A_350 = arith.index_cast %multiple_of3A_287 : i32 to index
      %swap3A_351 = tpu.vector_load %arg12[%swap3A_349, %swap3A_350] {strides = array<i32>} : memref<16x4112xi32, #tpu.memory_space<vmem>>, vector<16xi32>,
      tpu.vector_store %arg12[%swap3A_349, %swap3A_350], %broadcast_in_dim3A_2 {strides = array<i32>} : memref<16x4112xi32, #tpu.memory_space<vmem>>, vector<16xi32>,
      %scan3A_352 = arith.constant 3 : i32
      %scan3A_353 = arith.addi %scan3A_136, %scan3A_352 : i32
      %mul3A_354 = arith.constant 1 : i32
      %mul3A_355 = arith.muli %scan3A_353, %mul3A_354 : i32
      %add3A_356 = arith.constant 0 : i32
      %add3A_357 = arith.addi %add3A_356, %mul3A_355 : i32
      %mul3A_358 = arith.constant 16 : i32
      %mul3A_359 = arith.muli %add3A_357, %mul3A_358 : i32
      %multiple_of3A_360 = tpu.assume_multiple %mul3A_359, 16 : i32
      %swap3A_361 = arith.constant 0 : i32
      %swap3A_362 = arith.index_cast %swap3A_361 : i32 to index
      %swap3A_363 = arith.index_cast %multiple_of3A_360 : i32 to index
      %swap3A_364 = tpu.vector_load %arg12[%swap3A_362, %swap3A_363] {strides = array<i32>} : memref<16x4112xi32, #tpu.memory_space<vmem>>, vector<16xi32>,
      tpu.vector_store %arg12[%swap3A_362, %swap3A_363], %broadcast_in_dim3A_2 {strides = array<i32>} : memref<16x4112xi32, #tpu.memory_space<vmem>>, vector<16xi32>,
      %swap3A_365 = arith.constant 1 : i32
      %swap3A_366 = arith.index_cast %swap3A_365 : i32 to index
      %swap3A_367 = arith.index_cast %multiple_of3A_360 : i32 to index
      %swap3A_368 = tpu.vector_load %arg12[%swap3A_366, %swap3A_367] {strides = array<i32>} : memref<16x4112xi32, #tpu.memory_space<vmem>>, vector<16xi32>,
      tpu.vector_store %arg12[%swap3A_366, %swap3A_367], %broadcast_in_dim3A_2 {strides = array<i32>} : memref<16x4112xi32, #tpu.memory_space<vmem>>, vector<16xi32>,
      %swap3A_369 = arith.constant 2 : i32
      %swap3A_370 = arith.index_cast %swap3A_369 : i32 to index
      %swap3A_371 = arith.index_cast %multiple_of3A_360 : i32 to index
      %swap3A_372 = tpu.vector_load %arg12[%swap3A_370, %swap3A_371] {strides = array<i32>} : memref<16x4112xi32, #tpu.memory_space<vmem>>, vector<16xi32>,
      tpu.vector_store %arg12[%swap3A_370, %swap3A_371], %broadcast_in_dim3A_2 {strides = array<i32>} : memref<16x4112xi32, #tpu.memory_space<vmem>>, vector<16xi32>,
      %swap3A_373 = arith.constant 3 : i32
      %swap3A_374 = arith.index_cast %swap3A_373 : i32 to index
      %swap3A_375 = arith.index_cast %multiple_of3A_360 : i32 to index
      %swap3A_376 = tpu.vector_load %arg12[%swap3A_374, %swap3A_375] {strides = array<i32>} : memref<16x4112xi32, #tpu.memory_space<vmem>>, vector<16xi32>,
      tpu.vector_store %arg12[%swap3A_374, %swap3A_375], %broadcast_in_dim3A_2 {strides = array<i32>} : memref<16x4112xi32, #tpu.memory_space<vmem>>, vector<16xi32>,
      %swap3A_377 = arith.constant 4 : i32
      %swap3A_378 = arith.index_cast %swap3A_377 : i32 to index
      %swap3A_379 = arith.index_cast %multiple_of3A_360 : i32 to index
      %swap3A_380 = tpu.vector_load %arg12[%swap3A_378, %swap3A_379] {strides = array<i32>} : memref<16x4112xi32, #tpu.memory_space<vmem>>, vector<16xi32>,
      tpu.vector_store %arg12[%swap3A_378, %swap3A_379], %broadcast_in_dim3A_2 {strides = array<i32>} : memref<16x4112xi32, #tpu.memory_space<vmem>>, vector<16xi32>,
      %swap3A_381 = arith.constant 5 : i32
      %swap3A_382 = arith.index_cast %swap3A_381 : i32 to index
      %swap3A_383 = arith.index_cast %multiple_of3A_360 : i32 to index
      %swap3A_384 = tpu.vector_load %arg12[%swap3A_382, %swap3A_383] {strides = array<i32>} : memref<16x4112xi32, #tpu.memory_space<vmem>>, vector<16xi32>,
      tpu.vector_store %arg12[%swap3A_382, %swap3A_383], %broadcast_in_dim3A_2 {strides = array<i32>} : memref<16x4112xi32, #tpu.memory_space<vmem>>, vector<16xi32>,
      %swap3A_385 = arith.constant 6 : i32
      %swap3A_386 = arith.index_cast %swap3A_385 : i32 to index
      %swap3A_387 = arith.index_cast %multiple_of3A_360 : i32 to index
      %swap3A_388 = tpu.vector_load %arg12[%swap3A_386, %swap3A_387] {strides = array<i32>} : memref<16x4112xi32, #tpu.memory_space<vmem>>, vector<16xi32>,
      tpu.vector_store %arg12[%swap3A_386, %swap3A_387], %broadcast_in_dim3A_2 {strides = array<i32>} : memref<16x4112xi32, #tpu.memory_space<vmem>>, vector<16xi32>,
      %swap3A_389 = arith.constant 7 : i32
      %swap3A_390 = arith.index_cast %swap3A_389 : i32 to index
      %swap3A_391 = arith.index_cast %multiple_of3A_360 : i32 to index
      %swap3A_392 = tpu.vector_load %arg12[%swap3A_390, %swap3A_391] {strides = array<i32>} : memref<16x4112xi32, #tpu.memory_space<vmem>>, vector<16xi32>,
      tpu.vector_store %arg12[%swap3A_390, %swap3A_391], %broadcast_in_dim3A_2 {strides = array<i32>} : memref<16x4112xi32, #tpu.memory_space<vmem>>, vector<16xi32>,
      %swap3A_393 = arith.constant 8 : i32
      %swap3A_394 = arith.index_cast %swap3A_393 : i32 to index
      %swap3A_395 = arith.index_cast %multiple_of3A_360 : i32 to index
      %swap3A_396 = tpu.vector_load %arg12[%swap3A_394, %swap3A_395] {strides = array<i32>} : memref<16x4112xi32, #tpu.memory_space<vmem>>, vector<16xi32>,
      tpu.vector_store %arg12[%swap3A_394, %swap3A_395], %broadcast_in_dim3A_2 {strides = array<i32>} : memref<16x4112xi32, #tpu.memory_space<vmem>>, vector<16xi32>,
      %swap3A_397 = arith.constant 9 : i32
      %swap3A_398 = arith.index_cast %swap3A_397 : i32 to index
      %swap3A_399 = arith.index_cast %multiple_of3A_360 : i32 to index
      %swap3A_400 = tpu.vector_load %arg12[%swap3A_398, %swap3A_399] {strides = array<i32>} : memref<16x4112xi32, #tpu.memory_space<vmem>>, vector<16xi32>,
      tpu.vector_store %arg12[%swap3A_398, %swap3A_399], %broadcast_in_dim3A_2 {strides = array<i32>} : memref<16x4112xi32, #tpu.memory_space<vmem>>, vector<16xi32>,
      %swap3A_401 = arith.constant 10 : i32
      %swap3A_402 = arith.index_cast %swap3A_401 : i32 to index
      %swap3A_403 = arith.index_cast %multiple_of3A_360 : i32 to index
      %swap3A_404 = tpu.vector_load %arg12[%swap3A_402, %swap3A_403] {strides = array<i32>} : memref<16x4112xi32, #tpu.memory_space<vmem>>, vector<16xi32>,
      tpu.vector_store %arg12[%swap3A_402, %swap3A_403], %broadcast_in_dim3A_2 {strides = array<i32>} : memref<16x4112xi32, #tpu.memory_space<vmem>>, vector<16xi32>,
      %swap3A_405 = arith.constant 11 : i32
      %swap3A_406 = arith.index_cast %swap3A_405 : i32 to index
      %swap3A_407 = arith.index_cast %multiple_of3A_360 : i32 to index
      %swap3A_408 = tpu.vector_load %arg12[%swap3A_406, %swap3A_407] {strides = array<i32>} : memref<16x4112xi32, #tpu.memory_space<vmem>>, vector<16xi32>,
      tpu.vector_store %arg12[%swap3A_406, %swap3A_407], %broadcast_in_dim3A_2 {strides = array<i32>} : memref<16x4112xi32, #tpu.memory_space<vmem>>, vector<16xi32>,
      %swap3A_409 = arith.constant 12 : i32
      %swap3A_410 = arith.index_cast %swap3A_409 : i32 to index
      %swap3A_411 = arith.index_cast %multiple_of3A_360 : i32 to index
      %swap3A_412 = tpu.vector_load %arg12[%swap3A_410, %swap3A_411] {strides = array<i32>} : memref<16x4112xi32, #tpu.memory_space<vmem>>, vector<16xi32>,
      tpu.vector_store %arg12[%swap3A_410, %swap3A_411], %broadcast_in_dim3A_2 {strides = array<i32>} : memref<16x4112xi32, #tpu.memory_space<vmem>>, vector<16xi32>,
      %swap3A_413 = arith.constant 13 : i32
      %swap3A_414 = arith.index_cast %swap3A_413 : i32 to index
      %swap3A_415 = arith.index_cast %multiple_of3A_360 : i32 to index
      %swap3A_416 = tpu.vector_load %arg12[%swap3A_414, %swap3A_415] {strides = array<i32>} : memref<16x4112xi32, #tpu.memory_space<vmem>>, vector<16xi32>,
      tpu.vector_store %arg12[%swap3A_414, %swap3A_415], %broadcast_in_dim3A_2 {strides = array<i32>} : memref<16x4112xi32, #tpu.memory_space<vmem>>, vector<16xi32>,
      %swap3A_417 = arith.constant 14 : i32
      %swap3A_418 = arith.index_cast %swap3A_417 : i32 to index
      %swap3A_419 = arith.index_cast %multiple_of3A_360 : i32 to index
      %swap3A_420 = tpu.vector_load %arg12[%swap3A_418, %swap3A_419] {strides = array<i32>} : memref<16x4112xi32, #tpu.memory_space<vmem>>, vector<16xi32>,
      tpu.vector_store %arg12[%swap3A_418, %swap3A_419], %broadcast_in_dim3A_2 {strides = array<i32>} : memref<16x4112xi32, #tpu.memory_space<vmem>>, vector<16xi32>,
      %swap3A_421 = arith.constant 15 : i32
      %swap3A_422 = arith.index_cast %swap3A_421 : i32 to index
      %swap3A_423 = arith.index_cast %multiple_of3A_360 : i32 to index
      %swap3A_424 = tpu.vector_load %arg12[%swap3A_422, %swap3A_423] {strides = array<i32>} : memref<16x4112xi32, #tpu.memory_space<vmem>>, vector<16xi32>,
      tpu.vector_store %arg12[%swap3A_422, %swap3A_423], %broadcast_in_dim3A_2 {strides = array<i32>} : memref<16x4112xi32, #tpu.memory_space<vmem>>, vector<16xi32>,
    }
    %scan3A_64 = arith.constant 256 : i32
    %eq3A = arith.constant 0 : i32
    %eq3A_65 = arith.cmpi eq, %arg1, %eq3A : i32
    %convert_element_type3A_66 = arith.extui %eq3A_65 : i1 to i32
    %cond3A_67 = arith.constant 0 : i32
    %cond3A_68 = arith.cmpi ne, %convert_element_type3A_66, %cond3A_67 : i32
    scf.if %cond3A_68 {
      %scan3A_136 = arith.constant 0 : i32
      %scan3A_137 = arith.constant 32 : i32
      %scan3A_138 = arith.addi %scan3A_136, %scan3A_137 : i32
      %scan3A_139 = arith.constant 1 : i32
      scf.for %scan3A_141 = %scan3A_136 to %scan3A_138 step %scan3A_139  : i32 {
        %mul3A = arith.constant 1 : i32
        %mul3A_142 = arith.muli %scan3A_141, %mul3A : i32
        %add3A_143 = arith.constant 0 : i32
        %add3A_144 = arith.addi %add3A_143, %mul3A_142 : i32
        %scan3A_145 = arith.constant 0 : i32
        %scan3A_146 = arith.constant 8 : i32
        %scan3A_147 = arith.addi %scan3A_145, %scan3A_146 : i32
        %scan3A_148 = arith.constant 1 : i32
        scf.for %scan3A_150 = %scan3A_145 to %scan3A_147 step %scan3A_148  : i32 {
          %mul3A_151 = arith.constant 1 : i32
          %mul3A_152 = arith.muli %scan3A_150, %mul3A_151 : i32
          %add3A_153 = arith.constant 0 : i32
          %add3A_154 = arith.addi %add3A_153, %mul3A_152 : i32
          %mul3A_155 = arith.constant 16 : i32
          %mul3A_156 = arith.muli %add3A_154, %mul3A_155 : i32
          %multiple_of3A = tpu.assume_multiple %mul3A_156, 16 : i32
          %swap3A_157 = arith.index_cast %add3A_144 : i32 to index
          %swap3A_158 = arith.index_cast %multiple_of3A : i32 to index
          %swap3A_159 = tpu.vector_load %arg13[%swap3A_157, %swap3A_158] {strides = array<i32>} : memref<32x128xi32, #tpu.memory_space<vmem>>, vector<16xi32>,
          tpu.vector_store %arg13[%swap3A_157, %swap3A_158], %broadcast_in_dim3A_2 {strides = array<i32>} : memref<32x128xi32, #tpu.memory_space<vmem>>, vector<16xi32>,
        }
        %scan3A_149 = arith.constant 8 : i32
      }
      %scan3A_140 = arith.constant 32 : i32
      "tpu.region"() ({
        %run_scoped3A = tpu.sem_alloc : memref<!tpu.dma_semaphore, #tpu.memory_space<semaphore_mem>>
        tpu.enqueue_dma source(%arg13 : memref<32x128xi32, #tpu.memory_space<vmem>>) target(%arg15 : memref<32x128xi32, #tpu.memory_space<vmem_shared>>) target_semaphore(%run_scoped3A : memref<!tpu.dma_semaphore, #tpu.memory_space<semaphore_mem>>)
        tpu.wait_dma2 semaphore(%run_scoped3A : memref<!tpu.dma_semaphore, #tpu.memory_space<semaphore_mem>>) src(%arg13 : memref<32x128xi32, #tpu.memory_space<vmem>>) dst(%arg15 : memref<32x128xi32, #tpu.memory_space<vmem_shared>>)
        tpu.yield
      }) : () -> ()
    } else {
    }
    %barrier3A = arith.constant 0 : index
    tpu.barrier barrier_id(%barrier3A)
    %add3A_69 = arith.constant 0 : i32
    %add3A_70 = arith.addi %arg1, %add3A_69 : i32
    %lt3A_71 = arith.constant 125 : i32
    %lt3A_72 = arith.cmpi slt, %add3A_70, %lt3A_71 : i32
    %convert_element_type3A_73 = arith.extui %lt3A_72 : i1 to i32
    %cond3A_74 = arith.constant 0 : i32
    %cond3A_75 = arith.cmpi ne, %convert_element_type3A_73, %cond3A_74 : i32
    scf.if %cond3A_75 {
      %mul3A = arith.constant 4000 : i32
      %mul3A_136 = arith.muli %add3A_70, %mul3A : i32
      %multiple_of3A = tpu.assume_multiple %mul3A_136, 4000 : i32
      %mul3A_137 = arith.constant 500000 : i32
      %mul3A_138 = arith.muli %arg0, %mul3A_137 : i32
      %add3A_139 = arith.addi %mul3A_138, %multiple_of3A : i32
      %dma_wait3A = tpu.memref_slice %arg2[%add3A_139] : memref<1000000xf32, #tpu.memory_space<hbm>> -> memref<4000xf32, #tpu.memory_space<hbm>>
      %dma_wait3A_140 = tpu.memref_slice %arg2[%add3A_139] : memref<1000000xf32, #tpu.memory_space<hbm>> -> memref<4000xf32, #tpu.memory_space<hbm>>
      tpu.wait_dma2 semaphore(%arg16 : memref<!tpu.dma_semaphore, #tpu.memory_space<semaphore_mem>>) src(%dma_wait3A_140 : memref<4000xf32, #tpu.memory_space<hbm>>) dst(%arg4 : memref<4000xf32, #tpu.memory_space<vmem>>)
      %parallel_loop3A = arith.constant 0 : i32
      %parallel_loop3A_141 = arith.constant 4000 : i32
      %parallel_loop3A_142 = arith.constant 16 : i32
      scf.for %parallel_loop3A_143 = %parallel_loop3A to %parallel_loop3A_141 step %parallel_loop3A_142  : i32 {
        %parallel_loop3A_144 = tpu.assume_multiple %parallel_loop3A_143, 16 : i32
        %parallel_loop3A_145 = arith.index_cast %parallel_loop3A_144 : i32 to index
        %parallel_loop3A_146 = tpu.vector_load %arg4[%parallel_loop3A_145] {strides = array<i32>} : memref<4000xf32, #tpu.memory_space<vmem>>, vector<16xf32>,
        %parallel_loop3A_147 = tpu.bitcast %parallel_loop3A_146 : vector<16xf32> -> vector<16xi32>
        %parallel_loop3A_148 = arith.constant 19 : i32
        %parallel_loop3A_149 = vector.broadcast %parallel_loop3A_148 : i32 to vector<16xi32>
        %parallel_loop3A_150 = arith.shrui %parallel_loop3A_147, %parallel_loop3A_149 : vector<16xi32>
        %parallel_loop3A_151 = arith.constant 4096 : i32
        %parallel_loop3A_152 = vector.broadcast %parallel_loop3A_151 : i32 to vector<16xi32>
        %parallel_loop3A_153 = arith.minsi %parallel_loop3A_150, %parallel_loop3A_152 : vector<16xi32>
        %parallel_loop3A_154 = arith.constant 4096 : i32
        %parallel_loop3A_155 = vector.broadcast %parallel_loop3A_154 : i32 to vector<16xi32>
        %parallel_loop3A_156 = arith.cmpi slt, %parallel_loop3A_153, %parallel_loop3A_155 : vector<16xi32>
        tpu.vector_store_idx %arg12[%iota3A, %parallel_loop3A_153], %broadcast_in_dim3A_0 masked %parallel_loop3A_156 {add = true} : memref<16x4112xi32, #tpu.memory_space<vmem>>[vector<16xi32>, vector<16xi32>], vector<16xi32>, vector<16xi1>
      } {sc.loop_unroll_factor = 8 : i64, sc.parallel_access}
    } else {
    }
    %add3A_76 = arith.constant 16 : i32
    %add3A_77 = arith.addi %arg1, %add3A_76 : i32
    %lt3A_78 = arith.constant 125 : i32
    %lt3A_79 = arith.cmpi slt, %add3A_77, %lt3A_78 : i32
    %convert_element_type3A_80 = arith.extui %lt3A_79 : i1 to i32
    %cond3A_81 = arith.constant 0 : i32
    %cond3A_82 = arith.cmpi ne, %convert_element_type3A_80, %cond3A_81 : i32
    scf.if %cond3A_82 {
      %mul3A = arith.constant 4000 : i32
      %mul3A_136 = arith.muli %add3A_77, %mul3A : i32
      %multiple_of3A = tpu.assume_multiple %mul3A_136, 4000 : i32
      %mul3A_137 = arith.constant 500000 : i32
      %mul3A_138 = arith.muli %arg0, %mul3A_137 : i32
      %add3A_139 = arith.addi %mul3A_138, %multiple_of3A : i32
      %dma_wait3A = tpu.memref_slice %arg2[%add3A_139] : memref<1000000xf32, #tpu.memory_space<hbm>> -> memref<4000xf32, #tpu.memory_space<hbm>>
      %dma_wait3A_140 = tpu.memref_slice %arg2[%add3A_139] : memref<1000000xf32, #tpu.memory_space<hbm>> -> memref<4000xf32, #tpu.memory_space<hbm>>
      tpu.wait_dma2 semaphore(%arg17 : memref<!tpu.dma_semaphore, #tpu.memory_space<semaphore_mem>>) src(%dma_wait3A_140 : memref<4000xf32, #tpu.memory_space<hbm>>) dst(%arg5 : memref<4000xf32, #tpu.memory_space<vmem>>)
      %parallel_loop3A = arith.constant 0 : i32
      %parallel_loop3A_141 = arith.constant 4000 : i32
      %parallel_loop3A_142 = arith.constant 16 : i32
      scf.for %parallel_loop3A_143 = %parallel_loop3A to %parallel_loop3A_141 step %parallel_loop3A_142  : i32 {
        %parallel_loop3A_144 = tpu.assume_multiple %parallel_loop3A_143, 16 : i32
        %parallel_loop3A_145 = arith.index_cast %parallel_loop3A_144 : i32 to index
        %parallel_loop3A_146 = tpu.vector_load %arg5[%parallel_loop3A_145] {strides = array<i32>} : memref<4000xf32, #tpu.memory_space<vmem>>, vector<16xf32>,
        %parallel_loop3A_147 = tpu.bitcast %parallel_loop3A_146 : vector<16xf32> -> vector<16xi32>
        %parallel_loop3A_148 = arith.constant 19 : i32
        %parallel_loop3A_149 = vector.broadcast %parallel_loop3A_148 : i32 to vector<16xi32>
        %parallel_loop3A_150 = arith.shrui %parallel_loop3A_147, %parallel_loop3A_149 : vector<16xi32>
        %parallel_loop3A_151 = arith.constant 4096 : i32
        %parallel_loop3A_152 = vector.broadcast %parallel_loop3A_151 : i32 to vector<16xi32>
        %parallel_loop3A_153 = arith.minsi %parallel_loop3A_150, %parallel_loop3A_152 : vector<16xi32>
        %parallel_loop3A_154 = arith.constant 4096 : i32
        %parallel_loop3A_155 = vector.broadcast %parallel_loop3A_154 : i32 to vector<16xi32>
        %parallel_loop3A_156 = arith.cmpi slt, %parallel_loop3A_153, %parallel_loop3A_155 : vector<16xi32>
        tpu.vector_store_idx %arg12[%iota3A, %parallel_loop3A_153], %broadcast_in_dim3A_0 masked %parallel_loop3A_156 {add = true} : memref<16x4112xi32, #tpu.memory_space<vmem>>[vector<16xi32>, vector<16xi32>], vector<16xi32>, vector<16xi1>
      } {sc.loop_unroll_factor = 8 : i64, sc.parallel_access}
    } else {
    }
    %add3A_83 = arith.constant 32 : i32
    %add3A_84 = arith.addi %arg1, %add3A_83 : i32
    %lt3A_85 = arith.constant 125 : i32
    %lt3A_86 = arith.cmpi slt, %add3A_84, %lt3A_85 : i32
    %convert_element_type3A_87 = arith.extui %lt3A_86 : i1 to i32
    %cond3A_88 = arith.constant 0 : i32
    %cond3A_89 = arith.cmpi ne, %convert_element_type3A_87, %cond3A_88 : i32
    scf.if %cond3A_89 {
      %mul3A = arith.constant 4000 : i32
      %mul3A_136 = arith.muli %add3A_84, %mul3A : i32
      %multiple_of3A = tpu.assume_multiple %mul3A_136, 4000 : i32
      %mul3A_137 = arith.constant 500000 : i32
      %mul3A_138 = arith.muli %arg0, %mul3A_137 : i32
      %add3A_139 = arith.addi %mul3A_138, %multiple_of3A : i32
      %dma_wait3A = tpu.memref_slice %arg2[%add3A_139] : memref<1000000xf32, #tpu.memory_space<hbm>> -> memref<4000xf32, #tpu.memory_space<hbm>>
      %dma_wait3A_140 = tpu.memref_slice %arg2[%add3A_139] : memref<1000000xf32, #tpu.memory_space<hbm>> -> memref<4000xf32, #tpu.memory_space<hbm>>
      tpu.wait_dma2 semaphore(%arg18 : memref<!tpu.dma_semaphore, #tpu.memory_space<semaphore_mem>>) src(%dma_wait3A_140 : memref<4000xf32, #tpu.memory_space<hbm>>) dst(%arg6 : memref<4000xf32, #tpu.memory_space<vmem>>)
      %parallel_loop3A = arith.constant 0 : i32
      %parallel_loop3A_141 = arith.constant 4000 : i32
      %parallel_loop3A_142 = arith.constant 16 : i32
      scf.for %parallel_loop3A_143 = %parallel_loop3A to %parallel_loop3A_141 step %parallel_loop3A_142  : i32 {
        %parallel_loop3A_144 = tpu.assume_multiple %parallel_loop3A_143, 16 : i32
        %parallel_loop3A_145 = arith.index_cast %parallel_loop3A_144 : i32 to index
        %parallel_loop3A_146 = tpu.vector_load %arg6[%parallel_loop3A_145] {strides = array<i32>} : memref<4000xf32, #tpu.memory_space<vmem>>, vector<16xf32>,
        %parallel_loop3A_147 = tpu.bitcast %parallel_loop3A_146 : vector<16xf32> -> vector<16xi32>
        %parallel_loop3A_148 = arith.constant 19 : i32
        %parallel_loop3A_149 = vector.broadcast %parallel_loop3A_148 : i32 to vector<16xi32>
        %parallel_loop3A_150 = arith.shrui %parallel_loop3A_147, %parallel_loop3A_149 : vector<16xi32>
        %parallel_loop3A_151 = arith.constant 4096 : i32
        %parallel_loop3A_152 = vector.broadcast %parallel_loop3A_151 : i32 to vector<16xi32>
        %parallel_loop3A_153 = arith.minsi %parallel_loop3A_150, %parallel_loop3A_152 : vector<16xi32>
        %parallel_loop3A_154 = arith.constant 4096 : i32
        %parallel_loop3A_155 = vector.broadcast %parallel_loop3A_154 : i32 to vector<16xi32>
        %parallel_loop3A_156 = arith.cmpi slt, %parallel_loop3A_153, %parallel_loop3A_155 : vector<16xi32>
        tpu.vector_store_idx %arg12[%iota3A, %parallel_loop3A_153], %broadcast_in_dim3A_0 masked %parallel_loop3A_156 {add = true} : memref<16x4112xi32, #tpu.memory_space<vmem>>[vector<16xi32>, vector<16xi32>], vector<16xi32>, vector<16xi1>
      } {sc.loop_unroll_factor = 8 : i64, sc.parallel_access}
    } else {
    }
    %add3A_90 = arith.constant 48 : i32
    %add3A_91 = arith.addi %arg1, %add3A_90 : i32
    %lt3A_92 = arith.constant 125 : i32
    %lt3A_93 = arith.cmpi slt, %add3A_91, %lt3A_92 : i32
    %convert_element_type3A_94 = arith.extui %lt3A_93 : i1 to i32
    %cond3A_95 = arith.constant 0 : i32
    %cond3A_96 = arith.cmpi ne, %convert_element_type3A_94, %cond3A_95 : i32
    scf.if %cond3A_96 {
      %mul3A = arith.constant 4000 : i32
      %mul3A_136 = arith.muli %add3A_91, %mul3A : i32
      %multiple_of3A = tpu.assume_multiple %mul3A_136, 4000 : i32
      %mul3A_137 = arith.constant 500000 : i32
      %mul3A_138 = arith.muli %arg0, %mul3A_137 : i32
      %add3A_139 = arith.addi %mul3A_138, %multiple_of3A : i32
      %dma_wait3A = tpu.memref_slice %arg2[%add3A_139] : memref<1000000xf32, #tpu.memory_space<hbm>> -> memref<4000xf32, #tpu.memory_space<hbm>>
      %dma_wait3A_140 = tpu.memref_slice %arg2[%add3A_139] : memref<1000000xf32, #tpu.memory_space<hbm>> -> memref<4000xf32, #tpu.memory_space<hbm>>
      tpu.wait_dma2 semaphore(%arg19 : memref<!tpu.dma_semaphore, #tpu.memory_space<semaphore_mem>>) src(%dma_wait3A_140 : memref<4000xf32, #tpu.memory_space<hbm>>) dst(%arg7 : memref<4000xf32, #tpu.memory_space<vmem>>)
      %parallel_loop3A = arith.constant 0 : i32
      %parallel_loop3A_141 = arith.constant 4000 : i32
      %parallel_loop3A_142 = arith.constant 16 : i32
      scf.for %parallel_loop3A_143 = %parallel_loop3A to %parallel_loop3A_141 step %parallel_loop3A_142  : i32 {
        %parallel_loop3A_144 = tpu.assume_multiple %parallel_loop3A_143, 16 : i32
        %parallel_loop3A_145 = arith.index_cast %parallel_loop3A_144 : i32 to index
        %parallel_loop3A_146 = tpu.vector_load %arg7[%parallel_loop3A_145] {strides = array<i32>} : memref<4000xf32, #tpu.memory_space<vmem>>, vector<16xf32>,
        %parallel_loop3A_147 = tpu.bitcast %parallel_loop3A_146 : vector<16xf32> -> vector<16xi32>
        %parallel_loop3A_148 = arith.constant 19 : i32
        %parallel_loop3A_149 = vector.broadcast %parallel_loop3A_148 : i32 to vector<16xi32>
        %parallel_loop3A_150 = arith.shrui %parallel_loop3A_147, %parallel_loop3A_149 : vector<16xi32>
        %parallel_loop3A_151 = arith.constant 4096 : i32
        %parallel_loop3A_152 = vector.broadcast %parallel_loop3A_151 : i32 to vector<16xi32>
        %parallel_loop3A_153 = arith.minsi %parallel_loop3A_150, %parallel_loop3A_152 : vector<16xi32>
        %parallel_loop3A_154 = arith.constant 4096 : i32
        %parallel_loop3A_155 = vector.broadcast %parallel_loop3A_154 : i32 to vector<16xi32>
        %parallel_loop3A_156 = arith.cmpi slt, %parallel_loop3A_153, %parallel_loop3A_155 : vector<16xi32>
        tpu.vector_store_idx %arg12[%iota3A, %parallel_loop3A_153], %broadcast_in_dim3A_0 masked %parallel_loop3A_156 {add = true} : memref<16x4112xi32, #tpu.memory_space<vmem>>[vector<16xi32>, vector<16xi32>], vector<16xi32>, vector<16xi1>
      } {sc.loop_unroll_factor = 8 : i64, sc.parallel_access}
    } else {
    }
    %add3A_97 = arith.constant 64 : i32
    %add3A_98 = arith.addi %arg1, %add3A_97 : i32
    %lt3A_99 = arith.constant 125 : i32
    %lt3A_100 = arith.cmpi slt, %add3A_98, %lt3A_99 : i32
    %convert_element_type3A_101 = arith.extui %lt3A_100 : i1 to i32
    %cond3A_102 = arith.constant 0 : i32
    %cond3A_103 = arith.cmpi ne, %convert_element_type3A_101, %cond3A_102 : i32
    scf.if %cond3A_103 {
      %mul3A = arith.constant 4000 : i32
      %mul3A_136 = arith.muli %add3A_98, %mul3A : i32
      %multiple_of3A = tpu.assume_multiple %mul3A_136, 4000 : i32
      %mul3A_137 = arith.constant 500000 : i32
      %mul3A_138 = arith.muli %arg0, %mul3A_137 : i32
      %add3A_139 = arith.addi %mul3A_138, %multiple_of3A : i32
      %dma_wait3A = tpu.memref_slice %arg2[%add3A_139] : memref<1000000xf32, #tpu.memory_space<hbm>> -> memref<4000xf32, #tpu.memory_space<hbm>>
      %dma_wait3A_140 = tpu.memref_slice %arg2[%add3A_139] : memref<1000000xf32, #tpu.memory_space<hbm>> -> memref<4000xf32, #tpu.memory_space<hbm>>
      tpu.wait_dma2 semaphore(%arg20 : memref<!tpu.dma_semaphore, #tpu.memory_space<semaphore_mem>>) src(%dma_wait3A_140 : memref<4000xf32, #tpu.memory_space<hbm>>) dst(%arg8 : memref<4000xf32, #tpu.memory_space<vmem>>)
      %parallel_loop3A = arith.constant 0 : i32
      %parallel_loop3A_141 = arith.constant 4000 : i32
      %parallel_loop3A_142 = arith.constant 16 : i32
      scf.for %parallel_loop3A_143 = %parallel_loop3A to %parallel_loop3A_141 step %parallel_loop3A_142  : i32 {
        %parallel_loop3A_144 = tpu.assume_multiple %parallel_loop3A_143, 16 : i32
        %parallel_loop3A_145 = arith.index_cast %parallel_loop3A_144 : i32 to index
        %parallel_loop3A_146 = tpu.vector_load %arg8[%parallel_loop3A_145] {strides = array<i32>} : memref<4000xf32, #tpu.memory_space<vmem>>, vector<16xf32>,
        %parallel_loop3A_147 = tpu.bitcast %parallel_loop3A_146 : vector<16xf32> -> vector<16xi32>
        %parallel_loop3A_148 = arith.constant 19 : i32
        %parallel_loop3A_149 = vector.broadcast %parallel_loop3A_148 : i32 to vector<16xi32>
        %parallel_loop3A_150 = arith.shrui %parallel_loop3A_147, %parallel_loop3A_149 : vector<16xi32>
        %parallel_loop3A_151 = arith.constant 4096 : i32
        %parallel_loop3A_152 = vector.broadcast %parallel_loop3A_151 : i32 to vector<16xi32>
        %parallel_loop3A_153 = arith.minsi %parallel_loop3A_150, %parallel_loop3A_152 : vector<16xi32>
        %parallel_loop3A_154 = arith.constant 4096 : i32
        %parallel_loop3A_155 = vector.broadcast %parallel_loop3A_154 : i32 to vector<16xi32>
        %parallel_loop3A_156 = arith.cmpi slt, %parallel_loop3A_153, %parallel_loop3A_155 : vector<16xi32>
        tpu.vector_store_idx %arg12[%iota3A, %parallel_loop3A_153], %broadcast_in_dim3A_0 masked %parallel_loop3A_156 {add = true} : memref<16x4112xi32, #tpu.memory_space<vmem>>[vector<16xi32>, vector<16xi32>], vector<16xi32>, vector<16xi1>
      } {sc.loop_unroll_factor = 8 : i64, sc.parallel_access}
    } else {
    }
    %add3A_104 = arith.constant 80 : i32
    %add3A_105 = arith.addi %arg1, %add3A_104 : i32
    %lt3A_106 = arith.constant 125 : i32
    %lt3A_107 = arith.cmpi slt, %add3A_105, %lt3A_106 : i32
    %convert_element_type3A_108 = arith.extui %lt3A_107 : i1 to i32
    %cond3A_109 = arith.constant 0 : i32
    %cond3A_110 = arith.cmpi ne, %convert_element_type3A_108, %cond3A_109 : i32
    scf.if %cond3A_110 {
      %mul3A = arith.constant 4000 : i32
      %mul3A_136 = arith.muli %add3A_105, %mul3A : i32
      %multiple_of3A = tpu.assume_multiple %mul3A_136, 4000 : i32
      %mul3A_137 = arith.constant 500000 : i32
      %mul3A_138 = arith.muli %arg0, %mul3A_137 : i32
      %add3A_139 = arith.addi %mul3A_138, %multiple_of3A : i32
      %dma_wait3A = tpu.memref_slice %arg2[%add3A_139] : memref<1000000xf32, #tpu.memory_space<hbm>> -> memref<4000xf32, #tpu.memory_space<hbm>>
      %dma_wait3A_140 = tpu.memref_slice %arg2[%add3A_139] : memref<1000000xf32, #tpu.memory_space<hbm>> -> memref<4000xf32, #tpu.memory_space<hbm>>
      tpu.wait_dma2 semaphore(%arg21 : memref<!tpu.dma_semaphore, #tpu.memory_space<semaphore_mem>>) src(%dma_wait3A_140 : memref<4000xf32, #tpu.memory_space<hbm>>) dst(%arg9 : memref<4000xf32, #tpu.memory_space<vmem>>)
      %parallel_loop3A = arith.constant 0 : i32
      %parallel_loop3A_141 = arith.constant 4000 : i32
      %parallel_loop3A_142 = arith.constant 16 : i32
      scf.for %parallel_loop3A_143 = %parallel_loop3A to %parallel_loop3A_141 step %parallel_loop3A_142  : i32 {
        %parallel_loop3A_144 = tpu.assume_multiple %parallel_loop3A_143, 16 : i32
        %parallel_loop3A_145 = arith.index_cast %parallel_loop3A_144 : i32 to index
        %parallel_loop3A_146 = tpu.vector_load %arg9[%parallel_loop3A_145] {strides = array<i32>} : memref<4000xf32, #tpu.memory_space<vmem>>, vector<16xf32>,
        %parallel_loop3A_147 = tpu.bitcast %parallel_loop3A_146 : vector<16xf32> -> vector<16xi32>
        %parallel_loop3A_148 = arith.constant 19 : i32
        %parallel_loop3A_149 = vector.broadcast %parallel_loop3A_148 : i32 to vector<16xi32>
        %parallel_loop3A_150 = arith.shrui %parallel_loop3A_147, %parallel_loop3A_149 : vector<16xi32>
        %parallel_loop3A_151 = arith.constant 4096 : i32
        %parallel_loop3A_152 = vector.broadcast %parallel_loop3A_151 : i32 to vector<16xi32>
        %parallel_loop3A_153 = arith.minsi %parallel_loop3A_150, %parallel_loop3A_152 : vector<16xi32>
        %parallel_loop3A_154 = arith.constant 4096 : i32
        %parallel_loop3A_155 = vector.broadcast %parallel_loop3A_154 : i32 to vector<16xi32>
        %parallel_loop3A_156 = arith.cmpi slt, %parallel_loop3A_153, %parallel_loop3A_155 : vector<16xi32>
        tpu.vector_store_idx %arg12[%iota3A, %parallel_loop3A_153], %broadcast_in_dim3A_0 masked %parallel_loop3A_156 {add = true} : memref<16x4112xi32, #tpu.memory_space<vmem>>[vector<16xi32>, vector<16xi32>], vector<16xi32>, vector<16xi1>
      } {sc.loop_unroll_factor = 8 : i64, sc.parallel_access}
    } else {
    }
    %add3A_111 = arith.constant 96 : i32
    %add3A_112 = arith.addi %arg1, %add3A_111 : i32
    %lt3A_113 = arith.constant 125 : i32
    %lt3A_114 = arith.cmpi slt, %add3A_112, %lt3A_113 : i32
    %convert_element_type3A_115 = arith.extui %lt3A_114 : i1 to i32
    %cond3A_116 = arith.constant 0 : i32
    %cond3A_117 = arith.cmpi ne, %convert_element_type3A_115, %cond3A_116 : i32
    scf.if %cond3A_117 {
      %mul3A = arith.constant 4000 : i32
      %mul3A_136 = arith.muli %add3A_112, %mul3A : i32
      %multiple_of3A = tpu.assume_multiple %mul3A_136, 4000 : i32
      %mul3A_137 = arith.constant 500000 : i32
      %mul3A_138 = arith.muli %arg0, %mul3A_137 : i32
      %add3A_139 = arith.addi %mul3A_138, %multiple_of3A : i32
      %dma_wait3A = tpu.memref_slice %arg2[%add3A_139] : memref<1000000xf32, #tpu.memory_space<hbm>> -> memref<4000xf32, #tpu.memory_space<hbm>>
      %dma_wait3A_140 = tpu.memref_slice %arg2[%add3A_139] : memref<1000000xf32, #tpu.memory_space<hbm>> -> memref<4000xf32, #tpu.memory_space<hbm>>
      tpu.wait_dma2 semaphore(%arg22 : memref<!tpu.dma_semaphore, #tpu.memory_space<semaphore_mem>>) src(%dma_wait3A_140 : memref<4000xf32, #tpu.memory_space<hbm>>) dst(%arg10 : memref<4000xf32, #tpu.memory_space<vmem>>)
      %parallel_loop3A = arith.constant 0 : i32
      %parallel_loop3A_141 = arith.constant 4000 : i32
      %parallel_loop3A_142 = arith.constant 16 : i32
      scf.for %parallel_loop3A_143 = %parallel_loop3A to %parallel_loop3A_141 step %parallel_loop3A_142  : i32 {
        %parallel_loop3A_144 = tpu.assume_multiple %parallel_loop3A_143, 16 : i32
        %parallel_loop3A_145 = arith.index_cast %parallel_loop3A_144 : i32 to index
        %parallel_loop3A_146 = tpu.vector_load %arg10[%parallel_loop3A_145] {strides = array<i32>} : memref<4000xf32, #tpu.memory_space<vmem>>, vector<16xf32>,
        %parallel_loop3A_147 = tpu.bitcast %parallel_loop3A_146 : vector<16xf32> -> vector<16xi32>
        %parallel_loop3A_148 = arith.constant 19 : i32
        %parallel_loop3A_149 = vector.broadcast %parallel_loop3A_148 : i32 to vector<16xi32>
        %parallel_loop3A_150 = arith.shrui %parallel_loop3A_147, %parallel_loop3A_149 : vector<16xi32>
        %parallel_loop3A_151 = arith.constant 4096 : i32
        %parallel_loop3A_152 = vector.broadcast %parallel_loop3A_151 : i32 to vector<16xi32>
        %parallel_loop3A_153 = arith.minsi %parallel_loop3A_150, %parallel_loop3A_152 : vector<16xi32>
        %parallel_loop3A_154 = arith.constant 4096 : i32
        %parallel_loop3A_155 = vector.broadcast %parallel_loop3A_154 : i32 to vector<16xi32>
        %parallel_loop3A_156 = arith.cmpi slt, %parallel_loop3A_153, %parallel_loop3A_155 : vector<16xi32>
        tpu.vector_store_idx %arg12[%iota3A, %parallel_loop3A_153], %broadcast_in_dim3A_0 masked %parallel_loop3A_156 {add = true} : memref<16x4112xi32, #tpu.memory_space<vmem>>[vector<16xi32>, vector<16xi32>], vector<16xi32>, vector<16xi1>
      } {sc.loop_unroll_factor = 8 : i64, sc.parallel_access}
    } else {
    }
    %add3A_118 = arith.constant 112 : i32
    %add3A_119 = arith.addi %arg1, %add3A_118 : i32
    %lt3A_120 = arith.constant 125 : i32
    %lt3A_121 = arith.cmpi slt, %add3A_119, %lt3A_120 : i32
    %convert_element_type3A_122 = arith.extui %lt3A_121 : i1 to i32
    %cond3A_123 = arith.constant 0 : i32
    %cond3A_124 = arith.cmpi ne, %convert_element_type3A_122, %cond3A_123 : i32
    scf.if %cond3A_124 {
      %mul3A = arith.constant 4000 : i32
      %mul3A_136 = arith.muli %add3A_119, %mul3A : i32
      %multiple_of3A = tpu.assume_multiple %mul3A_136, 4000 : i32
      %mul3A_137 = arith.constant 500000 : i32
      %mul3A_138 = arith.muli %arg0, %mul3A_137 : i32
      %add3A_139 = arith.addi %mul3A_138, %multiple_of3A : i32
      %dma_wait3A = tpu.memref_slice %arg2[%add3A_139] : memref<1000000xf32, #tpu.memory_space<hbm>> -> memref<4000xf32, #tpu.memory_space<hbm>>
      %dma_wait3A_140 = tpu.memref_slice %arg2[%add3A_139] : memref<1000000xf32, #tpu.memory_space<hbm>> -> memref<4000xf32, #tpu.memory_space<hbm>>
      tpu.wait_dma2 semaphore(%arg23 : memref<!tpu.dma_semaphore, #tpu.memory_space<semaphore_mem>>) src(%dma_wait3A_140 : memref<4000xf32, #tpu.memory_space<hbm>>) dst(%arg11 : memref<4000xf32, #tpu.memory_space<vmem>>)
      %parallel_loop3A = arith.constant 0 : i32
      %parallel_loop3A_141 = arith.constant 4000 : i32
      %parallel_loop3A_142 = arith.constant 16 : i32
      scf.for %parallel_loop3A_143 = %parallel_loop3A to %parallel_loop3A_141 step %parallel_loop3A_142  : i32 {
        %parallel_loop3A_144 = tpu.assume_multiple %parallel_loop3A_143, 16 : i32
        %parallel_loop3A_145 = arith.index_cast %parallel_loop3A_144 : i32 to index
        %parallel_loop3A_146 = tpu.vector_load %arg11[%parallel_loop3A_145] {strides = array<i32>} : memref<4000xf32, #tpu.memory_space<vmem>>, vector<16xf32>,
        %parallel_loop3A_147 = tpu.bitcast %parallel_loop3A_146 : vector<16xf32> -> vector<16xi32>
        %parallel_loop3A_148 = arith.constant 19 : i32
        %parallel_loop3A_149 = vector.broadcast %parallel_loop3A_148 : i32 to vector<16xi32>
        %parallel_loop3A_150 = arith.shrui %parallel_loop3A_147, %parallel_loop3A_149 : vector<16xi32>
        %parallel_loop3A_151 = arith.constant 4096 : i32
        %parallel_loop3A_152 = vector.broadcast %parallel_loop3A_151 : i32 to vector<16xi32>
        %parallel_loop3A_153 = arith.minsi %parallel_loop3A_150, %parallel_loop3A_152 : vector<16xi32>
        %parallel_loop3A_154 = arith.constant 4096 : i32
        %parallel_loop3A_155 = vector.broadcast %parallel_loop3A_154 : i32 to vector<16xi32>
        %parallel_loop3A_156 = arith.cmpi slt, %parallel_loop3A_153, %parallel_loop3A_155 : vector<16xi32>
        tpu.vector_store_idx %arg12[%iota3A, %parallel_loop3A_153], %broadcast_in_dim3A_0 masked %parallel_loop3A_156 {add = true} : memref<16x4112xi32, #tpu.memory_space<vmem>>[vector<16xi32>, vector<16xi32>], vector<16xi32>, vector<16xi1>
      } {sc.loop_unroll_factor = 8 : i64, sc.parallel_access}
    } else {
    }
    %scan3A_125 = arith.constant 0 : i32
    %scan3A_126 = arith.constant 32 : i32
    %scan3A_127 = arith.addi %scan3A_125, %scan3A_126 : i32
    %scan3A_128 = arith.constant 1 : i32
    scf.for %scan3A_136 = %scan3A_125 to %scan3A_127 step %scan3A_128  : i32 {
      %mul3A = arith.constant 1 : i32
      %mul3A_137 = arith.muli %scan3A_136, %mul3A : i32
      %add3A_138 = arith.constant 0 : i32
      %add3A_139 = arith.addi %add3A_138, %mul3A_137 : i32
      %scan3A_140 = arith.constant 0 : i32
      %scan3A_141 = arith.constant 8 : i32
      %scan3A_142 = arith.addi %scan3A_140, %scan3A_141 : i32
      %scan3A_143 = arith.constant 1 : i32
      scf.for %scan3A_145 = %scan3A_140 to %scan3A_142 step %scan3A_143  : i32 {
        %mul3A_146 = arith.constant 1 : i32
        %mul3A_147 = arith.muli %scan3A_145, %mul3A_146 : i32
        %add3A_148 = arith.constant 0 : i32
        %add3A_149 = arith.addi %add3A_148, %mul3A_147 : i32
        %mul3A_150 = arith.constant 128 : i32
        %mul3A_151 = arith.muli %add3A_139, %mul3A_150 : i32
        %mul3A_152 = arith.constant 16 : i32
        %mul3A_153 = arith.muli %add3A_149, %mul3A_152 : i32
        %add3A_154 = arith.addi %mul3A_151, %mul3A_153 : i32
        %multiple_of3A = tpu.assume_multiple %add3A_154, 16 : i32
        %get3A = arith.constant 0 : i32
        %get3A_155 = arith.index_cast %get3A : i32 to index
        %get3A_156 = arith.index_cast %multiple_of3A : i32 to index
        %get3A_157 = tpu.vector_load %arg12[%get3A_155, %get3A_156] {strides = array<i32>} : memref<16x4112xi32, #tpu.memory_space<vmem>>, vector<16xi32>,
        %get3A_158 = arith.constant 1 : i32
        %get3A_159 = arith.index_cast %get3A_158 : i32 to index
        %get3A_160 = arith.index_cast %multiple_of3A : i32 to index
        %get3A_161 = tpu.vector_load %arg12[%get3A_159, %get3A_160] {strides = array<i32>} : memref<16x4112xi32, #tpu.memory_space<vmem>>, vector<16xi32>,
        %add3A_162 = arith.addi %get3A_157, %get3A_161 : vector<16xi32>
        %get3A_163 = arith.constant 2 : i32
        %get3A_164 = arith.index_cast %get3A_163 : i32 to index
        %get3A_165 = arith.index_cast %multiple_of3A : i32 to index
        %get3A_166 = tpu.vector_load %arg12[%get3A_164, %get3A_165] {strides = array<i32>} : memref<16x4112xi32, #tpu.memory_space<vmem>>, vector<16xi32>,
        %add3A_167 = arith.addi %add3A_162, %get3A_166 : vector<16xi32>
        %get3A_168 = arith.constant 3 : i32
        %get3A_169 = arith.index_cast %get3A_168 : i32 to index
        %get3A_170 = arith.index_cast %multiple_of3A : i32 to index
        %get3A_171 = tpu.vector_load %arg12[%get3A_169, %get3A_170] {strides = array<i32>} : memref<16x4112xi32, #tpu.memory_space<vmem>>, vector<16xi32>,
        %add3A_172 = arith.addi %add3A_167, %get3A_171 : vector<16xi32>
        %get3A_173 = arith.constant 4 : i32
        %get3A_174 = arith.index_cast %get3A_173 : i32 to index
        %get3A_175 = arith.index_cast %multiple_of3A : i32 to index
        %get3A_176 = tpu.vector_load %arg12[%get3A_174, %get3A_175] {strides = array<i32>} : memref<16x4112xi32, #tpu.memory_space<vmem>>, vector<16xi32>,
        %add3A_177 = arith.addi %add3A_172, %get3A_176 : vector<16xi32>
        %get3A_178 = arith.constant 5 : i32
        %get3A_179 = arith.index_cast %get3A_178 : i32 to index
        %get3A_180 = arith.index_cast %multiple_of3A : i32 to index
        %get3A_181 = tpu.vector_load %arg12[%get3A_179, %get3A_180] {strides = array<i32>} : memref<16x4112xi32, #tpu.memory_space<vmem>>, vector<16xi32>,
        %add3A_182 = arith.addi %add3A_177, %get3A_181 : vector<16xi32>
        %get3A_183 = arith.constant 6 : i32
        %get3A_184 = arith.index_cast %get3A_183 : i32 to index
        %get3A_185 = arith.index_cast %multiple_of3A : i32 to index
        %get3A_186 = tpu.vector_load %arg12[%get3A_184, %get3A_185] {strides = array<i32>} : memref<16x4112xi32, #tpu.memory_space<vmem>>, vector<16xi32>,
        %add3A_187 = arith.addi %add3A_182, %get3A_186 : vector<16xi32>
        %get3A_188 = arith.constant 7 : i32
        %get3A_189 = arith.index_cast %get3A_188 : i32 to index
        %get3A_190 = arith.index_cast %multiple_of3A : i32 to index
        %get3A_191 = tpu.vector_load %arg12[%get3A_189, %get3A_190] {strides = array<i32>} : memref<16x4112xi32, #tpu.memory_space<vmem>>, vector<16xi32>,
        %add3A_192 = arith.addi %add3A_187, %get3A_191 : vector<16xi32>
        %get3A_193 = arith.constant 8 : i32
        %get3A_194 = arith.index_cast %get3A_193 : i32 to index
        %get3A_195 = arith.index_cast %multiple_of3A : i32 to index
        %get3A_196 = tpu.vector_load %arg12[%get3A_194, %get3A_195] {strides = array<i32>} : memref<16x4112xi32, #tpu.memory_space<vmem>>, vector<16xi32>,
        %add3A_197 = arith.addi %add3A_192, %get3A_196 : vector<16xi32>
        %get3A_198 = arith.constant 9 : i32
        %get3A_199 = arith.index_cast %get3A_198 : i32 to index
        %get3A_200 = arith.index_cast %multiple_of3A : i32 to index
        %get3A_201 = tpu.vector_load %arg12[%get3A_199, %get3A_200] {strides = array<i32>} : memref<16x4112xi32, #tpu.memory_space<vmem>>, vector<16xi32>,
        %add3A_202 = arith.addi %add3A_197, %get3A_201 : vector<16xi32>
        %get3A_203 = arith.constant 10 : i32
        %get3A_204 = arith.index_cast %get3A_203 : i32 to index
        %get3A_205 = arith.index_cast %multiple_of3A : i32 to index
        %get3A_206 = tpu.vector_load %arg12[%get3A_204, %get3A_205] {strides = array<i32>} : memref<16x4112xi32, #tpu.memory_space<vmem>>, vector<16xi32>,
        %add3A_207 = arith.addi %add3A_202, %get3A_206 : vector<16xi32>
        %get3A_208 = arith.constant 11 : i32
        %get3A_209 = arith.index_cast %get3A_208 : i32 to index
        %get3A_210 = arith.index_cast %multiple_of3A : i32 to index
        %get3A_211 = tpu.vector_load %arg12[%get3A_209, %get3A_210] {strides = array<i32>} : memref<16x4112xi32, #tpu.memory_space<vmem>>, vector<16xi32>,
        %add3A_212 = arith.addi %add3A_207, %get3A_211 : vector<16xi32>
        %get3A_213 = arith.constant 12 : i32
        %get3A_214 = arith.index_cast %get3A_213 : i32 to index
        %get3A_215 = arith.index_cast %multiple_of3A : i32 to index
        %get3A_216 = tpu.vector_load %arg12[%get3A_214, %get3A_215] {strides = array<i32>} : memref<16x4112xi32, #tpu.memory_space<vmem>>, vector<16xi32>,
        %add3A_217 = arith.addi %add3A_212, %get3A_216 : vector<16xi32>
        %get3A_218 = arith.constant 13 : i32
        %get3A_219 = arith.index_cast %get3A_218 : i32 to index
        %get3A_220 = arith.index_cast %multiple_of3A : i32 to index
        %get3A_221 = tpu.vector_load %arg12[%get3A_219, %get3A_220] {strides = array<i32>} : memref<16x4112xi32, #tpu.memory_space<vmem>>, vector<16xi32>,
        %add3A_222 = arith.addi %add3A_217, %get3A_221 : vector<16xi32>
        %get3A_223 = arith.constant 14 : i32
        %get3A_224 = arith.index_cast %get3A_223 : i32 to index
        %get3A_225 = arith.index_cast %multiple_of3A : i32 to index
        %get3A_226 = tpu.vector_load %arg12[%get3A_224, %get3A_225] {strides = array<i32>} : memref<16x4112xi32, #tpu.memory_space<vmem>>, vector<16xi32>,
        %add3A_227 = arith.addi %add3A_222, %get3A_226 : vector<16xi32>
        %get3A_228 = arith.constant 15 : i32
        %get3A_229 = arith.index_cast %get3A_228 : i32 to index
        %get3A_230 = arith.index_cast %multiple_of3A : i32 to index
        %get3A_231 = tpu.vector_load %arg12[%get3A_229, %get3A_230] {strides = array<i32>} : memref<16x4112xi32, #tpu.memory_space<vmem>>, vector<16xi32>,
        %add3A_232 = arith.addi %add3A_227, %get3A_231 : vector<16xi32>
        %mul3A_233 = arith.constant 16 : i32
        %mul3A_234 = arith.muli %add3A_149, %mul3A_233 : i32
        %multiple_of3A_235 = tpu.assume_multiple %mul3A_234, 16 : i32
        %swap3A_236 = arith.index_cast %add3A_139 : i32 to index
        %swap3A_237 = arith.index_cast %multiple_of3A_235 : i32 to index
        %swap3A_238 = tpu.vector_load %arg13[%swap3A_236, %swap3A_237] {strides = array<i32>} : memref<32x128xi32, #tpu.memory_space<vmem>>, vector<16xi32>,
        tpu.vector_store %arg13[%swap3A_236, %swap3A_237], %add3A_232 {strides = array<i32>} : memref<32x128xi32, #tpu.memory_space<vmem>>, vector<16xi32>,
      }
      %scan3A_144 = arith.constant 8 : i32
    }
    %scan3A_129 = arith.constant 32 : i32
    "tpu.region"() ({
      %run_scoped3A = tpu.sem_alloc : memref<!tpu.dma_semaphore, #tpu.memory_space<semaphore_mem>>
      %dma_start3A = arith.constant 0 : i32
      %dma_start3A_136 = arith.constant 0 : i32
      %dma_start3A_137 = tpu.memref_slice %arg15[%dma_start3A, %dma_start3A_136] : memref<32x128xi32, #tpu.memory_space<vmem_shared>> -> memref<32x128xi32, #tpu.memory_space<vmem_shared>>
      tpu.enqueue_indirect_dma source(%arg13 : memref<32x128xi32, #tpu.memory_space<vmem>>) target(%dma_start3A_137 : memref<32x128xi32, #tpu.memory_space<vmem_shared>>) offsets(%arg14 : memref<32xi32, #tpu.memory_space<vmem>>) semaphore(%run_scoped3A : memref<!tpu.dma_semaphore, #tpu.memory_space<semaphore_mem>>) {add = true}
      %dma_wait3A = arith.constant 0 : i32
      %dma_wait3A_138 = arith.constant 0 : i32
      %dma_wait3A_139 = tpu.memref_slice %arg15[%dma_wait3A, %dma_wait3A_138] : memref<32x128xi32, #tpu.memory_space<vmem_shared>> -> memref<32x128xi32, #tpu.memory_space<vmem_shared>>
      tpu.wait_indirect_dma semaphore(%run_scoped3A : memref<!tpu.dma_semaphore, #tpu.memory_space<semaphore_mem>>) src(%arg13 : memref<32x128xi32, #tpu.memory_space<vmem>>) dst(%dma_wait3A_139 : memref<32x128xi32, #tpu.memory_space<vmem_shared>>)
      tpu.yield
    }) : () -> ()
    %barrier3A_130 = arith.constant 0 : index
    tpu.barrier barrier_id(%barrier3A_130)
    %eq3A_131 = arith.constant 0 : i32
    %eq3A_132 = arith.cmpi eq, %arg1, %eq3A_131 : i32
    %convert_element_type3A_133 = arith.extui %eq3A_132 : i1 to i32
    %cond3A_134 = arith.constant 0 : i32
    %cond3A_135 = arith.cmpi ne, %convert_element_type3A_133, %cond3A_134 : i32
    scf.if %cond3A_135 {
      "tpu.region"() ({
        %run_scoped3A = tpu.sem_alloc : memref<!tpu.dma_semaphore, #tpu.memory_space<semaphore_mem>>
        %dma_start3A = arith.constant 0 : i32
        %dma_start3A_136 = arith.constant 0 : i32
        %dma_start3A_137 = tpu.memref_slice %arg3[%arg0, %dma_start3A, %dma_start3A_136] : memref<2x32x128xi32, #tpu.memory_space<hbm>> -> memref<1x32x128xi32, #tpu.memory_space<hbm>>
        %dma_start3A_138 = tpu.memref_squeeze %dma_start3A_137 : memref<1x32x128xi32, #tpu.memory_space<hbm>> -> memref<32x128xi32, #tpu.memory_space<hbm>>
        tpu.enqueue_dma source(%arg15 : memref<32x128xi32, #tpu.memory_space<vmem_shared>>) target(%dma_start3A_138 : memref<32x128xi32, #tpu.memory_space<hbm>>) target_semaphore(%run_scoped3A : memref<!tpu.dma_semaphore, #tpu.memory_space<semaphore_mem>>)
        %dma_wait3A = arith.constant 0 : i32
        %dma_wait3A_139 = arith.constant 0 : i32
        %dma_wait3A_140 = tpu.memref_slice %arg3[%arg0, %dma_wait3A, %dma_wait3A_139] : memref<2x32x128xi32, #tpu.memory_space<hbm>> -> memref<1x32x128xi32, #tpu.memory_space<hbm>>
        %dma_wait3A_141 = tpu.memref_squeeze %dma_wait3A_140 : memref<1x32x128xi32, #tpu.memory_space<hbm>> -> memref<32x128xi32, #tpu.memory_space<hbm>>
        tpu.wait_dma2 semaphore(%run_scoped3A : memref<!tpu.dma_semaphore, #tpu.memory_space<semaphore_mem>>) src(%arg15 : memref<32x128xi32, #tpu.memory_space<vmem_shared>>) dst(%dma_wait3A_141 : memref<32x128xi32, #tpu.memory_space<hbm>>)
        tpu.yield
      }) : () -> ()
    } else {
    }
    return
  }
}

module attributes {stable_mosaic.version = 14 : i64} {
  func.func @_tc_finish_kernel(%arg0: memref<2x32x128xi32, #tpu.memory_space<vmem>>, %arg1: memref<1x4xf32, #tpu.memory_space<vmem>>) attributes {dimension_semantics = [], scalar_prefetch = 0 : i64, scratch_operands = 0 : i64, tpu.core_type = #tpu.core_type<tc>} {
    %get3A = arith.constant 0 : index
    %get3A_0 = arith.constant 0 : index
    %get3A_1 = arith.constant 0 : index
    %get3A_2 = vector.load %arg0[%get3A, %get3A_0, %get3A_1] : memref<2x32x128xi32, #tpu.memory_space<vmem>>, vector<1x32x128xi32>
    %get3A_3 = vector.shape_cast %get3A_2 : vector<1x32x128xi32> to vector<32x128xi32>
    %convert_element_type3A = arith.sitofp %get3A_3 : vector<32x128xi32> to vector<32x128xf32>
    %get3A_4 = arith.constant 1 : index
    %get3A_5 = arith.constant 0 : index
    %get3A_6 = arith.constant 0 : index
    %get3A_7 = vector.load %arg0[%get3A_4, %get3A_5, %get3A_6] : memref<2x32x128xi32, #tpu.memory_space<vmem>>, vector<1x32x128xi32>
    %get3A_8 = vector.shape_cast %get3A_7 : vector<1x32x128xi32> to vector<32x128xi32>
    %convert_element_type3A_9 = arith.sitofp %get3A_8 : vector<32x128xi32> to vector<32x128xf32>
    %iota3A = tpu.iota {dimensions = array<i32: 0>} : vector<32x128xi32>
    %iota3A_10 = tpu.iota {dimensions = array<i32: 1>} : vector<32x128xi32>
    %eq3A = arith.constant 0 : i32
    %eq3A_11 = vector.broadcast %eq3A : i32 to vector<32x128xi32>
    %eq3A_12 = arith.cmpi eq, %iota3A, %eq3A_11 : vector<32x128xi32>
    %eq3A_13 = arith.constant 0 : i32
    %eq3A_14 = vector.broadcast %eq3A_13 : i32 to vector<32x128xi32>
    %eq3A_15 = arith.cmpi eq, %iota3A_10, %eq3A_14 : vector<32x128xi32>
    %and3A = arith.andi %eq3A_12, %eq3A_15 : vector<32x128xi1>
    %jit3A = arith.constant 1.000000e+00 : f32
    %jit3A_16 = arith.constant 0.000000e+00 : f32
    %broadcast_in_dim3A = vector.broadcast %jit3A : f32 to vector<32x128xf32>
    %broadcast_in_dim3A_17 = vector.broadcast %jit3A_16 : f32 to vector<32x128xf32>
    %select_n3A = arith.select %and3A, %broadcast_in_dim3A, %broadcast_in_dim3A_17 : vector<32x128xi1>, vector<32x128xf32>
    %reduce_sum3A = vector.shape_cast %convert_element_type3A : vector<32x128xf32> to vector<1x32x128xf32>
    %reduce_sum3A_18 = arith.constant dense<0.000000e+00> : vector<1xf32>
    %reduce_sum3A_19 = vector.multi_reduction <add>, %reduce_sum3A, %reduce_sum3A_18 [1, 2] : vector<1x32x128xf32> to vector<1xf32>
    %reduce_sum3A_20 = vector.shape_cast %reduce_sum3A_19 : vector<1xf32> to vector<1x1x1xf32>
    %reduce_sum3A_21 = vector.extract %reduce_sum3A_20[0, 0, 0] : f32 from vector<1x1x1xf32>
    %sub3A = arith.constant 5.000000e+05 : f32
    %sub3A_22 = arith.subf %sub3A, %reduce_sum3A_21 : f32
    %mul3A = vector.broadcast %sub3A_22 : f32 to vector<32x128xf32>
    %mul3A_23 = arith.mulf %select_n3A, %mul3A : vector<32x128xf32>
    %add3A = arith.addf %convert_element_type3A, %mul3A_23 : vector<32x128xf32>
    %reduce_sum3A_24 = vector.shape_cast %convert_element_type3A_9 : vector<32x128xf32> to vector<1x32x128xf32>
    %reduce_sum3A_25 = arith.constant dense<0.000000e+00> : vector<1xf32>
    %reduce_sum3A_26 = vector.multi_reduction <add>, %reduce_sum3A_24, %reduce_sum3A_25 [1, 2] : vector<1x32x128xf32> to vector<1xf32>
    %reduce_sum3A_27 = vector.shape_cast %reduce_sum3A_26 : vector<1xf32> to vector<1x1x1xf32>
    %reduce_sum3A_28 = vector.extract %reduce_sum3A_27[0, 0, 0] : f32 from vector<1x1x1xf32>
    %sub3A_29 = arith.constant 5.000000e+05 : f32
    %sub3A_30 = arith.subf %sub3A_29, %reduce_sum3A_28 : f32
    %mul3A_31 = vector.broadcast %sub3A_30 : f32 to vector<32x128xf32>
    %mul3A_32 = arith.mulf %select_n3A, %mul3A_31 : vector<32x128xf32>
    %add3A_33 = arith.addf %convert_element_type3A_9, %mul3A_32 : vector<32x128xf32>
    %iota3A_34 = tpu.iota {dimensions = array<i32: 0>} : vector<128x128xi32>
    %iota3A_35 = tpu.iota {dimensions = array<i32: 1>} : vector<128x128xi32>
    %gt3A = arith.cmpi sgt, %iota3A_34, %iota3A_35 : vector<128x128xi32>
    %jit3A_36 = arith.constant 1.000000e+00 : f32
    %jit3A_37 = arith.constant 0.000000e+00 : f32
    %broadcast_in_dim3A_38 = vector.broadcast %jit3A_36 : f32 to vector<128x128xf32>
    %broadcast_in_dim3A_39 = vector.broadcast %jit3A_37 : f32 to vector<128x128xf32>
    %select_n3A_40 = arith.select %gt3A, %broadcast_in_dim3A_38, %broadcast_in_dim3A_39 : vector<128x128xi1>, vector<128x128xf32>
    %iota3A_41 = tpu.iota {dimensions = array<i32: 0>} : vector<32x32xi32>
    %iota3A_42 = tpu.iota {dimensions = array<i32: 1>} : vector<32x32xi32>
    %gt3A_43 = arith.cmpi sgt, %iota3A_42, %iota3A_41 : vector<32x32xi32>
    %jit3A_44 = arith.constant 1.000000e+00 : f32
    %jit3A_45 = arith.constant 0.000000e+00 : f32
    %broadcast_in_dim3A_46 = vector.broadcast %jit3A_44 : f32 to vector<32x32xf32>
    %broadcast_in_dim3A_47 = vector.broadcast %jit3A_45 : f32 to vector<32x32xf32>
    %select_n3A_48 = arith.select %gt3A_43, %broadcast_in_dim3A_46, %broadcast_in_dim3A_47 : vector<32x32xi1>, vector<32x32xf32>
    %dot_general3A = arith.constant dense<0.000000e+00> : vector<32x128xf32>
    %dot_general3A_49 = tpu.matmul %add3A, %select_n3A_40, %dot_general3A {dimension_numbers = #tpu.dot_dimension_numbers<[1], [0], [0], [1], [0, 0, 1, 1], [], []>, transpose_lhs_hint = false} : vector<32x128xf32>, vector<128x128xf32>, vector<32x128xf32> -> vector<32x128xf32>
    %reduce_sum3A_50 = arith.constant dense<0.000000e+00> : vector<32xf32>
    %reduce_sum3A_51 = vector.multi_reduction <add>, %add3A, %reduce_sum3A_50 [1] : vector<32x128xf32> to vector<32xf32>
    %broadcast_in_dim3A_52 = vector.shape_cast %reduce_sum3A_51 : vector<32xf32> to vector<32x1xf32>
    %dot_general3A_53 = arith.constant dense<0.000000e+00> : vector<32x1xf32>
    %dot_general3A_54 = tpu.matmul %select_n3A_48, %broadcast_in_dim3A_52, %dot_general3A_53 {dimension_numbers = #tpu.dot_dimension_numbers<[1], [0], [0], [1], [0, 0, 1, 1], [], []>, transpose_lhs_hint = false} : vector<32x32xf32>, vector<32x1xf32>, vector<32x1xf32> -> vector<32x1xf32>
    %add3A_55 = vector.broadcast %dot_general3A_54 : vector<32x1xf32> to vector<32x128xf32>
    %add3A_56 = arith.addf %dot_general3A_49, %add3A_55 : vector<32x128xf32>
    %dot_general3A_57 = arith.constant dense<0.000000e+00> : vector<32x128xf32>
    %dot_general3A_58 = tpu.matmul %add3A_33, %select_n3A_40, %dot_general3A_57 {dimension_numbers = #tpu.dot_dimension_numbers<[1], [0], [0], [1], [0, 0, 1, 1], [], []>, transpose_lhs_hint = false} : vector<32x128xf32>, vector<128x128xf32>, vector<32x128xf32> -> vector<32x128xf32>
    %reduce_sum3A_59 = arith.constant dense<0.000000e+00> : vector<32xf32>
    %reduce_sum3A_60 = vector.multi_reduction <add>, %add3A_33, %reduce_sum3A_59 [1] : vector<32x128xf32> to vector<32xf32>
    %broadcast_in_dim3A_61 = vector.shape_cast %reduce_sum3A_60 : vector<32xf32> to vector<32x1xf32>
    %dot_general3A_62 = arith.constant dense<0.000000e+00> : vector<32x1xf32>
    %dot_general3A_63 = tpu.matmul %select_n3A_48, %broadcast_in_dim3A_61, %dot_general3A_62 {dimension_numbers = #tpu.dot_dimension_numbers<[1], [0], [0], [1], [0, 0, 1, 1], [], []>, transpose_lhs_hint = false} : vector<32x32xf32>, vector<32x1xf32>, vector<32x1xf32> -> vector<32x1xf32>
    %add3A_64 = vector.broadcast %dot_general3A_63 : vector<32x1xf32> to vector<32x128xf32>
    %add3A_65 = arith.addf %dot_general3A_58, %add3A_64 : vector<32x128xf32>
    %mul3A_66 = arith.constant 5.000000e-01 : f32
    %mul3A_67 = vector.broadcast %mul3A_66 : f32 to vector<32x128xf32>
    %mul3A_68 = arith.mulf %mul3A_67, %add3A : vector<32x128xf32>
    %add3A_69 = arith.addf %add3A_56, %mul3A_68 : vector<32x128xf32>
    %mul3A_70 = arith.mulf %add3A_33, %add3A_69 : vector<32x128xf32>
    %dot_general3A_71 = arith.constant dense<0.000000e+00> : vector<32x128xf32>
    %dot_general3A_72 = tpu.matmul %mul3A_70, %select_n3A_40, %dot_general3A_71 {dimension_numbers = #tpu.dot_dimension_numbers<[1], [0], [0], [1], [0, 0, 1, 1], [], []>, transpose_lhs_hint = false} : vector<32x128xf32>, vector<128x128xf32>, vector<32x128xf32> -> vector<32x128xf32>
    %reduce_sum3A_73 = arith.constant dense<0.000000e+00> : vector<32xf32>
    %reduce_sum3A_74 = vector.multi_reduction <add>, %mul3A_70, %reduce_sum3A_73 [1] : vector<32x128xf32> to vector<32xf32>
    %broadcast_in_dim3A_75 = vector.shape_cast %reduce_sum3A_74 : vector<32xf32> to vector<32x1xf32>
    %dot_general3A_76 = arith.constant dense<0.000000e+00> : vector<32x1xf32>
    %dot_general3A_77 = tpu.matmul %select_n3A_48, %broadcast_in_dim3A_75, %dot_general3A_76 {dimension_numbers = #tpu.dot_dimension_numbers<[1], [0], [0], [1], [0, 0, 1, 1], [], []>, transpose_lhs_hint = false} : vector<32x32xf32>, vector<32x1xf32>, vector<32x1xf32> -> vector<32x1xf32>
    %add3A_78 = vector.broadcast %dot_general3A_77 : vector<32x1xf32> to vector<32x128xf32>
    %add3A_79 = arith.addf %dot_general3A_72, %add3A_78 : vector<32x128xf32>
    %broadcast_in_dim3A_80 = arith.constant 0.000000e+00 : f32
    %broadcast_in_dim3A_81 = vector.broadcast %broadcast_in_dim3A_80 : f32 to vector<1x4xf32>
    %iota3A_82 = tpu.iota {dimensions = array<i32: 1>} : vector<1x4xi32>
    %lt3A = arith.constant 5.010000e+02 : f32
    %lt3A_83 = vector.broadcast %lt3A : f32 to vector<32x128xf32>
    %lt3A_84 = arith.cmpf olt, %add3A_65, %lt3A_83 : vector<32x128xf32>
    %add3A_85 = arith.addf %add3A_65, %add3A_33 : vector<32x128xf32>
    %ge3A = arith.constant 5.010000e+02 : f32
    %ge3A_86 = vector.broadcast %ge3A : f32 to vector<32x128xf32>
    %ge3A_87 = arith.cmpf oge, %add3A_85, %ge3A_86 : vector<32x128xf32>
    %and3A_88 = arith.andi %lt3A_84, %ge3A_87 : vector<32x128xi1>
    %jit3A_89 = arith.constant 1.000000e+00 : f32
    %jit3A_90 = arith.constant 0.000000e+00 : f32
    %broadcast_in_dim3A_91 = vector.broadcast %jit3A_89 : f32 to vector<32x128xf32>
    %broadcast_in_dim3A_92 = vector.broadcast %jit3A_90 : f32 to vector<32x128xf32>
    %select_n3A_93 = arith.select %and3A_88, %broadcast_in_dim3A_91, %broadcast_in_dim3A_92 : vector<32x128xi1>, vector<32x128xf32>
    %mul3A_94 = arith.mulf %select_n3A_93, %add3A_65 : vector<32x128xf32>
    %reduce_sum3A_95 = vector.shape_cast %mul3A_94 : vector<32x128xf32> to vector<1x32x128xf32>
    %reduce_sum3A_96 = arith.constant dense<0.000000e+00> : vector<1xf32>
    %reduce_sum3A_97 = vector.multi_reduction <add>, %reduce_sum3A_95, %reduce_sum3A_96 [1, 2] : vector<1x32x128xf32> to vector<1xf32>
    %reduce_sum3A_98 = vector.shape_cast %reduce_sum3A_97 : vector<1xf32> to vector<1x1x1xf32>
    %reduce_sum3A_99 = vector.extract %reduce_sum3A_98[0, 0, 0] : f32 from vector<1x1x1xf32>
    %mul3A_100 = arith.mulf %select_n3A_93, %add3A_33 : vector<32x128xf32>
    %reduce_sum3A_101 = vector.shape_cast %mul3A_100 : vector<32x128xf32> to vector<1x32x128xf32>
    %reduce_sum3A_102 = arith.constant dense<0.000000e+00> : vector<1xf32>
    %reduce_sum3A_103 = vector.multi_reduction <add>, %reduce_sum3A_101, %reduce_sum3A_102 [1, 2] : vector<1x32x128xf32> to vector<1xf32>
    %reduce_sum3A_104 = vector.shape_cast %reduce_sum3A_103 : vector<1xf32> to vector<1x1x1xf32>
    %reduce_sum3A_105 = vector.extract %reduce_sum3A_104[0, 0, 0] : f32 from vector<1x1x1xf32>
    %mul3A_106 = arith.mulf %select_n3A_93, %add3A : vector<32x128xf32>
    %reduce_sum3A_107 = vector.shape_cast %mul3A_106 : vector<32x128xf32> to vector<1x32x128xf32>
    %reduce_sum3A_108 = arith.constant dense<0.000000e+00> : vector<1xf32>
    %reduce_sum3A_109 = vector.multi_reduction <add>, %reduce_sum3A_107, %reduce_sum3A_108 [1, 2] : vector<1x32x128xf32> to vector<1xf32>
    %reduce_sum3A_110 = vector.shape_cast %reduce_sum3A_109 : vector<1xf32> to vector<1x1x1xf32>
    %reduce_sum3A_111 = vector.extract %reduce_sum3A_110[0, 0, 0] : f32 from vector<1x1x1xf32>
    %mul3A_112 = arith.mulf %select_n3A_93, %add3A_56 : vector<32x128xf32>
    %reduce_sum3A_113 = vector.shape_cast %mul3A_112 : vector<32x128xf32> to vector<1x32x128xf32>
    %reduce_sum3A_114 = arith.constant dense<0.000000e+00> : vector<1xf32>
    %reduce_sum3A_115 = vector.multi_reduction <add>, %reduce_sum3A_113, %reduce_sum3A_114 [1, 2] : vector<1x32x128xf32> to vector<1xf32>
    %reduce_sum3A_116 = vector.shape_cast %reduce_sum3A_115 : vector<1xf32> to vector<1x1x1xf32>
    %reduce_sum3A_117 = vector.extract %reduce_sum3A_116[0, 0, 0] : f32 from vector<1x1x1xf32>
    %mul3A_118 = arith.mulf %select_n3A_93, %add3A_79 : vector<32x128xf32>
    %reduce_sum3A_119 = vector.shape_cast %mul3A_118 : vector<32x128xf32> to vector<1x32x128xf32>
    %reduce_sum3A_120 = arith.constant dense<0.000000e+00> : vector<1xf32>
    %reduce_sum3A_121 = vector.multi_reduction <add>, %reduce_sum3A_119, %reduce_sum3A_120 [1, 2] : vector<1x32x128xf32> to vector<1xf32>
    %reduce_sum3A_122 = vector.shape_cast %reduce_sum3A_121 : vector<1xf32> to vector<1x1x1xf32>
    %reduce_sum3A_123 = vector.extract %reduce_sum3A_122[0, 0, 0] : f32 from vector<1x1x1xf32>
    %sub3A_124 = arith.constant 5.010000e+02 : f32
    %sub3A_125 = arith.subf %sub3A_124, %reduce_sum3A_99 : f32
    %mul3A_126 = arith.mulf %sub3A_125, %reduce_sum3A_117 : f32
    %add3A_127 = arith.addf %reduce_sum3A_123, %mul3A_126 : f32
    %mul3A_128 = arith.constant 5.000000e-01 : f32
    %mul3A_129 = arith.mulf %mul3A_128, %reduce_sum3A_111 : f32
    %mul3A_130 = arith.mulf %mul3A_129, %sub3A_125 : f32
    %mul3A_131 = arith.mulf %mul3A_130, %sub3A_125 : f32
    %max3A = arith.constant 1.000000e+00 : f32
    %max3A_132 = arith.maximumf %reduce_sum3A_105, %max3A : f32
    %div3A = arith.divf %mul3A_131, %max3A_132 : f32
    %add3A_133 = arith.addf %add3A_127, %div3A : f32
    %mul3A_134 = arith.constant 4.000000e-12 : f32
    %mul3A_135 = arith.mulf %add3A_133, %mul3A_134 : f32
    %eq3A_136 = arith.constant 0 : i32
    %eq3A_137 = vector.broadcast %eq3A_136 : i32 to vector<1x4xi32>
    %eq3A_138 = arith.cmpi eq, %iota3A_82, %eq3A_137 : vector<1x4xi32>
    %jit3A_139 = arith.constant 1.000000e+00 : f32
    %jit3A_140 = arith.constant 0.000000e+00 : f32
    %broadcast_in_dim3A_141 = vector.broadcast %jit3A_139 : f32 to vector<1x4xf32>
    %broadcast_in_dim3A_142 = vector.broadcast %jit3A_140 : f32 to vector<1x4xf32>
    %select_n3A_143 = arith.select %eq3A_138, %broadcast_in_dim3A_141, %broadcast_in_dim3A_142 : vector<1x4xi1>, vector<1x4xf32>
    %mul3A_144 = vector.broadcast %mul3A_135 : f32 to vector<1x4xf32>
    %mul3A_145 = arith.mulf %mul3A_144, %select_n3A_143 : vector<1x4xf32>
    %add3A_146 = arith.addf %broadcast_in_dim3A_81, %mul3A_145 : vector<1x4xf32>
    %lt3A_147 = arith.constant 5.001000e+03 : f32
    %lt3A_148 = vector.broadcast %lt3A_147 : f32 to vector<32x128xf32>
    %lt3A_149 = arith.cmpf olt, %add3A_65, %lt3A_148 : vector<32x128xf32>
    %add3A_150 = arith.addf %add3A_65, %add3A_33 : vector<32x128xf32>
    %ge3A_151 = arith.constant 5.001000e+03 : f32
    %ge3A_152 = vector.broadcast %ge3A_151 : f32 to vector<32x128xf32>
    %ge3A_153 = arith.cmpf oge, %add3A_150, %ge3A_152 : vector<32x128xf32>
    %and3A_154 = arith.andi %lt3A_149, %ge3A_153 : vector<32x128xi1>
    %jit3A_155 = arith.constant 1.000000e+00 : f32
    %jit3A_156 = arith.constant 0.000000e+00 : f32
    %broadcast_in_dim3A_157 = vector.broadcast %jit3A_155 : f32 to vector<32x128xf32>
    %broadcast_in_dim3A_158 = vector.broadcast %jit3A_156 : f32 to vector<32x128xf32>
    %select_n3A_159 = arith.select %and3A_154, %broadcast_in_dim3A_157, %broadcast_in_dim3A_158 : vector<32x128xi1>, vector<32x128xf32>
    %mul3A_160 = arith.mulf %select_n3A_159, %add3A_65 : vector<32x128xf32>
    %reduce_sum3A_161 = vector.shape_cast %mul3A_160 : vector<32x128xf32> to vector<1x32x128xf32>
    %reduce_sum3A_162 = arith.constant dense<0.000000e+00> : vector<1xf32>
    %reduce_sum3A_163 = vector.multi_reduction <add>, %reduce_sum3A_161, %reduce_sum3A_162 [1, 2] : vector<1x32x128xf32> to vector<1xf32>
    %reduce_sum3A_164 = vector.shape_cast %reduce_sum3A_163 : vector<1xf32> to vector<1x1x1xf32>
    %reduce_sum3A_165 = vector.extract %reduce_sum3A_164[0, 0, 0] : f32 from vector<1x1x1xf32>
    %mul3A_166 = arith.mulf %select_n3A_159, %add3A_33 : vector<32x128xf32>
    %reduce_sum3A_167 = vector.shape_cast %mul3A_166 : vector<32x128xf32> to vector<1x32x128xf32>
    %reduce_sum3A_168 = arith.constant dense<0.000000e+00> : vector<1xf32>
    %reduce_sum3A_169 = vector.multi_reduction <add>, %reduce_sum3A_167, %reduce_sum3A_168 [1, 2] : vector<1x32x128xf32> to vector<1xf32>
    %reduce_sum3A_170 = vector.shape_cast %reduce_sum3A_169 : vector<1xf32> to vector<1x1x1xf32>
    %reduce_sum3A_171 = vector.extract %reduce_sum3A_170[0, 0, 0] : f32 from vector<1x1x1xf32>
    %mul3A_172 = arith.mulf %select_n3A_159, %add3A : vector<32x128xf32>
    %reduce_sum3A_173 = vector.shape_cast %mul3A_172 : vector<32x128xf32> to vector<1x32x128xf32>
    %reduce_sum3A_174 = arith.constant dense<0.000000e+00> : vector<1xf32>
    %reduce_sum3A_175 = vector.multi_reduction <add>, %reduce_sum3A_173, %reduce_sum3A_174 [1, 2] : vector<1x32x128xf32> to vector<1xf32>
    %reduce_sum3A_176 = vector.shape_cast %reduce_sum3A_175 : vector<1xf32> to vector<1x1x1xf32>
    %reduce_sum3A_177 = vector.extract %reduce_sum3A_176[0, 0, 0] : f32 from vector<1x1x1xf32>
    %mul3A_178 = arith.mulf %select_n3A_159, %add3A_56 : vector<32x128xf32>
    %reduce_sum3A_179 = vector.shape_cast %mul3A_178 : vector<32x128xf32> to vector<1x32x128xf32>
    %reduce_sum3A_180 = arith.constant dense<0.000000e+00> : vector<1xf32>
    %reduce_sum3A_181 = vector.multi_reduction <add>, %reduce_sum3A_179, %reduce_sum3A_180 [1, 2] : vector<1x32x128xf32> to vector<1xf32>
    %reduce_sum3A_182 = vector.shape_cast %reduce_sum3A_181 : vector<1xf32> to vector<1x1x1xf32>
    %reduce_sum3A_183 = vector.extract %reduce_sum3A_182[0, 0, 0] : f32 from vector<1x1x1xf32>
    %mul3A_184 = arith.mulf %select_n3A_159, %add3A_79 : vector<32x128xf32>
    %reduce_sum3A_185 = vector.shape_cast %mul3A_184 : vector<32x128xf32> to vector<1x32x128xf32>
    %reduce_sum3A_186 = arith.constant dense<0.000000e+00> : vector<1xf32>
    %reduce_sum3A_187 = vector.multi_reduction <add>, %reduce_sum3A_185, %reduce_sum3A_186 [1, 2] : vector<1x32x128xf32> to vector<1xf32>
    %reduce_sum3A_188 = vector.shape_cast %reduce_sum3A_187 : vector<1xf32> to vector<1x1x1xf32>
    %reduce_sum3A_189 = vector.extract %reduce_sum3A_188[0, 0, 0] : f32 from vector<1x1x1xf32>
    %sub3A_190 = arith.constant 5.001000e+03 : f32
    %sub3A_191 = arith.subf %sub3A_190, %reduce_sum3A_165 : f32
    %mul3A_192 = arith.mulf %sub3A_191, %reduce_sum3A_183 : f32
    %add3A_193 = arith.addf %reduce_sum3A_189, %mul3A_192 : f32
    %mul3A_194 = arith.constant 5.000000e-01 : f32
    %mul3A_195 = arith.mulf %mul3A_194, %reduce_sum3A_177 : f32
    %mul3A_196 = arith.mulf %mul3A_195, %sub3A_191 : f32
    %mul3A_197 = arith.mulf %mul3A_196, %sub3A_191 : f32
    %max3A_198 = arith.constant 1.000000e+00 : f32
    %max3A_199 = arith.maximumf %reduce_sum3A_171, %max3A_198 : f32
    %div3A_200 = arith.divf %mul3A_197, %max3A_199 : f32
    %add3A_201 = arith.addf %add3A_193, %div3A_200 : f32
    %mul3A_202 = arith.constant 4.000000e-12 : f32
    %mul3A_203 = arith.mulf %add3A_201, %mul3A_202 : f32
    %eq3A_204 = arith.constant 1 : i32
    %eq3A_205 = vector.broadcast %eq3A_204 : i32 to vector<1x4xi32>
    %eq3A_206 = arith.cmpi eq, %iota3A_82, %eq3A_205 : vector<1x4xi32>
    %jit3A_207 = arith.constant 1.000000e+00 : f32
    %jit3A_208 = arith.constant 0.000000e+00 : f32
    %broadcast_in_dim3A_209 = vector.broadcast %jit3A_207 : f32 to vector<1x4xf32>
    %broadcast_in_dim3A_210 = vector.broadcast %jit3A_208 : f32 to vector<1x4xf32>
    %select_n3A_211 = arith.select %eq3A_206, %broadcast_in_dim3A_209, %broadcast_in_dim3A_210 : vector<1x4xi1>, vector<1x4xf32>
    %mul3A_212 = vector.broadcast %mul3A_203 : f32 to vector<1x4xf32>
    %mul3A_213 = arith.mulf %mul3A_212, %select_n3A_211 : vector<1x4xf32>
    %add3A_214 = arith.addf %add3A_146, %mul3A_213 : vector<1x4xf32>
    %lt3A_215 = arith.constant 2.500100e+04 : f32
    %lt3A_216 = vector.broadcast %lt3A_215 : f32 to vector<32x128xf32>
    %lt3A_217 = arith.cmpf olt, %add3A_65, %lt3A_216 : vector<32x128xf32>
    %add3A_218 = arith.addf %add3A_65, %add3A_33 : vector<32x128xf32>
    %ge3A_219 = arith.constant 2.500100e+04 : f32
    %ge3A_220 = vector.broadcast %ge3A_219 : f32 to vector<32x128xf32>
    %ge3A_221 = arith.cmpf oge, %add3A_218, %ge3A_220 : vector<32x128xf32>
    %and3A_222 = arith.andi %lt3A_217, %ge3A_221 : vector<32x128xi1>
    %jit3A_223 = arith.constant 1.000000e+00 : f32
    %jit3A_224 = arith.constant 0.000000e+00 : f32
    %broadcast_in_dim3A_225 = vector.broadcast %jit3A_223 : f32 to vector<32x128xf32>
    %broadcast_in_dim3A_226 = vector.broadcast %jit3A_224 : f32 to vector<32x128xf32>
    %select_n3A_227 = arith.select %and3A_222, %broadcast_in_dim3A_225, %broadcast_in_dim3A_226 : vector<32x128xi1>, vector<32x128xf32>
    %mul3A_228 = arith.mulf %select_n3A_227, %add3A_65 : vector<32x128xf32>
    %reduce_sum3A_229 = vector.shape_cast %mul3A_228 : vector<32x128xf32> to vector<1x32x128xf32>
    %reduce_sum3A_230 = arith.constant dense<0.000000e+00> : vector<1xf32>
    %reduce_sum3A_231 = vector.multi_reduction <add>, %reduce_sum3A_229, %reduce_sum3A_230 [1, 2] : vector<1x32x128xf32> to vector<1xf32>
    %reduce_sum3A_232 = vector.shape_cast %reduce_sum3A_231 : vector<1xf32> to vector<1x1x1xf32>
    %reduce_sum3A_233 = vector.extract %reduce_sum3A_232[0, 0, 0] : f32 from vector<1x1x1xf32>
    %mul3A_234 = arith.mulf %select_n3A_227, %add3A_33 : vector<32x128xf32>
    %reduce_sum3A_235 = vector.shape_cast %mul3A_234 : vector<32x128xf32> to vector<1x32x128xf32>
    %reduce_sum3A_236 = arith.constant dense<0.000000e+00> : vector<1xf32>
    %reduce_sum3A_237 = vector.multi_reduction <add>, %reduce_sum3A_235, %reduce_sum3A_236 [1, 2] : vector<1x32x128xf32> to vector<1xf32>
    %reduce_sum3A_238 = vector.shape_cast %reduce_sum3A_237 : vector<1xf32> to vector<1x1x1xf32>
    %reduce_sum3A_239 = vector.extract %reduce_sum3A_238[0, 0, 0] : f32 from vector<1x1x1xf32>
    %mul3A_240 = arith.mulf %select_n3A_227, %add3A : vector<32x128xf32>
    %reduce_sum3A_241 = vector.shape_cast %mul3A_240 : vector<32x128xf32> to vector<1x32x128xf32>
    %reduce_sum3A_242 = arith.constant dense<0.000000e+00> : vector<1xf32>
    %reduce_sum3A_243 = vector.multi_reduction <add>, %reduce_sum3A_241, %reduce_sum3A_242 [1, 2] : vector<1x32x128xf32> to vector<1xf32>
    %reduce_sum3A_244 = vector.shape_cast %reduce_sum3A_243 : vector<1xf32> to vector<1x1x1xf32>
    %reduce_sum3A_245 = vector.extract %reduce_sum3A_244[0, 0, 0] : f32 from vector<1x1x1xf32>
    %mul3A_246 = arith.mulf %select_n3A_227, %add3A_56 : vector<32x128xf32>
    %reduce_sum3A_247 = vector.shape_cast %mul3A_246 : vector<32x128xf32> to vector<1x32x128xf32>
    %reduce_sum3A_248 = arith.constant dense<0.000000e+00> : vector<1xf32>
    %reduce_sum3A_249 = vector.multi_reduction <add>, %reduce_sum3A_247, %reduce_sum3A_248 [1, 2] : vector<1x32x128xf32> to vector<1xf32>
    %reduce_sum3A_250 = vector.shape_cast %reduce_sum3A_249 : vector<1xf32> to vector<1x1x1xf32>
    %reduce_sum3A_251 = vector.extract %reduce_sum3A_250[0, 0, 0] : f32 from vector<1x1x1xf32>
    %mul3A_252 = arith.mulf %select_n3A_227, %add3A_79 : vector<32x128xf32>
    %reduce_sum3A_253 = vector.shape_cast %mul3A_252 : vector<32x128xf32> to vector<1x32x128xf32>
    %reduce_sum3A_254 = arith.constant dense<0.000000e+00> : vector<1xf32>
    %reduce_sum3A_255 = vector.multi_reduction <add>, %reduce_sum3A_253, %reduce_sum3A_254 [1, 2] : vector<1x32x128xf32> to vector<1xf32>
    %reduce_sum3A_256 = vector.shape_cast %reduce_sum3A_255 : vector<1xf32> to vector<1x1x1xf32>
    %reduce_sum3A_257 = vector.extract %reduce_sum3A_256[0, 0, 0] : f32 from vector<1x1x1xf32>
    %sub3A_258 = arith.constant 2.500100e+04 : f32
    %sub3A_259 = arith.subf %sub3A_258, %reduce_sum3A_233 : f32
    %mul3A_260 = arith.mulf %sub3A_259, %reduce_sum3A_251 : f32
    %add3A_261 = arith.addf %reduce_sum3A_257, %mul3A_260 : f32
    %mul3A_262 = arith.constant 5.000000e-01 : f32
    %mul3A_263 = arith.mulf %mul3A_262, %reduce_sum3A_245 : f32
    %mul3A_264 = arith.mulf %mul3A_263, %sub3A_259 : f32
    %mul3A_265 = arith.mulf %mul3A_264, %sub3A_259 : f32
    %max3A_266 = arith.constant 1.000000e+00 : f32
    %max3A_267 = arith.maximumf %reduce_sum3A_239, %max3A_266 : f32
    %div3A_268 = arith.divf %mul3A_265, %max3A_267 : f32
    %add3A_269 = arith.addf %add3A_261, %div3A_268 : f32
    %mul3A_270 = arith.constant 4.000000e-12 : f32
    %mul3A_271 = arith.mulf %add3A_269, %mul3A_270 : f32
    %eq3A_272 = arith.constant 2 : i32
    %eq3A_273 = vector.broadcast %eq3A_272 : i32 to vector<1x4xi32>
    %eq3A_274 = arith.cmpi eq, %iota3A_82, %eq3A_273 : vector<1x4xi32>
    %jit3A_275 = arith.constant 1.000000e+00 : f32
    %jit3A_276 = arith.constant 0.000000e+00 : f32
    %broadcast_in_dim3A_277 = vector.broadcast %jit3A_275 : f32 to vector<1x4xf32>
    %broadcast_in_dim3A_278 = vector.broadcast %jit3A_276 : f32 to vector<1x4xf32>
    %select_n3A_279 = arith.select %eq3A_274, %broadcast_in_dim3A_277, %broadcast_in_dim3A_278 : vector<1x4xi1>, vector<1x4xf32>
    %mul3A_280 = vector.broadcast %mul3A_271 : f32 to vector<1x4xf32>
    %mul3A_281 = arith.mulf %mul3A_280, %select_n3A_279 : vector<1x4xf32>
    %add3A_282 = arith.addf %add3A_214, %mul3A_281 : vector<1x4xf32>
    %lt3A_283 = arith.constant 5.000100e+04 : f32
    %lt3A_284 = vector.broadcast %lt3A_283 : f32 to vector<32x128xf32>
    %lt3A_285 = arith.cmpf olt, %add3A_65, %lt3A_284 : vector<32x128xf32>
    %add3A_286 = arith.addf %add3A_65, %add3A_33 : vector<32x128xf32>
    %ge3A_287 = arith.constant 5.000100e+04 : f32
    %ge3A_288 = vector.broadcast %ge3A_287 : f32 to vector<32x128xf32>
    %ge3A_289 = arith.cmpf oge, %add3A_286, %ge3A_288 : vector<32x128xf32>
    %and3A_290 = arith.andi %lt3A_285, %ge3A_289 : vector<32x128xi1>
    %jit3A_291 = arith.constant 1.000000e+00 : f32
    %jit3A_292 = arith.constant 0.000000e+00 : f32
    %broadcast_in_dim3A_293 = vector.broadcast %jit3A_291 : f32 to vector<32x128xf32>
    %broadcast_in_dim3A_294 = vector.broadcast %jit3A_292 : f32 to vector<32x128xf32>
    %select_n3A_295 = arith.select %and3A_290, %broadcast_in_dim3A_293, %broadcast_in_dim3A_294 : vector<32x128xi1>, vector<32x128xf32>
    %mul3A_296 = arith.mulf %select_n3A_295, %add3A_65 : vector<32x128xf32>
    %reduce_sum3A_297 = vector.shape_cast %mul3A_296 : vector<32x128xf32> to vector<1x32x128xf32>
    %reduce_sum3A_298 = arith.constant dense<0.000000e+00> : vector<1xf32>
    %reduce_sum3A_299 = vector.multi_reduction <add>, %reduce_sum3A_297, %reduce_sum3A_298 [1, 2] : vector<1x32x128xf32> to vector<1xf32>
    %reduce_sum3A_300 = vector.shape_cast %reduce_sum3A_299 : vector<1xf32> to vector<1x1x1xf32>
    %reduce_sum3A_301 = vector.extract %reduce_sum3A_300[0, 0, 0] : f32 from vector<1x1x1xf32>
    %mul3A_302 = arith.mulf %select_n3A_295, %add3A_33 : vector<32x128xf32>
    %reduce_sum3A_303 = vector.shape_cast %mul3A_302 : vector<32x128xf32> to vector<1x32x128xf32>
    %reduce_sum3A_304 = arith.constant dense<0.000000e+00> : vector<1xf32>
    %reduce_sum3A_305 = vector.multi_reduction <add>, %reduce_sum3A_303, %reduce_sum3A_304 [1, 2] : vector<1x32x128xf32> to vector<1xf32>
    %reduce_sum3A_306 = vector.shape_cast %reduce_sum3A_305 : vector<1xf32> to vector<1x1x1xf32>
    %reduce_sum3A_307 = vector.extract %reduce_sum3A_306[0, 0, 0] : f32 from vector<1x1x1xf32>
    %mul3A_308 = arith.mulf %select_n3A_295, %add3A : vector<32x128xf32>
    %reduce_sum3A_309 = vector.shape_cast %mul3A_308 : vector<32x128xf32> to vector<1x32x128xf32>
    %reduce_sum3A_310 = arith.constant dense<0.000000e+00> : vector<1xf32>
    %reduce_sum3A_311 = vector.multi_reduction <add>, %reduce_sum3A_309, %reduce_sum3A_310 [1, 2] : vector<1x32x128xf32> to vector<1xf32>
    %reduce_sum3A_312 = vector.shape_cast %reduce_sum3A_311 : vector<1xf32> to vector<1x1x1xf32>
    %reduce_sum3A_313 = vector.extract %reduce_sum3A_312[0, 0, 0] : f32 from vector<1x1x1xf32>
    %mul3A_314 = arith.mulf %select_n3A_295, %add3A_56 : vector<32x128xf32>
    %reduce_sum3A_315 = vector.shape_cast %mul3A_314 : vector<32x128xf32> to vector<1x32x128xf32>
    %reduce_sum3A_316 = arith.constant dense<0.000000e+00> : vector<1xf32>
    %reduce_sum3A_317 = vector.multi_reduction <add>, %reduce_sum3A_315, %reduce_sum3A_316 [1, 2] : vector<1x32x128xf32> to vector<1xf32>
    %reduce_sum3A_318 = vector.shape_cast %reduce_sum3A_317 : vector<1xf32> to vector<1x1x1xf32>
    %reduce_sum3A_319 = vector.extract %reduce_sum3A_318[0, 0, 0] : f32 from vector<1x1x1xf32>
    %mul3A_320 = arith.mulf %select_n3A_295, %add3A_79 : vector<32x128xf32>
    %reduce_sum3A_321 = vector.shape_cast %mul3A_320 : vector<32x128xf32> to vector<1x32x128xf32>
    %reduce_sum3A_322 = arith.constant dense<0.000000e+00> : vector<1xf32>
    %reduce_sum3A_323 = vector.multi_reduction <add>, %reduce_sum3A_321, %reduce_sum3A_322 [1, 2] : vector<1x32x128xf32> to vector<1xf32>
    %reduce_sum3A_324 = vector.shape_cast %reduce_sum3A_323 : vector<1xf32> to vector<1x1x1xf32>
    %reduce_sum3A_325 = vector.extract %reduce_sum3A_324[0, 0, 0] : f32 from vector<1x1x1xf32>
    %sub3A_326 = arith.constant 5.000100e+04 : f32
    %sub3A_327 = arith.subf %sub3A_326, %reduce_sum3A_301 : f32
    %mul3A_328 = arith.mulf %sub3A_327, %reduce_sum3A_319 : f32
    %add3A_329 = arith.addf %reduce_sum3A_325, %mul3A_328 : f32
    %mul3A_330 = arith.constant 5.000000e-01 : f32
    %mul3A_331 = arith.mulf %mul3A_330, %reduce_sum3A_313 : f32
    %mul3A_332 = arith.mulf %mul3A_331, %sub3A_327 : f32
    %mul3A_333 = arith.mulf %mul3A_332, %sub3A_327 : f32
    %max3A_334 = arith.constant 1.000000e+00 : f32
    %max3A_335 = arith.maximumf %reduce_sum3A_307, %max3A_334 : f32
    %div3A_336 = arith.divf %mul3A_333, %max3A_335 : f32
    %add3A_337 = arith.addf %add3A_329, %div3A_336 : f32
    %mul3A_338 = arith.constant 4.000000e-12 : f32
    %mul3A_339 = arith.mulf %add3A_337, %mul3A_338 : f32
    %eq3A_340 = arith.constant 3 : i32
    %eq3A_341 = vector.broadcast %eq3A_340 : i32 to vector<1x4xi32>
    %eq3A_342 = arith.cmpi eq, %iota3A_82, %eq3A_341 : vector<1x4xi32>
    %jit3A_343 = arith.constant 1.000000e+00 : f32
    %jit3A_344 = arith.constant 0.000000e+00 : f32
    %broadcast_in_dim3A_345 = vector.broadcast %jit3A_343 : f32 to vector<1x4xf32>
    %broadcast_in_dim3A_346 = vector.broadcast %jit3A_344 : f32 to vector<1x4xf32>
    %select_n3A_347 = arith.select %eq3A_342, %broadcast_in_dim3A_345, %broadcast_in_dim3A_346 : vector<1x4xi1>, vector<1x4xf32>
    %mul3A_348 = vector.broadcast %mul3A_339 : f32 to vector<1x4xf32>
    %mul3A_349 = arith.mulf %mul3A_348, %select_n3A_347 : vector<1x4xf32>
    %add3A_350 = arith.addf %add3A_282, %mul3A_349 : vector<1x4xf32>
    %swap3A = arith.constant 0 : index
    %swap3A_351 = arith.constant 0 : index
    %swap3A_352 = vector.load %arg1[%swap3A, %swap3A_351] : memref<1x4xf32, #tpu.memory_space<vmem>>, vector<1x4xf32>
    tpu.vector_store %arg1[%swap3A, %swap3A_351], %add3A_350 {strides = array<i32>} : memref<1x4xf32, #tpu.memory_space<vmem>>, vector<1x4xf32>,
    return
  }
}

</mosaic_0001>

<sc_bundles>
// kernel: kernel.4.cloned.1.call-start
scs
__scs_entry_jumppad:
0x0: {  	(pc) =	sbr.rel $0x88, $3  }
0x1: {  	(tag) =	ssettag $0x0;
	lr =	simm.s32 $0x1  }
0x2: {  	[smem:$0x3F9F] =	sst lr;
	_ =	strace $0xD0000000  }
0x3: {  	_ = 	snop  }
0x4: {  	_ = 	snop  }
0x5: {  	_ = 	snop  }
0x6: {  	_ = 	snop  }
0x7: {  	_ = 	snop  }
__scs_overlays_trampoline_lowered:
0x8: {  	[smem:$0x3FAE] =	sst s0  }
0x9: {  	[smem:$0x3FAF] =	sst s1  }
0xa: {  	[smem:$0x3FB0] =	sst s2  }
0xb: {  	[smem:$0x3FB1] =	sst s3  }
0xc: {  	[smem:$0x3FB2] =	sst s4  }
0xd: {  	[smem:$0x3FB3] =	sst s5  }
0xe: {  	[smem:$0x3FB4] =	sst s6  }
0xf: {  	[smem:$0x3FB5] =	sst s7  }
0x10: {  	[smem:$0x3FB6] =	sst s8  }
0x11: {  	[smem:$0x3FB7] =	sst s9;
	s0 =	simm.s32 @!p0 $0x0  }
0x12: {  	s1 =	sld [smem:$0x3F9D];
	s0 =	simm.s32 @p0 $0x1  }
0x13: {  	[smem:$0x3FB8] =	sst s0;
	s0 =	simm.s32 @!p1 $0x0  }
0x14: {  	s2 =	sld [smem:$0x3F9C];
	s0 =	simm.s32 @p1 $0x1  }
0x15: {  	[smem:$0x3FB9] =	sst s0;
	s0 =	simm.s32 @!p2 $0x0  }
0x16: {  	s3 =	sld [smem:$0x3FDB];
	s0 =	simm.s32 @p2 $0x1  }
0x17: {  	s4 =	simm.s32 $0x1BF5;
	[smem:$0x3FBB] =	sst s0  }
0x18: {  	s0 =	sld [smem:$0x3F9E];
	_ =	swait.ge [sflag:s4], $0x0  }
0x19: {  	s7 =	sld [smem:$0x3F9F]  }
0x1a: {  	s8 =	sadd.s32 $0xFFFFE003, lr  }
0x1b: {  	s9 =	sadd.s32 $0xFFFFFEF7, lr;
	s5 =	simm.s32 $0xFFFFFFFF;
	p2 =	slt.u32 s8, $0xFFFFF086  }
0x1c: {  	p1 =	slt.u32 s9, $0xF7A;
	s5 =	simm.s32 @!p2 $0x0  }
0x1d: {  	s5 =	simm.s32 @p1 $0x1;
	p0 =	seq.s32 s7, s2  }
0x1e: {  	s7 =	smul.u32 @!p0 $0xF7A, s2;
	p2 =	seq.s32 @!p0 s5, $0x0  }
0x1f: {  	s9 =	smul.u32 $0xF7A, s1;
	s8 =	simm.s32 @!p0 $0x1BF5;
	p2 =	por !p2, p0  }
0x20: {  	[sflag:s8] =	ssyncset.s32 @!p0 $0xFFFFF086;
	s6 =	sadd.s32 @!p0 s3, s7;
	s7 =	simm.s32 @!p0 $0x108  }
0x21: {  	s3 =	sadd.s32 s3, s9;
	s6 =	sadd.s32 @!p0 $0x88, s6;
	s7 =	simm.s32 @p2 $0x1082  }
0x22: {  	[simem:s7], [sflag:s8] =	dma.local @!p0 [hbm:s6], $0xF7A  }
0x23: {  	s9 =	sor.u32 $0xD0000000, s2;
	s6 =	simm.s32 $0x108;
	_ =	swait.ge @!p0 [sflag:s8], $0x0  }
0x24: {  	s3 =	sadd.s32 $0x88, s3;
	s6 =	simm.s32 @!p1 $0x1082;
	[sflag:s4] =	ssyncset.s32 $0xFFFFF086  }
0x25: {  	[simem:s6], [sflag:s4] =	dma.local [hbm:s3], $0xF7A  }
0x26: {  	[smem:$0x3F9F] =	sst s1;
	(tag) =	ssettag s2;
	_ =	strace s9  }
0x27: {  	s1 =	sld [smem:$0x3FAF]  }
0x28: {  	s2 =	sld [smem:$0x3FB0]  }
0x29: {  	s4 =	sld [smem:$0x3FB2]  }
0x2a: {  	p0 =	seq.s32 s5, $0x0;
	s5 =	sld [smem:$0x3FB3]  }
0x2b: {  	s6 =	sld [smem:$0x3FB4]  }
0x2c: {  	s7 =	sld [smem:$0x3FB5]  }
0x2d: {  	s3 =	simm.s32 $0x108;
	s8 =	sld [smem:$0x3FB6]  }
0x2e: {  	s3 =	simm.s32 @!p0 $0x1082;
	s9 =	sld [smem:$0x3FB7]  }
0x2f: {  	lr =	sadd.s32 s0, s3;
	s0 =	sld [smem:$0x3FAE]  }
0x30: {  	s3 =	sld [smem:$0x3FB1]  }
0x31: {  	[smem:$0x3FBA] =	sst s10  }
0x32: {  	s10 =	sld [smem:$0x3FB8];
	_ =	sdelay $0x3  }
0x33: {  	p0 =	seq.s32 s10, $0x1;
	s10 =	sld [smem:$0x3FBA];
	_ =	sdelay $0x3  }
0x34: {  	[smem:$0x3FBA] =	sst s10  }
0x35: {  	s10 =	sld [smem:$0x3FB9];
	_ =	sdelay $0x3  }
0x36: {  	p1 =	seq.s32 s10, $0x1;
	s10 =	sld [smem:$0x3FBA];
	_ =	sdelay $0x3  }
0x37: {  	[smem:$0x3FBA] =	sst s10  }
0x38: {  	s10 =	sld [smem:$0x3FBB]  }
0x39: {  	_ = 	snop;
	(pc) =	sbr.ind lr, $3  }
0x3a: {  	_ = 	snop  }
0x3b: {  	_ = 	snop  }
0x3c: {  	p2 =	seq.s32 s10, $0x1;
	s10 =	sld [smem:$0x3FBA]  }
0x3d: {  	_ =	shalt  }
0x3e: {  	_ =	shalt  }
0x3f: {  	_ =	shalt  }
0x40: {  	_ =	shalt  }
0x41: {  	_ =	shalt  }
0x42: {  	_ =	shalt  }
0x43: {  	_ =	shalt  }
0x44: {  	_ =	shalt  }
0x45: {  	_ =	shalt  }
0x46: {  	_ =	shalt  }
0x47: {  	_ =	shalt  }
0x48: {  	_ =	shalt  }
0x49: {  	_ =	shalt  }
0x4a: {  	_ =	shalt  }
0x4b: {  	_ =	shalt  }
0x4c: {  	_ =	shalt  }
0x4d: {  	_ =	shalt  }
0x4e: {  	_ =	shalt  }
0x4f: {  	_ =	shalt  }
0x50: {  	_ =	shalt  }
0x51: {  	_ =	shalt  }
0x52: {  	_ =	shalt  }
0x53: {  	_ =	shalt  }
0x54: {  	_ =	shalt  }
0x55: {  	_ =	shalt  }
0x56: {  	_ =	shalt  }
0x57: {  	_ =	shalt  }
0x58: {  	_ =	shalt  }
0x59: {  	_ =	shalt  }
0x5a: {  	_ =	shalt  }
0x5b: {  	_ =	shalt  }
0x5c: {  	_ =	shalt  }
0x5d: {  	_ =	shalt  }
0x5e: {  	_ =	shalt  }
0x5f: {  	_ =	shalt  }
0x60: {  	_ =	shalt  }
0x61: {  	_ =	shalt  }
0x62: {  	_ =	shalt  }
0x63: {  	_ =	shalt  }
0x64: {  	_ =	shalt  }
0x65: {  	_ =	shalt  }
0x66: {  	_ =	shalt  }
0x67: {  	_ =	shalt  }
0x68: {  	_ =	shalt  }
0x69: {  	_ =	shalt  }
0x6a: {  	_ =	shalt  }
0x6b: {  	_ =	shalt  }
0x6c: {  	_ =	shalt  }
0x6d: {  	_ =	shalt  }
0x6e: {  	_ =	shalt  }
0x6f: {  	_ =	shalt  }
0x70: {  	_ =	shalt  }
0x71: {  	_ =	shalt  }
0x72: {  	_ =	shalt  }
0x73: {  	_ =	shalt  }
0x74: {  	_ =	shalt  }
0x75: {  	_ =	shalt  }
0x76: {  	_ =	shalt  }
0x77: {  	_ =	shalt  }
0x78: {  	_ =	shalt  }
0x79: {  	_ =	shalt  }
0x7a: {  	_ =	shalt  }
0x7b: {  	_ =	shalt  }
0x7c: {  	_ =	shalt  }
0x7d: {  	_ =	shalt  }
0x7e: {  	_ =	shalt  }
0x7f: {  	_ =	shalt  }
0x80: {  	_ =	shalt  }
0x81: {  	_ =	shalt  }
0x82: {  	_ =	shalt  }
0x83: {  	_ =	shalt  }
0x84: {  	_ =	shalt  }
0x85: {  	_ =	shalt  }
0x86: {  	_ =	shalt  }
0x87: {  	_ =	shalt  }
.Lfunc_end0:
.L_simem_size_0:
called_computation_lowered:
.L_overlay_start_0:
0x88: {  	s2 =	sld [smem:$0x3FD9]  }
0x89: {  	s3 =	sld [smem:$0x3FFE];
	_ =	sdelay $0x1  }
0x8a: {  	s1 =	srdreg.scid  }
0x8b: {  	s0 =	sand.u32 $0x1, s1  }
0x8c: {  	s16 =	sshll.u32 s0, $0xA;
	s2 =	sadd.s32 s3, s2  }
0x8d: {  	s2 =	sadd.s32 s2, s16  }
0x8e: {  	[smem:$0x3FC6] =	sst s2  }
0x8f: {  	_ = 	snop  }
0x90: {  	(tm) =	ssettm $0x1  }
0x91: {  	s17 =	sld [smem:$0x3FFB];
	_ =	sdelay $0x3  }
0x92: {  	_ =	strace s17  }
0x93: {  	s2 =	sld [smem:$0x3FFC];
	_ =	sdelay $0x3  }
0x94: {  	_ =	strace s2  }
0x95: {  	s2 =	sld [smem:$0x3FFD];
	_ =	sdelay $0x3  }
0x96: {  	_ =	strace s2  }
0x97: {  	_ =	strace $0x8FFFFFFF  }
0x98: {  	s18 =	sld [smem:$0x3FDB];
	_ =	sdelay $0x1  }
0x99: {  	s19 =	simm.s32 $_scs_section_size  }
0x9a: {  	s4 =	simm.s32 $_size__tile_overlayer_lowered;
	s5 =	simm.s32 $_tile_overlayer_lowered  }
0x9b: {  	s22 =	simm.s32 $0x1BFF;
	s21 =	sshll.u32 s5, $0x1;
	s2 =	sadd.s32 s19, s18  }
0x9c: {  	s6 =	simm.s32 $0x0;
	s20 =	sshll.u32 s4, $0x1;
	s4 =	sadd.s32 s21, s2  }
0x9d: {  	[timem:s6], [sflag:s22] =	dma.local [hbm:s4], s20  }
0x9e: {  	_ =	swait.ge [sflag:s22], s20  }
0x9f: {  	s3 =	ssub.s32 $0x0, s20;
	[sflag:s22] =	ssyncset.done $0x0  }
0xa0: {  	[sflag:s22] =	ssyncadd.s32 s3;
	_ =	sdelay $0x1  }
0xa1: {  	s23 =	simm.s32 $0x1B8B  }
0xa2: {  	_ =	swait.ge [sflag:s23], $0x1  }
0xa3: {  	[sflag:s23] =	ssyncset.done $0x0  }
0xa4: {  	s25 =	simm.s32 $0x1B8E;
	s24 =	sld [smem:$0x3FFE];
	[sflag:s23] =	ssyncadd.s32 $0xFFFFFFFF  }
0xa5: {  	s26 =	simm.s32 $execute0_lowered;
	[smem:$0x3FD2] =	sst s25  }
0xa6: {  	s4 =	sshll.u32 s26, $0x1;
	_ =	strace $0x80000046;
	[dreg:$0x1] =	wrdreg $0xFFFFFFFF  }
0xa7: {  	s28 =	simm.s32 $_size_execute0_lowered;
	s2 =	sadd.s32 s2, s4;
	[dreg:$0x0] =	wrdreg $0x0  }
0xa8: {  	s4 =	sshll.u32 s28, $0x1;
	[dreg:$0x2] =	wrdreg s2  }
0xa9: {  	[dreg:$0x3] =	wrdreg s4  }
0xaa: {  	[dreg:$0x4] =	wrdreg $0xC0  }
0xab: {  	_ =	task [dreg:s6], $0x5FFFF  }
0xac: {  	[dreg:$0x1] =	wrdreg $0xFFFFFFFF  }
0xad: {  	[dreg:$0x0] =	wrdreg $0x60  }
0xae: {  	[dreg:$0x2] =	wrdreg s24  }
0xaf: {  	[dreg:$0x3] =	wrdreg $0x198800  }
0xb0: {  	[dreg:$0x4] =	wrdreg $0x9  }
0xb1: {  	_ =	task.clear_ibuf [dreg:s6], $0x5FFFF;
	_ =	strace $0x90000046  }
0xb2: {  	s29 =	simm.s32 $0x9;
	_ =	strace $0x80000048  }
0xb3: {  	_ =	swait.ge [sflag:s29], $0x1  }
0xb4: {  	[sflag:s29] =	ssyncadd.s32 $0xFFFFFFFF  }
0xb5: {  	_ =	strace $0x90000048  }
0xb6: {  	_ =	sfence  }
0xb7: {  	s30 =	sld [smem:$0x0];
	_ =	sdelay $0x2  }
0xb8: {  	s31 =	sshll.u32 s1, $0xD;
	s1 =	sshrl.u32 s1, $0x2  }
0xb9: {  	s3 =	sand.u32 $0x4000, s31;
	s1 =	sadd.s32 s1, s30  }
0xba: {  	s0 =	sor.u32 s3, s0;
	s1 =	sshll.u32 s1, $0x11  }
0xbb: {  	s0 =	sor.u32 s1, s0  }
0xbc: {  	s0 =	sadd.s32 $0x8F2B, s0  }
0xbd: {  	[sflag:s0] =	ssyncadd.remote.s32 $0x1  }
0xbe: {  	_ =	sfence.sel $0xFFFF  }
0xbf: {  	[dreg:$0x0] =	wrdreg $0xFFFFFFFF;
	(pc) =	sbr.abs _section_cstart, $3  }
0xc0: {  	[dreg:$0x1] =	wrdreg $0xFFFFFFFF  }
0xc1: {  	_ =	task.clear_ibuf [dreg:s6], $0x2FFFF;
	_ =	strace $0x9FFFFFFF  }
0xc2: {  	(tm) =	ssettm $0x7FFFFFFF  }
0xc3: {  	_ =	shalt  }
tec
execute0_lowered:
.L_overlay_start_1:
0x0: {  	(tag) =	ssettag $0x1  }
0x1: {  	s1 =	srdreg.scid;
	s2 =	stileid.u32  }
0x2: {  	v0 =	vimm.s32 $0x8780;
	vm0 =	vcmask $0x300;
	s1 =	sand.u32 $0x1, s1;
	s4 =	smul.u32 $0xFA0, s2  }
0x3: {  	vm14 =	vcmask $0x704;
	v0 =	vsel vm0, $0x0, v0;
	s3 =	smul.u32 $0x7A120, s1  }
0x4: {  	vm15 =	vcmask $0xB08;
	v0 =	vsel vm14, $0x80, v0;
	s21 =	sshll.u32 s1, $0x9;
	s1 =	ssub.s32 $0x2, s1  }
0x5: {  	s0 =	rddreg [dreg:$0x0];
	vm4 =	vcmask $0xF0C;
	v0 =	vsel vm15, $0x100, v0;
	s22 =	sshrl.u32 s1, $0x1;
	s3 =	sadd.s32 s4, s3  }
0x6: {  	s5 =	simm.s32 $0x0;
	vm5 =	vcmask $0x1310;
	v0 =	vsel vm4, $0x180, v0;
	s1 =	ssub.s32 s1, s22;
	s3 =	sshrl.u32 s3, $0x3  }
0x7: {  	vm6 =	vcmask $0x1714;
	[smem:$0x7FF] =	sst s5;
	v0 =	vsel vm5, $0x200, v0;
	s31 =	smax.u32 s1, $0x1;
	s3 =	sadd.s32 s3, s0  }
0x8: {  	vm7 =	vcmask $0x1B18;
	_ =	strace $0x80000047;
	v0 =	vsel vm6, $0x280, v0;
	[dreg:$0x13] =	wrdreg s31;
	s23 =	sadd.s32 $0x600, s3  }
0x9: {  	vm8 =	vcmask $0x1F1C;
	s24 =	sadd.s32 $0x2540, s3;
	v0 =	vsel vm7, $0x300, v0;
	[dreg:$0xa] =	wrdreg s23  }
0xa: {  	vm9 =	vcmask $0x2320;
	s25 =	sadd.s32 $0x4480, s3;
	[dreg:$0xb] =	wrdreg s24;
	v0 =	vsel vm8, $0x380, v0  }
0xb: {  	vm10 =	vcmask $0x2724;
	s26 =	sadd.s32 $0x63C0, s3;
	[dreg:$0xc] =	wrdreg s25;
	v0 =	vsel vm9, $0x8400, v0  }
0xc: {  	vm11 =	vcmask $0x2B28;
	s28 =	sadd.s32 $0x8300, s3;
	[dreg:$0xd] =	wrdreg s26;
	v0 =	vsel vm10, $0x8480, v0  }
0xd: {  	vm12 =	vcmask $0x2F2C;
	s29 =	sadd.s32 $0xA240, s3;
	[dreg:$0xe] =	wrdreg s28;
	v0 =	vsel vm11, $0x8500, v0  }
0xe: {  	vm13 =	vcmask $0x3330;
	s30 =	sadd.s32 $0xC180, s3;
	[dreg:$0xf] =	wrdreg s29;
	v1 =	vsel vm12, $0x8580, v0  }
0xf: {  	v4 =	vimm.s32 $0x1;
	vm14 =	vcmask $0x3734;
	s0 =	sadd.s32 s21, s0;
	s3 =	sadd.s32 $0xE0C0, s3;
	[dreg:$0x10] =	wrdreg s30;
	v2 =	vsel vm13, $0x8600, v1  }
0x10: {  	p0 =	sgt.u32 s2, $0xC;
	vm15 =	vcmask $0x3B38;
	s0 =	sadd.s32 $0x1F000, s0;
	[dreg:$0x11] =	wrdreg s3;
	v0 =	vlaneseq.u32;
	v3 =	vsel vm14, $0x8680, v2  }
0x11: {  	p1 =	sne.s32 s2, $0x0;
	s2 =	simm.s32 $0x0;
	[dreg:$0x12] =	wrdreg s0;
	v1 =	vor.u32 $0x10, v0;
	v2 =	vimm.s32 $0x0;
	v3 =	vsel vm15, $0x8700, v3  }
.LBB2_1:
0x12: {  	s0 =	rddreg [dreg:$0xa]  }
0x13: {  	s15 =	simm.s32 $0x0;
	s16 =	rddreg [dreg:$0xb]  }
0x14: {  	[tilespmem:s15], [sflag:$0x1] =	stream.linear.gather [hbm4b:s0+s15], $0xFA0, $0x38;
	[tilespmem:$0x19980] =	vst v63  }
0x15: {  	s1 =	simm.s32 $0x1000;
	s17 =	rddreg [dreg:$0xc]  }
0x16: {  	[tilespmem:s1], [sflag:$0x2] =	stream.linear.gather [hbm4b:s16+s15], $0xFA0, $0x38;
	[tilespmem:$0x19980] =	vst v63  }
0x17: {  	s18 =	simm.s32 $0x2000;
	s19 =	rddreg [dreg:$0xd]  }
0x18: {  	[tilespmem:s18], [sflag:$0x3] =	stream.linear.gather [hbm4b:s17+s15], $0xFA0, $0x38;
	[tilespmem:$0x19980] =	vst v63  }
0x19: {  	s20 =	simm.s32 $0x3000;
	s21 =	rddreg [dreg:$0xe]  }
0x1a: {  	[tilespmem:s20], [sflag:$0x4] =	stream.linear.gather [hbm4b:s19+s15], $0xFA0, $0x38;
	[tilespmem:$0x19980] =	vst v63  }
0x1b: {  	s22 =	simm.s32 $0x4000;
	s23 =	rddreg [dreg:$0xf]  }
0x1c: {  	[tilespmem:s22], [sflag:$0x5] =	stream.linear.gather [hbm4b:s21+s15], $0xFA0, $0x38;
	[tilespmem:$0x19980] =	vst v63  }
0x1d: {  	s24 =	simm.s32 $0x5000;
	s25 =	rddreg [dreg:$0x10]  }
0x1e: {  	[tilespmem:s24], [sflag:$0x6] =	stream.linear.gather [hbm4b:s23+s15], $0xFA0, $0x38;
	[tilespmem:$0x19980] =	vst v63  }
0x1f: {  	s26 =	simm.s32 $0x6000;
	s3 =	rddreg [dreg:$0x11]  }
0x20: {  	[tilespmem:s26], [sflag:$0x7] =	stream.linear.gather [hbm4b:s25+s15], $0xFA0, $0x38;
	[tilespmem:$0x19980] =	vst v63  }
0x21: {  	s0 =	simm.s32 @!p0 $0x0;
	s29 =	sand.u32 $0x7C00, s15;
	s1 =	simm.s32 @!p0 $0x7000  }
0x22: {  	[tilespmem:s1], [sflag:$0x8] =	stream.linear.gather @!p0 [hbm4b:s3+s0], $0xFA0, $0x38;
	[tilespmem:$0x19980] =	vst v63  }
0x23: {  	[dreg:$0x14] =	wrdreg s2;
	s3 =	sand.u32 $0x40, s15;
	s0 =	sor.u32 $0x8000, s29;
	[tilespmem:$0x19800] =	vst v0  }
0x24: {  	p2 =	por $0x0, $0x0;
	s4 =	simm.s32 $0x1;
	[tilespmem:$0x19810] =	vst v1;
	s2 =	sor.u32 s3, s0  }
0x25: {  	s4 =	simm.s32 @!p2 $0x0;
	[tilespmem:s2+$0x180] =	vst v2  }
0x26: {  	s4 =	sshll.u32 s4, $0x6;
	[tilespmem:s2+$0x80] =	vst v2  }
0x27: {  	s14 =	sadd.s32 $0x0, s4;
	[tilespmem:s2+$0x0] =	vst v2  }
0x28: {  	s30 =	sor.u32 $0x200, s14;
	[tilespmem:s2+$0x100] =	vst v2  }
0x29: {  	s4 =	sor.u32 $0x280, s14;
	[tilespmem:s30+$0x8000] =	vst v2  }
0x2a: {  	s5 =	sor.u32 $0x300, s14;
	[tilespmem:s4+$0x8000] =	vst v2  }
0x2b: {  	s6 =	sor.u32 $0x380, s14;
	s4 =	sadd.s32 $0x10400, s29;
	[tilespmem:s5+$0x8000] =	vst v2  }
0x2c: {  	s7 =	sor.u32 s3, s4;
	s5 =	sadd.s32 $0x10480, s29;
	[tilespmem:s6+$0x8000] =	vst v2  }
0x2d: {  	s8 =	sor.u32 s3, s5;
	s6 =	sadd.s32 $0x10500, s29;
	[tilespmem:s7+$0x0] =	vst v2  }
0x2e: {  	s15 =	sadd.s32 $0x10580, s29;
	s9 =	sor.u32 s3, s6;
	[tilespmem:s8+$0x0] =	vst v2  }
0x2f: {  	s16 =	sadd.s32 $0x10600, s29;
	s10 =	sor.u32 s3, s15;
	[tilespmem:s9+$0x0] =	vst v2  }
0x30: {  	s17 =	sadd.s32 $0x10680, s29;
	s11 =	sor.u32 s3, s16;
	[tilespmem:s10+$0x0] =	vst v2  }
0x31: {  	s18 =	sadd.s32 $0x10700, s29;
	s12 =	sor.u32 s3, s17;
	[tilespmem:s11+$0x0] =	vst v2  }
0x32: {  	s20 =	sadd.s32 $0x10780, s29;
	s13 =	sor.u32 s3, s18;
	[tilespmem:s12+$0x0] =	vst v2  }
0x33: {  	s1 =	sor.u32 s3, s20;
	s19 =	sor.u32 $0x10, s3;
	[tilespmem:s13+$0x0] =	vst v2  }
0x34: {  	s21 =	sor.u32 s19, s0;
	[tilespmem:s1+$0x0] =	vst v2  }
0x35: {  	[tilespmem:s21+$0x80] =	vst v2  }
0x36: {  	[tilespmem:s21+$0x180] =	vst v2  }
0x37: {  	s22 =	sadd.s32 $0x10, s14;
	[tilespmem:s21+$0x100] =	vst v2  }
0x38: {  	s23 =	sor.u32 $0x200, s22;
	[tilespmem:s21+$0x0] =	vst v2  }
0x39: {  	s24 =	sor.u32 $0x280, s22;
	[tilespmem:s23+$0x8000] =	vst v2  }
0x3a: {  	s25 =	sor.u32 $0x300, s22;
	[tilespmem:s24+$0x8000] =	vst v2  }
0x3b: {  	s26 =	sor.u32 $0x380, s22;
	[tilespmem:s25+$0x8000] =	vst v2  }
0x3c: {  	s29 =	sor.u32 s19, s4;
	[tilespmem:s26+$0x8000] =	vst v2  }
0x3d: {  	s30 =	sor.u32 s19, s5;
	[tilespmem:s29+$0x0] =	vst v2  }
0x3e: {  	s8 =	sor.u32 s19, s6;
	[tilespmem:s30+$0x0] =	vst v2  }
0x3f: {  	s9 =	sor.u32 s19, s15;
	[tilespmem:s8+$0x0] =	vst v2  }
0x40: {  	s10 =	sor.u32 s19, s16;
	[tilespmem:s9+$0x0] =	vst v2  }
0x41: {  	s11 =	sor.u32 s19, s17;
	[tilespmem:s10+$0x0] =	vst v2  }
0x42: {  	s12 =	sor.u32 s19, s18;
	[tilespmem:s11+$0x0] =	vst v2  }
0x43: {  	s13 =	sor.u32 s19, s20;
	s19 =	sor.u32 $0x20, s3;
	[tilespmem:s12+$0x0] =	vst v2  }
0x44: {  	s21 =	sor.u32 s19, s0;
	[tilespmem:s13+$0x0] =	vst v2  }
0x45: {  	[tilespmem:s21+$0x180] =	vst v2  }
0x46: {  	[tilespmem:s21+$0x80] =	vst v2  }
0x47: {  	s22 =	sadd.s32 $0x20, s14;
	[tilespmem:s21+$0x0] =	vst v2  }
0x48: {  	s23 =	sor.u32 $0x200, s22;
	[tilespmem:s21+$0x100] =	vst v2  }
0x49: {  	s24 =	sor.u32 $0x280, s22;
	[tilespmem:s23+$0x8000] =	vst v2  }
0x4a: {  	s25 =	sor.u32 $0x300, s22;
	[tilespmem:s24+$0x8000] =	vst v2  }
0x4b: {  	s26 =	sor.u32 $0x380, s22;
	[tilespmem:s25+$0x8000] =	vst v2  }
0x4c: {  	s29 =	sor.u32 s19, s4;
	[tilespmem:s26+$0x8000] =	vst v2  }
0x4d: {  	s30 =	sor.u32 s19, s5;
	[tilespmem:s29+$0x0] =	vst v2  }
0x4e: {  	s7 =	sor.u32 s19, s6;
	[tilespmem:s30+$0x0] =	vst v2  }
0x4f: {  	s8 =	sor.u32 s19, s15;
	[tilespmem:s7+$0x0] =	vst v2  }
0x50: {  	s9 =	sor.u32 s19, s16;
	[tilespmem:s8+$0x0] =	vst v2  }
0x51: {  	s10 =	sor.u32 s19, s17;
	[tilespmem:s9+$0x0] =	vst v2  }
0x52: {  	s11 =	sor.u32 s19, s18;
	[tilespmem:s10+$0x0] =	vst v2  }
0x53: {  	s12 =	sor.u32 s19, s20;
	s13 =	sor.u32 $0x30, s3;
	[tilespmem:s11+$0x0] =	vst v2  }
0x54: {  	s0 =	sor.u32 s13, s0;
	[tilespmem:s12+$0x0] =	vst v2  }
0x55: {  	[tilespmem:s0+$0x80] =	vst v2  }
0x56: {  	[tilespmem:s0+$0x180] =	vst v2  }
0x57: {  	s14 =	sadd.s32 $0x30, s14;
	[tilespmem:s0+$0x0] =	vst v2  }
0x58: {  	s19 =	sor.u32 $0x200, s14;
	[tilespmem:s0+$0x100] =	vst v2  }
0x59: {  	s21 =	sor.u32 $0x280, s14;
	[tilespmem:s19+$0x8000] =	vst v2  }
0x5a: {  	s22 =	sor.u32 $0x300, s14;
	[tilespmem:s21+$0x8000] =	vst v2  }
0x5b: {  	s23 =	sor.u32 $0x380, s14;
	[tilespmem:s22+$0x8000] =	vst v2  }
0x5c: {  	s24 =	sor.u32 s13, s4;
	[tilespmem:s23+$0x8000] =	vst v2  }
0x5d: {  	s25 =	sor.u32 s13, s5;
	[tilespmem:s24+$0x0] =	vst v2  }
0x5e: {  	s26 =	sor.u32 s13, s6;
	[tilespmem:s25+$0x0] =	vst v2  }
0x5f: {  	s28 =	simm.s32 $0x0;
	s29 =	sor.u32 s13, s15;
	[tilespmem:s26+$0x0] =	vst v2  }
0x60: {  	s31 =	sor.u32 s13, s18;
	s18 =	sor.u32 s13, s20;
	s30 =	sor.u32 s13, s16;
	[tilespmem:s29+$0x0] =	vst v2  }
0x61: {  	s15 =	simm.s32 $0x200;
	s16 =	simm.s32 $0x40;
	s0 =	sor.u32 s13, s17;
	[tilespmem:s30+$0x0] =	vst v2  }
.LBB2_2:
0x62: {  	s1 =	sand.u32 $0x7C00, s15;
	[tilespmem:s0+$0x0] =	vst v2  }
0x63: {  	s3 =	sand.u32 $0x40, s16;
	s21 =	sor.u32 $0x8000, s1;
	[tilespmem:s31+$0x0] =	vst v2  }
0x64: {  	p2 =	por !p2, !p2;
	s8 =	simm.s32 $0x1;
	s2 =	sor.u32 s3, s21;
	[tilespmem:s18+$0x0] =	vst v2  }
0x65: {  	s8 =	simm.s32 @!p2 $0x0;
	[tilespmem:s2+$0x180] =	vst v2  }
0x66: {  	s8 =	sshll.u32 s8, $0x6;
	[tilespmem:s2+$0x80] =	vst v2  }
0x67: {  	s0 =	sadd.s32 $0x10400, s1;
	s4 =	sadd.s32 $0x10480, s1;
	s8 =	sadd.s32 s8, s15;
	[tilespmem:s2+$0x0] =	vst v2  }
0x68: {  	s6 =	sadd.s32 $0x10500, s1;
	s31 =	sadd.s32 $0x10600, s1;
	[tilespmem:s2+$0x100] =	vst v2;
	s20 =	sor.u32 $0x200, s8  }
0x69: {  	s30 =	sadd.s32 $0x10680, s1;
	s7 =	sadd.s32 $0x10700, s1;
	s22 =	sor.u32 $0x280, s8;
	[tilespmem:s20+$0x8000] =	vst v2  }
0x6a: {  	s19 =	sadd.s32 $0x10780, s1;
	s25 =	sor.u32 $0x10, s3;
	s23 =	sor.u32 $0x300, s8;
	[tilespmem:s22+$0x8000] =	vst v2  }
0x6b: {  	s13 =	sor.u32 s3, s0;
	s9 =	sor.u32 s3, s4;
	s24 =	sor.u32 $0x380, s8;
	[tilespmem:s23+$0x8000] =	vst v2  }
0x6c: {  	s10 =	sor.u32 s3, s6;
	s18 =	sadd.s32 $0x10580, s1;
	s12 =	sor.u32 s3, s31;
	[tilespmem:s24+$0x8000] =	vst v2  }
0x6d: {  	s5 =	sor.u32 s3, s30;
	s17 =	sor.u32 s3, s7;
	s29 =	sor.u32 s25, s4;
	[tilespmem:s13+$0x0] =	vst v2  }
0x6e: {  	s1 =	sor.u32 s25, s6;
	s26 =	sor.u32 s25, s31;
	s11 =	sor.u32 s3, s18;
	[tilespmem:s9+$0x0] =	vst v2  }
0x6f: {  	s2 =	sor.u32 s3, s19;
	[dreg:$0x8] =	wrdreg s26;
	s26 =	sor.u32 s25, s30;
	[tilespmem:s10+$0x0] =	vst v2  }
0x70: {  	s14 =	sadd.s32 $0x10, s8;
	s20 =	sor.u32 s25, s7;
	s22 =	sor.u32 s25, s0;
	[tilespmem:s11+$0x0] =	vst v2  }
0x71: {  	[dreg:$0x9] =	wrdreg s20;
	s20 =	sadd.s32 $0x30, s8;
	s23 =	sor.u32 s25, s19;
	[tilespmem:s12+$0x0] =	vst v2  }
0x72: {  	s24 =	sor.u32 s25, s18;
	[dreg:$0x7] =	wrdreg s23;
	s23 =	sadd.s32 $0x20, s8;
	[tilespmem:s5+$0x0] =	vst v2  }
0x73: {  	s25 =	sor.u32 s25, s21;
	s13 =	sor.u32 $0x20, s3;
	s9 =	sor.u32 $0x30, s3;
	[tilespmem:s17+$0x0] =	vst v2  }
0x74: {  	s8 =	sor.u32 s13, s0;
	s10 =	sor.u32 s13, s6;
	s3 =	sor.u32 s9, s0;
	[tilespmem:s2+$0x0] =	vst v2  }
0x75: {  	s0 =	sor.u32 s9, s30;
	[dreg:$0x5] =	wrdreg s10;
	s12 =	sor.u32 s13, s31;
	[tilespmem:s25+$0x80] =	vst v2  }
0x76: {  	s11 =	sor.u32 s13, s4;
	s10 =	sor.u32 s13, s18;
	[dreg:$0x6] =	wrdreg s12;
	[tilespmem:s25+$0x180] =	vst v2  }
0x77: {  	s12 =	sor.u32 s13, s30;
	s5 =	sor.u32 s13, s19;
	s30 =	sor.u32 $0x280, s14;
	[tilespmem:s25+$0x100] =	vst v2  }
0x78: {  	[dreg:$0x4] =	wrdreg s12;
	s12 =	sor.u32 s13, s7;
	[tilespmem:s25+$0x0] =	vst v2;
	s25 =	sor.u32 $0x200, s14  }
0x79: {  	s17 =	sor.u32 s9, s4;
	s4 =	sor.u32 s9, s31;
	s31 =	sor.u32 s9, s7;
	[tilespmem:s25+$0x8000] =	vst v2  }
0x7a: {  	s7 =	sor.u32 $0x300, s14;
	[dreg:$0x3] =	wrdreg s17;
	s17 =	sor.u32 s9, s6;
	[tilespmem:s30+$0x8000] =	vst v2  }
0x7b: {  	s6 =	sor.u32 s9, s18;
	s18 =	sor.u32 s9, s19;
	s19 =	sor.u32 $0x380, s14;
	[tilespmem:s7+$0x8000] =	vst v2  }
0x7c: {  	[tilespmem:s19+$0x8000] =	vst v2  }
0x7d: {  	[tilespmem:s22+$0x0] =	vst v2  }
0x7e: {  	[tilespmem:s29+$0x0] =	vst v2  }
0x7f: {  	[tilespmem:s1+$0x0] =	vst v2  }
0x80: {  	[tilespmem:s24+$0x0] =	vst v2;
	s24 =	rddreg [dreg:$0x8]  }
0x81: {  	[tilespmem:s24+$0x0] =	vst v2  }
0x82: {  	s25 =	rddreg [dreg:$0x9];
	[tilespmem:s26+$0x0] =	vst v2  }
0x83: {  	s26 =	rddreg [dreg:$0x7];
	[tilespmem:s25+$0x0] =	vst v2  }
0x84: {  	s29 =	sor.u32 s13, s21;
	[tilespmem:s26+$0x0] =	vst v2  }
0x85: {  	[tilespmem:s29+$0x180] =	vst v2  }
0x86: {  	[tilespmem:s29+$0x80] =	vst v2  }
0x87: {  	[tilespmem:s29+$0x0] =	vst v2  }
0x88: {  	s30 =	sor.u32 $0x200, s23;
	[tilespmem:s29+$0x100] =	vst v2  }
0x89: {  	s2 =	sor.u32 $0x280, s23;
	[tilespmem:s30+$0x8000] =	vst v2  }
0x8a: {  	s7 =	sor.u32 $0x300, s23;
	[tilespmem:s2+$0x8000] =	vst v2  }
0x8b: {  	s13 =	sor.u32 $0x380, s23;
	[tilespmem:s7+$0x8000] =	vst v2  }
0x8c: {  	[tilespmem:s13+$0x8000] =	vst v2  }
0x8d: {  	[tilespmem:s8+$0x0] =	vst v2  }
0x8e: {  	s14 =	rddreg [dreg:$0x5];
	[tilespmem:s11+$0x0] =	vst v2  }
0x8f: {  	[tilespmem:s14+$0x0] =	vst v2  }
0x90: {  	s19 =	rddreg [dreg:$0x6];
	[tilespmem:s10+$0x0] =	vst v2  }
0x91: {  	s22 =	rddreg [dreg:$0x4];
	[tilespmem:s19+$0x0] =	vst v2  }
0x92: {  	[tilespmem:s22+$0x0] =	vst v2  }
0x93: {  	[tilespmem:s12+$0x0] =	vst v2  }
0x94: {  	s23 =	sor.u32 s9, s21;
	[tilespmem:s5+$0x0] =	vst v2  }
0x95: {  	[tilespmem:s23+$0x80] =	vst v2  }
0x96: {  	[tilespmem:s23+$0x180] =	vst v2  }
0x97: {  	[tilespmem:s23+$0x0] =	vst v2  }
0x98: {  	s24 =	sor.u32 $0x200, s20;
	[tilespmem:s23+$0x100] =	vst v2  }
0x99: {  	s25 =	sor.u32 $0x280, s20;
	[tilespmem:s24+$0x8000] =	vst v2  }
0x9a: {  	s26 =	sor.u32 $0x300, s20;
	[tilespmem:s25+$0x8000] =	vst v2  }
0x9b: {  	s28 =	sadd.s32 $0x4, s28;
	s29 =	sor.u32 $0x380, s20;
	[tilespmem:s26+$0x8000] =	vst v2  }
0x9c: {  	p3 =	slt.u32 s28, $0xFC;
	[tilespmem:s29+$0x8000] =	vst v2  }
.Ltmp0:
0x9d: {  	s30 =	rddreg [dreg:$0x3];
	[tilespmem:s3+$0x0] =	vst v2;
	(pc) =	sbr.rel @p3 .LBB2_2-.Ltmp0, $4  }
0x9e: {  	[tilespmem:s30+$0x0] =	vst v2  }
0x9f: {  	[tilespmem:s17+$0x0] =	vst v2  }
0xa0: {  	[tilespmem:s6+$0x0] =	vst v2  }
0xa1: {  	s16 =	sadd.s32 $0x40, s16;
	s15 =	sadd.s32 $0x200, s15;
	[tilespmem:s4+$0x0] =	vst v2  }
.Ltmp1:
0xa2: {  	(pc) =	sbr.rel @p1 .LBB2_7-.Ltmp1, $4  }
0xa3: {  	_ = 	snop  }
0xa4: {  	[tilespmem:s0+$0x0] =	vst v2  }
0xa5: {  	[tilespmem:s31+$0x0] =	vst v2  }
0xa6: {  	s2 =	simm.s32 $0x8000;
	[tilespmem:s18+$0x0] =	vst v2  }
0xa7: {  	s0 =	simm.s32 $0x0;
	s1 =	simm.s32 $0x200  }
.LBB2_5:
0xa8: {  	p2 =	sne.s32 s1, $0x3E00;
	[tilespmem:s0+$0x18870] =	vst v2  }
0xa9: {  	[tilespmem:s0+$0x18800] =	vst v2  }
0xaa: {  	[tilespmem:s0+$0x18810] =	vst v2  }
.Ltmp2:
0xab: {  	[tilespmem:s0+$0x18820] =	vst v2;
	(pc) =	sbr.rel @p2 .LBB2_5-.Ltmp2, $4  }
0xac: {  	[tilespmem:s0+$0x18830] =	vst v2  }
0xad: {  	[tilespmem:s0+$0x18840] =	vst v2  }
0xae: {  	[tilespmem:s0+$0x18850] =	vst v2  }
0xaf: {  	[tilespmem:s0+$0x18860] =	vst v2;
	s0 =	sshra.s32 s1, $0x2;
	s1 =	sadd.s32 $0x200, s1  }
0xb0: {  	[tilespmem:s0+$0x18870] =	vst v2  }
0xb1: {  	[tilespmem:s0+$0x18800] =	vst v2  }
0xb2: {  	[tilespmem:s0+$0x18810] =	vst v2  }
0xb3: {  	[tilespmem:s0+$0x18820] =	vst v2  }
0xb4: {  	[tilespmem:s0+$0x18830] =	vst v2  }
0xb5: {  	[tilespmem:s0+$0x18840] =	vst v2  }
0xb6: {  	[tilespmem:s0+$0x18850] =	vst v2  }
0xb7: {  	[tilespmem:s0+$0x18860] =	vst v2;
	s30 =	rddreg [dreg:$0x1];
	s1 =	simm.s32 $0x18800;
	s31 =	simm.s32 $0x9  }
0xb8: {  	[spmem:s30] =	stream.linear.scatter [tilespmem:s1], [sflag:$0x9], $0x1000, $0x38;
	[tilespmem:$0x19980] =	vst v63  }
0xb9: {  	_ =	swait.ge [sflag:s31], $0x1000  }
0xba: {  	[sflag:s31] =	ssyncset.done $0x0  }
0xbb: {  	[sflag:s31] =	ssyncadd.s32 $0xFFFFF000  }
.LBB2_7:
0xbc: {  	[bflag:$0x0] =	sbarrier.arrive $0xFFFF;
	s0 =	simm.s32 $0x1  }
0xbd: {  	_ =	swait.ge [sflag:s0], $0xFA0  }
0xbe: {  	[sflag:s0] =	ssyncset.done $0x0  }
0xbf: {  	s31 =	simm.s32 $0x40;
	[sflag:s0] =	ssyncadd.s32 $0xFFFFF060  }
0xc0: {  	v11 =	vld [tilespmem:s31+$0x30]  }
0xc1: {  	v8 =	vld [tilespmem:s31+$0xFFFFFFD0]  }
0xc2: {  	v7 =	vld [tilespmem:s31+$0xFFFFFFF0]  }
0xc3: {  	v5 =	vld [tilespmem:s31+$0x0]  }
0xc4: {  	v9 =	vld [tilespmem:s31+$0xFFFFFFE0];
	_ =	sdelay $0x1  }
0xc5: {  	v10 =	vshrl.u32 v11, $0x13  }
0xc6: {  	v12 =	vshrl.u32 v8, $0x13;
	vm0 =	vgt.s32 v8, $0xFFFFFFFF;
	v16 =	vshrl.u32 v7, $0x13  }
0xc7: {  	v17 =	vshrl.u32 v5, $0x13;
	vm1 =	vgt.s32 v11, $0xFFFFFFFF;
	v13 =	vmin.u32 v10, $0x1000  }
0xc8: {  	v6 =	vld [tilespmem:s31+$0x10];
	v14 =	vmin.u32 v12, $0x1000;
	v12 =	vshrl.u32 v9, $0x13;
	v16 =	vmin.u32 v16, $0x1000  }
0xc9: {  	v8 =	vld [tilespmem:s31+$0x20];
	v17 =	vmin.u32 v17, $0x1000;
	v15 =	vshll.u32 v13, $0x3;
	v13 =	vand.u32 $0x7F, v13  }
0xca: {  	v10 =	vld [tilespmem:s31+$0xFFFFFFC0];
	v22 =	vshll.u32 v16, $0x3;
	v23 =	vshll.u32 v17, $0x3;
	v63 =	vand.u32 $0x7F, v16  }
0xcb: {  	v28 =	vand.u32 $0x7F, v17;
	v15 =	vand.u32 $0xFC00, v15;
	v22 =	vand.u32 $0xFC00, v22  }
0xcc: {  	v23 =	vand.u32 $0xFC00, v23;
	v11 =	vor.u32 v13, v15;
	v13 =	vmin.u32 v12, $0x1000  }
0xcd: {  	v12 =	vshrl.u32 v6, $0x13;
	v17 =	vor.u32 v63, v22;
	v15 =	vadd.s32 v3, v11  }
0xce: {  	v11 =	vshrl.u32 v8, $0x13;
	v19 =	vmin.u32 v12, $0x1000;
	v12 =	vshll.u32 v13, $0x3  }
0xcf: {  	v62 =	vand.u32 $0x7F, v13;
	v18 =	vshrl.u32 v10, $0x13;
	v20 =	vmin.u32 v11, $0x1000  }
0xd0: {  	v11 =	vshll.u32 v14, $0x3;
	v24 =	vshll.u32 v19, $0x3;
	v27 =	vand.u32 $0xFC00, v12  }
0xd1: {  	v14 =	vand.u32 $0x7F, v14;
	v13 =	vand.u32 $0x7F, v19;
	v18 =	vmin.u32 v18, $0x1000  }
0xd2: {  	v25 =	vshll.u32 v20, $0x3;
	v26 =	vand.u32 $0xFC00, v11;
	v12 =	vand.u32 $0xFC00, v24  }
0xd3: {  	v21 =	vshll.u32 v18, $0x3;
	v11 =	vand.u32 $0xFC00, v25;
	v18 =	vand.u32 $0x7F, v18  }
0xd4: {  	s14 =	simm.s32 $0xF70;
	v16 =	vor.u32 v14, v26;
	v14 =	vand.u32 $0x7F, v20;
	v21 =	vand.u32 $0xFC00, v21;
	[tilespmem:v15+s2+$0x0] =	vst.idx.add.s32.msk vm1, v4  }
0xd5: {  	s15 =	simm.s32 $0xF80;
	s16 =	simm.s32 $0xC0;
	s0 =	simm.s32 $0x0;
	v19 =	vor.u32 v18, v21;
	v18 =	vor.u32 v62, v27;
	v15 =	vor.u32 v28, v23  }
.LBB2_8:
0xd6: {  	v19 =	vadd.s32 v3, v19  }
0xd7: {  	v20 =	vld [tilespmem:s16+$0x30];
	s0 =	sadd.s32 $0x80, s0;
	v12 =	vor.u32 v13, v12;
	v11 =	vor.u32 v14, v11;
	vm4 =	vmmov vm0  }
0xd8: {  	v14 =	vadd.s32 v3, v16;
	v16 =	vadd.s32 v3, v18;
	v17 =	vadd.s32 v3, v17;
	v13 =	vld [tilespmem:s16+$0xFFFFFFD0];
	p2 =	slt.u32 s0, $0xF00  }
0xd9: {  	v15 =	vadd.s32 v3, v15;
	v12 =	vadd.s32 v3, v12;
	v11 =	vadd.s32 v3, v11;
	v18 =	vld [tilespmem:s16+$0xFFFFFFE0]  }
0xda: {  	vm7 =	vgt.s32 v10, $0xFFFFFFFF;
	vm6 =	vgt.s32 v9, $0xFFFFFFFF;
	vm5 =	vgt.s32 v7, $0xFFFFFFFF;
	v7 =	vld [tilespmem:s16+$0xFFFFFFF0]  }
0xdb: {  	vm3 =	vgt.s32 v5, $0xFFFFFFFF;
	vm2 =	vgt.s32 v6, $0xFFFFFFFF;
	vm1 =	vgt.s32 v8, $0xFFFFFFFF;
	v5 =	vld [tilespmem:s16+$0x0]  }
0xdc: {  	v6 =	vld [tilespmem:s16+$0x10];
	v24 =	vshrl.u32 v20, $0x13  }
0xdd: {  	v21 =	vshrl.u32 v13, $0x13;
	vm0 =	vgt.s32 v13, $0xFFFFFFFF;
	v8 =	vld [tilespmem:s16+$0x20];
	v13 =	vmin.u32 v24, $0x1000  }
0xde: {  	v10 =	vld [tilespmem:s16+$0xFFFFFFC0];
	v21 =	vmin.u32 v21, $0x1000;
	v22 =	vshrl.u32 v18, $0x13;
	v23 =	vshll.u32 v13, $0x3;
	v9 =	vmovc v18  }
0xdf: {  	v13 =	vand.u32 $0x7F, v13;
	v18 =	vshrl.u32 v7, $0x13;
	v23 =	vand.u32 $0xFC00, v23;
	[tilespmem:v14+s2+$0x0] =	vst.idx.add.s32.msk vm4, v4  }
0xe0: {  	vm4 =	vgt.s32 v20, $0xFFFFFFFF;
	v14 =	vshrl.u32 v5, $0x13;
	v13 =	vor.u32 v13, v23;
	[tilespmem:v19+s2+$0x0] =	vst.idx.add.s32.msk vm7, v4  }
0xe1: {  	v19 =	vmin.u32 v22, $0x1000;
	v20 =	vshrl.u32 v6, $0x13;
	v13 =	vadd.s32 v3, v13;
	[tilespmem:v16+s2+$0x0] =	vst.idx.add.s32.msk vm6, v4  }
0xe2: {  	v16 =	vmin.u32 v18, $0x1000;
	v14 =	vmin.u32 v14, $0x1000;
	v18 =	vshrl.u32 v8, $0x13;
	[tilespmem:v17+s2+$0x0] =	vst.idx.add.s32.msk vm5, v4  }
0xe3: {  	v20 =	vmin.u32 v20, $0x1000;
	v17 =	vshrl.u32 v10, $0x13;
	v18 =	vmin.u32 v18, $0x1000;
	[tilespmem:v15+s2+$0x0] =	vst.idx.add.s32.msk vm3, v4  }
0xe4: {  	v22 =	vshll.u32 v19, $0x3;
	v15 =	vmin.u32 v17, $0x1000;
	v17 =	vshll.u32 v21, $0x3;
	[tilespmem:v12+s2+$0x0] =	vst.idx.add.s32.msk vm2, v4  }
0xe5: {  	v23 =	vshll.u32 v16, $0x3;
	v24 =	vshll.u32 v14, $0x3;
	v12 =	vshll.u32 v15, $0x3;
	[tilespmem:v11+s2+$0x0] =	vst.idx.add.s32.msk vm1, v4  }
0xe6: {  	v26 =	vshll.u32 v18, $0x3;
	v11 =	vshll.u32 v20, $0x3;
	v25 =	vand.u32 $0xFC00, v12;
	[tilespmem:v13+s2+$0x0] =	vst.idx.add.s32.msk vm4, v4  }
0xe7: {  	v22 =	vand.u32 $0xFC00, v22;
	v23 =	vand.u32 $0xFC00, v23;
	v17 =	vand.u32 $0xFC00, v17  }
.Ltmp3:
0xe8: {  	v24 =	vand.u32 $0xFC00, v24;
	v12 =	vand.u32 $0xFC00, v11;
	v11 =	vand.u32 $0xFC00, v26;
	(pc) =	sbr.rel @p2 .LBB2_8-.Ltmp3, $4  }
0xe9: {  	v21 =	vand.u32 $0x7F, v21;
	v15 =	vand.u32 $0x7F, v15;
	v26 =	vand.u32 $0x7F, v19  }
0xea: {  	v27 =	vand.u32 $0x7F, v16;
	v28 =	vand.u32 $0x7F, v14;
	v13 =	vand.u32 $0x7F, v20  }
0xeb: {  	v14 =	vand.u32 $0x7F, v18;
	v16 =	vor.u32 v21, v17;
	v19 =	vor.u32 v15, v25  }
0xec: {  	s16 =	sadd.s32 $0x80, s16;
	v17 =	vor.u32 v27, v23;
	v18 =	vor.u32 v26, v22;
	v15 =	vor.u32 v28, v24  }
0xed: {  	vm0 =	vmmov vm0  }
0xee: {  	v16 =	vadd.s32 v3, v16;
	vm1 =	vgt.s32 v10, $0xFFFFFFFF  }
0xef: {  	v61 =	vadd.s32 v3, v19;
	vm2 =	vgt.s32 v9, $0xFFFFFFFF  }
0xf0: {  	v62 =	vadd.s32 v3, v18;
	vm3 =	vgt.s32 v7, $0xFFFFFFFF  }
0xf1: {  	v7 =	vadd.s32 v3, v17;
	vm4 =	vgt.s32 v5, $0xFFFFFFFF  }
0xf2: {  	v5 =	vor.u32 v13, v12;
	v63 =	vadd.s32 v3, v15;
	vm5 =	vgt.s32 v6, $0xFFFFFFFF  }
0xf3: {  	v6 =	vor.u32 v14, v11;
	vm6 =	vgt.s32 v8, $0xFFFFFFFF;
	v5 =	vadd.s32 v3, v5;
	[tilespmem:v16+s2+$0x0] =	vst.idx.add.s32.msk vm0, v4  }
0xf4: {  	v6 =	vadd.s32 v3, v6;
	[tilespmem:v61+s2+$0x0] =	vst.idx.add.s32.msk vm1, v4  }
0xf5: {  	[tilespmem:v62+s2+$0x0] =	vst.idx.add.s32.msk vm2, v4  }
0xf6: {  	[tilespmem:v7+s2+$0x0] =	vst.idx.add.s32.msk vm3, v4  }
0xf7: {  	[tilespmem:v63+s2+$0x0] =	vst.idx.add.s32.msk vm4, v4  }
0xf8: {  	[tilespmem:v5+s2+$0x0] =	vst.idx.add.s32.msk vm5, v4  }
0xf9: {  	[tilespmem:v6+s2+$0x0] =	vst.idx.add.s32.msk vm6, v4  }
.LBB2_10:
0xfa: {  	v5 =	vld [tilespmem:s15+$0x0];
	_ =	sdelay $0x4  }
0xfb: {  	v6 =	vshrl.u32 v5, $0x13  }
0xfc: {  	v6 =	vmin.u32 v6, $0x1000  }
0xfd: {  	v7 =	vshll.u32 v6, $0x3  }
0xfe: {  	v6 =	vand.u32 $0x7F, v6;
	v7 =	vand.u32 $0xFC00, v7  }
0xff: {  	s14 =	sadd.s32 $0x10, s14;
	vm0 =	vgt.s32 v5, $0xFFFFFFFF;
	v5 =	vor.u32 v6, v7  }
0x100: {  	p2 =	slt.u32 s14, $0xF90;
	v5 =	vadd.s32 v3, v5  }
.Ltmp4:
0x101: {  	_ = 	snop;
	(pc) =	sbr.rel @p2 .LBB2_10-.Ltmp4, $2  }
0x102: {  	_ =	sdelay $0x2  }
0x103: {  	s15 =	sadd.s32 $0x10, s15;
	[tilespmem:v5+s2+$0x0] =	vst.idx.add.s32.msk vm0, v4  }
0x104: {  	s0 =	simm.s32 $0x2  }
0x105: {  	_ =	swait.ge [sflag:s0], $0xFA0  }
0x106: {  	[sflag:s0] =	ssyncset.done $0x0  }
0x107: {  	s31 =	simm.s32 $0x1040;
	[sflag:s0] =	ssyncadd.s32 $0xFFFFF060  }
0x108: {  	v11 =	vld [tilespmem:s31+$0x30]  }
0x109: {  	v8 =	vld [tilespmem:s31+$0xFFFFFFD0]  }
0x10a: {  	v7 =	vld [tilespmem:s31+$0xFFFFFFF0]  }
0x10b: {  	v5 =	vld [tilespmem:s31+$0x0]  }
0x10c: {  	v9 =	vld [tilespmem:s31+$0xFFFFFFE0];
	_ =	sdelay $0x1  }
0x10d: {  	v10 =	vshrl.u32 v11, $0x13  }
0x10e: {  	v12 =	vshrl.u32 v8, $0x13;
	vm0 =	vgt.s32 v8, $0xFFFFFFFF;
	v16 =	vshrl.u32 v7, $0x13  }
0x10f: {  	v17 =	vshrl.u32 v5, $0x13;
	vm1 =	vgt.s32 v11, $0xFFFFFFFF;
	v13 =	vmin.u32 v10, $0x1000  }
0x110: {  	v6 =	vld [tilespmem:s31+$0x10];
	v14 =	vmin.u32 v12, $0x1000;
	v12 =	vshrl.u32 v9, $0x13;
	v16 =	vmin.u32 v16, $0x1000  }
0x111: {  	v8 =	vld [tilespmem:s31+$0x20];
	v17 =	vmin.u32 v17, $0x1000;
	v15 =	vshll.u32 v13, $0x3;
	v13 =	vand.u32 $0x7F, v13  }
0x112: {  	v10 =	vld [tilespmem:s31+$0xFFFFFFC0];
	v22 =	vshll.u32 v16, $0x3;
	v23 =	vshll.u32 v17, $0x3;
	v63 =	vand.u32 $0x7F, v16  }
0x113: {  	v28 =	vand.u32 $0x7F, v17;
	v15 =	vand.u32 $0xFC00, v15;
	v22 =	vand.u32 $0xFC00, v22  }
0x114: {  	v23 =	vand.u32 $0xFC00, v23;
	v11 =	vor.u32 v13, v15;
	v13 =	vmin.u32 v12, $0x1000  }
0x115: {  	v12 =	vshrl.u32 v6, $0x13;
	v17 =	vor.u32 v63, v22;
	v15 =	vadd.s32 v3, v11  }
0x116: {  	v11 =	vshrl.u32 v8, $0x13;
	v19 =	vmin.u32 v12, $0x1000;
	v12 =	vshll.u32 v13, $0x3  }
0x117: {  	v62 =	vand.u32 $0x7F, v13;
	v18 =	vshrl.u32 v10, $0x13;
	v20 =	vmin.u32 v11, $0x1000  }
0x118: {  	v11 =	vshll.u32 v14, $0x3;
	v24 =	vshll.u32 v19, $0x3;
	v27 =	vand.u32 $0xFC00, v12  }
0x119: {  	v14 =	vand.u32 $0x7F, v14;
	v13 =	vand.u32 $0x7F, v19;
	v18 =	vmin.u32 v18, $0x1000  }
0x11a: {  	v25 =	vshll.u32 v20, $0x3;
	v26 =	vand.u32 $0xFC00, v11;
	v12 =	vand.u32 $0xFC00, v24  }
0x11b: {  	v21 =	vshll.u32 v18, $0x3;
	v11 =	vand.u32 $0xFC00, v25;
	v18 =	vand.u32 $0x7F, v18  }
0x11c: {  	v16 =	vor.u32 v14, v26;
	v14 =	vand.u32 $0x7F, v20;
	v21 =	vand.u32 $0xFC00, v21;
	[tilespmem:v15+s2+$0x0] =	vst.idx.add.s32.msk vm1, v4  }
0x11d: {  	s14 =	simm.s32 $0x1F80;
	s15 =	simm.s32 $0x10C0;
	s0 =	simm.s32 $0x0;
	v19 =	vor.u32 v18, v21;
	v18 =	vor.u32 v62, v27;
	v15 =	vor.u32 v28, v23  }
.LBB2_12:
0x11e: {  	v19 =	vadd.s32 v3, v19  }
0x11f: {  	v20 =	vld [tilespmem:s15+$0x30];
	s0 =	sadd.s32 $0x80, s0;
	v12 =	vor.u32 v13, v12;
	v11 =	vor.u32 v14, v11;
	vm4 =	vmmov vm0  }
0x120: {  	v14 =	vadd.s32 v3, v16;
	v16 =	vadd.s32 v3, v18;
	v17 =	vadd.s32 v3, v17;
	v13 =	vld [tilespmem:s15+$0xFFFFFFD0];
	p2 =	slt.u32 s0, $0xF00  }
0x121: {  	v15 =	vadd.s32 v3, v15;
	v12 =	vadd.s32 v3, v12;
	v11 =	vadd.s32 v3, v11;
	v18 =	vld [tilespmem:s15+$0xFFFFFFE0]  }
0x122: {  	vm7 =	vgt.s32 v10, $0xFFFFFFFF;
	vm6 =	vgt.s32 v9, $0xFFFFFFFF;
	vm5 =	vgt.s32 v7, $0xFFFFFFFF;
	v7 =	vld [tilespmem:s15+$0xFFFFFFF0]  }
0x123: {  	vm3 =	vgt.s32 v5, $0xFFFFFFFF;
	vm2 =	vgt.s32 v6, $0xFFFFFFFF;
	vm1 =	vgt.s32 v8, $0xFFFFFFFF;
	v5 =	vld [tilespmem:s15+$0x0]  }
0x124: {  	v6 =	vld [tilespmem:s15+$0x10];
	v24 =	vshrl.u32 v20, $0x13  }
0x125: {  	v21 =	vshrl.u32 v13, $0x13;
	vm0 =	vgt.s32 v13, $0xFFFFFFFF;
	v8 =	vld [tilespmem:s15+$0x20];
	v13 =	vmin.u32 v24, $0x1000  }
0x126: {  	v10 =	vld [tilespmem:s15+$0xFFFFFFC0];
	v21 =	vmin.u32 v21, $0x1000;
	v22 =	vshrl.u32 v18, $0x13;
	v23 =	vshll.u32 v13, $0x3;
	v9 =	vmovc v18  }
0x127: {  	v13 =	vand.u32 $0x7F, v13;
	v18 =	vshrl.u32 v7, $0x13;
	v23 =	vand.u32 $0xFC00, v23;
	[tilespmem:v14+s2+$0x0] =	vst.idx.add.s32.msk vm4, v4  }
0x128: {  	vm4 =	vgt.s32 v20, $0xFFFFFFFF;
	v14 =	vshrl.u32 v5, $0x13;
	v13 =	vor.u32 v13, v23;
	[tilespmem:v19+s2+$0x0] =	vst.idx.add.s32.msk vm7, v4  }
0x129: {  	v19 =	vmin.u32 v22, $0x1000;
	v20 =	vshrl.u32 v6, $0x13;
	v13 =	vadd.s32 v3, v13;
	[tilespmem:v16+s2+$0x0] =	vst.idx.add.s32.msk vm6, v4  }
0x12a: {  	v16 =	vmin.u32 v18, $0x1000;
	v14 =	vmin.u32 v14, $0x1000;
	v18 =	vshrl.u32 v8, $0x13;
	[tilespmem:v17+s2+$0x0] =	vst.idx.add.s32.msk vm5, v4  }
0x12b: {  	v20 =	vmin.u32 v20, $0x1000;
	v17 =	vshrl.u32 v10, $0x13;
	v18 =	vmin.u32 v18, $0x1000;
	[tilespmem:v15+s2+$0x0] =	vst.idx.add.s32.msk vm3, v4  }
0x12c: {  	v22 =	vshll.u32 v19, $0x3;
	v15 =	vmin.u32 v17, $0x1000;
	v17 =	vshll.u32 v21, $0x3;
	[tilespmem:v12+s2+$0x0] =	vst.idx.add.s32.msk vm2, v4  }
0x12d: {  	v23 =	vshll.u32 v16, $0x3;
	v24 =	vshll.u32 v14, $0x3;
	v12 =	vshll.u32 v15, $0x3;
	[tilespmem:v11+s2+$0x0] =	vst.idx.add.s32.msk vm1, v4  }
0x12e: {  	s1 =	simm.s32 $0xF70;
	v26 =	vshll.u32 v18, $0x3;
	v11 =	vshll.u32 v20, $0x3;
	v25 =	vand.u32 $0xFC00, v12;
	[tilespmem:v13+s2+$0x0] =	vst.idx.add.s32.msk vm4, v4  }
0x12f: {  	v22 =	vand.u32 $0xFC00, v22;
	v23 =	vand.u32 $0xFC00, v23;
	v17 =	vand.u32 $0xFC00, v17  }
.Ltmp5:
0x130: {  	v24 =	vand.u32 $0xFC00, v24;
	v12 =	vand.u32 $0xFC00, v11;
	v11 =	vand.u32 $0xFC00, v26;
	(pc) =	sbr.rel @p2 .LBB2_12-.Ltmp5, $4  }
0x131: {  	v21 =	vand.u32 $0x7F, v21;
	v15 =	vand.u32 $0x7F, v15;
	v26 =	vand.u32 $0x7F, v19  }
0x132: {  	v27 =	vand.u32 $0x7F, v16;
	v28 =	vand.u32 $0x7F, v14;
	v13 =	vand.u32 $0x7F, v20  }
0x133: {  	v14 =	vand.u32 $0x7F, v18;
	v16 =	vor.u32 v21, v17;
	v19 =	vor.u32 v15, v25  }
0x134: {  	s15 =	sadd.s32 $0x80, s15;
	v17 =	vor.u32 v27, v23;
	v18 =	vor.u32 v26, v22;
	v15 =	vor.u32 v28, v24  }
0x135: {  	vm0 =	vmmov vm0  }
0x136: {  	v16 =	vadd.s32 v3, v16;
	vm1 =	vgt.s32 v10, $0xFFFFFFFF  }
0x137: {  	v61 =	vadd.s32 v3, v19;
	vm2 =	vgt.s32 v9, $0xFFFFFFFF  }
0x138: {  	v62 =	vadd.s32 v3, v18;
	vm3 =	vgt.s32 v7, $0xFFFFFFFF  }
0x139: {  	v7 =	vadd.s32 v3, v17;
	vm4 =	vgt.s32 v5, $0xFFFFFFFF  }
0x13a: {  	v5 =	vor.u32 v13, v12;
	v63 =	vadd.s32 v3, v15;
	vm5 =	vgt.s32 v6, $0xFFFFFFFF  }
0x13b: {  	v6 =	vor.u32 v14, v11;
	vm6 =	vgt.s32 v8, $0xFFFFFFFF;
	v5 =	vadd.s32 v3, v5;
	[tilespmem:v16+s2+$0x0] =	vst.idx.add.s32.msk vm0, v4  }
0x13c: {  	v6 =	vadd.s32 v3, v6;
	[tilespmem:v61+s2+$0x0] =	vst.idx.add.s32.msk vm1, v4  }
0x13d: {  	[tilespmem:v62+s2+$0x0] =	vst.idx.add.s32.msk vm2, v4  }
0x13e: {  	[tilespmem:v7+s2+$0x0] =	vst.idx.add.s32.msk vm3, v4  }
0x13f: {  	[tilespmem:v63+s2+$0x0] =	vst.idx.add.s32.msk vm4, v4  }
0x140: {  	[tilespmem:v5+s2+$0x0] =	vst.idx.add.s32.msk vm5, v4  }
0x141: {  	[tilespmem:v6+s2+$0x0] =	vst.idx.add.s32.msk vm6, v4  }
.LBB2_14:
0x142: {  	v5 =	vld [tilespmem:s14+$0x0];
	_ =	sdelay $0x4  }
0x143: {  	v6 =	vshrl.u32 v5, $0x13  }
0x144: {  	v6 =	vmin.u32 v6, $0x1000  }
0x145: {  	v7 =	vshll.u32 v6, $0x3  }
0x146: {  	v6 =	vand.u32 $0x7F, v6;
	v7 =	vand.u32 $0xFC00, v7  }
0x147: {  	s1 =	sadd.s32 $0x10, s1;
	vm0 =	vgt.s32 v5, $0xFFFFFFFF;
	v5 =	vor.u32 v6, v7  }
0x148: {  	p2 =	slt.u32 s1, $0xF90;
	v5 =	vadd.s32 v3, v5  }
.Ltmp6:
0x149: {  	_ = 	snop;
	(pc) =	sbr.rel @p2 .LBB2_14-.Ltmp6, $2  }
0x14a: {  	_ =	sdelay $0x2  }
0x14b: {  	s14 =	sadd.s32 $0x10, s14;
	[tilespmem:v5+s2+$0x0] =	vst.idx.add.s32.msk vm0, v4  }
0x14c: {  	s0 =	simm.s32 $0x3  }
0x14d: {  	_ =	swait.ge [sflag:s0], $0xFA0  }
0x14e: {  	[sflag:s0] =	ssyncset.done $0x0  }
0x14f: {  	s31 =	simm.s32 $0x2040;
	[sflag:s0] =	ssyncadd.s32 $0xFFFFF060  }
0x150: {  	v11 =	vld [tilespmem:s31+$0x30]  }
0x151: {  	v8 =	vld [tilespmem:s31+$0xFFFFFFD0]  }
0x152: {  	v7 =	vld [tilespmem:s31+$0xFFFFFFF0]  }
0x153: {  	v5 =	vld [tilespmem:s31+$0x0]  }
0x154: {  	v9 =	vld [tilespmem:s31+$0xFFFFFFE0];
	_ =	sdelay $0x1  }
0x155: {  	v10 =	vshrl.u32 v11, $0x13  }
0x156: {  	v12 =	vshrl.u32 v8, $0x13;
	vm0 =	vgt.s32 v8, $0xFFFFFFFF;
	v16 =	vshrl.u32 v7, $0x13  }
0x157: {  	v17 =	vshrl.u32 v5, $0x13;
	vm1 =	vgt.s32 v11, $0xFFFFFFFF;
	v13 =	vmin.u32 v10, $0x1000  }
0x158: {  	v6 =	vld [tilespmem:s31+$0x10];
	v14 =	vmin.u32 v12, $0x1000;
	v12 =	vshrl.u32 v9, $0x13;
	v16 =	vmin.u32 v16, $0x1000  }
0x159: {  	v8 =	vld [tilespmem:s31+$0x20];
	v17 =	vmin.u32 v17, $0x1000;
	v15 =	vshll.u32 v13, $0x3;
	v13 =	vand.u32 $0x7F, v13  }
0x15a: {  	v10 =	vld [tilespmem:s31+$0xFFFFFFC0];
	v22 =	vshll.u32 v16, $0x3;
	v23 =	vshll.u32 v17, $0x3;
	v63 =	vand.u32 $0x7F, v16  }
0x15b: {  	v28 =	vand.u32 $0x7F, v17;
	v15 =	vand.u32 $0xFC00, v15;
	v22 =	vand.u32 $0xFC00, v22  }
0x15c: {  	v23 =	vand.u32 $0xFC00, v23;
	v11 =	vor.u32 v13, v15;
	v13 =	vmin.u32 v12, $0x1000  }
0x15d: {  	v12 =	vshrl.u32 v6, $0x13;
	v17 =	vor.u32 v63, v22;
	v15 =	vadd.s32 v3, v11  }
0x15e: {  	v11 =	vshrl.u32 v8, $0x13;
	v19 =	vmin.u32 v12, $0x1000;
	v12 =	vshll.u32 v13, $0x3  }
0x15f: {  	v62 =	vand.u32 $0x7F, v13;
	v18 =	vshrl.u32 v10, $0x13;
	v20 =	vmin.u32 v11, $0x1000  }
0x160: {  	v11 =	vshll.u32 v14, $0x3;
	v24 =	vshll.u32 v19, $0x3;
	v27 =	vand.u32 $0xFC00, v12  }
0x161: {  	v14 =	vand.u32 $0x7F, v14;
	v13 =	vand.u32 $0x7F, v19;
	v18 =	vmin.u32 v18, $0x1000  }
0x162: {  	v25 =	vshll.u32 v20, $0x3;
	v26 =	vand.u32 $0xFC00, v11;
	v12 =	vand.u32 $0xFC00, v24  }
0x163: {  	v21 =	vshll.u32 v18, $0x3;
	v11 =	vand.u32 $0xFC00, v25;
	v18 =	vand.u32 $0x7F, v18  }
0x164: {  	v16 =	vor.u32 v14, v26;
	v14 =	vand.u32 $0x7F, v20;
	v21 =	vand.u32 $0xFC00, v21;
	[tilespmem:v15+s2+$0x0] =	vst.idx.add.s32.msk vm1, v4  }
0x165: {  	s14 =	simm.s32 $0x2F80;
	s15 =	simm.s32 $0x20C0;
	s0 =	simm.s32 $0x0;
	v19 =	vor.u32 v18, v21;
	v18 =	vor.u32 v62, v27;
	v15 =	vor.u32 v28, v23  }
.LBB2_16:
0x166: {  	v19 =	vadd.s32 v3, v19  }
0x167: {  	v20 =	vld [tilespmem:s15+$0x30];
	s0 =	sadd.s32 $0x80, s0;
	v12 =	vor.u32 v13, v12;
	v11 =	vor.u32 v14, v11;
	vm4 =	vmmov vm0  }
0x168: {  	v14 =	vadd.s32 v3, v16;
	v16 =	vadd.s32 v3, v18;
	v17 =	vadd.s32 v3, v17;
	v13 =	vld [tilespmem:s15+$0xFFFFFFD0];
	p2 =	slt.u32 s0, $0xF00  }
0x169: {  	v15 =	vadd.s32 v3, v15;
	v12 =	vadd.s32 v3, v12;
	v11 =	vadd.s32 v3, v11;
	v18 =	vld [tilespmem:s15+$0xFFFFFFE0]  }
0x16a: {  	vm7 =	vgt.s32 v10, $0xFFFFFFFF;
	vm6 =	vgt.s32 v9, $0xFFFFFFFF;
	vm5 =	vgt.s32 v7, $0xFFFFFFFF;
	v7 =	vld [tilespmem:s15+$0xFFFFFFF0]  }
0x16b: {  	vm3 =	vgt.s32 v5, $0xFFFFFFFF;
	vm2 =	vgt.s32 v6, $0xFFFFFFFF;
	vm1 =	vgt.s32 v8, $0xFFFFFFFF;
	v5 =	vld [tilespmem:s15+$0x0]  }
0x16c: {  	v6 =	vld [tilespmem:s15+$0x10];
	v24 =	vshrl.u32 v20, $0x13  }
0x16d: {  	v21 =	vshrl.u32 v13, $0x13;
	vm0 =	vgt.s32 v13, $0xFFFFFFFF;
	v8 =	vld [tilespmem:s15+$0x20];
	v13 =	vmin.u32 v24, $0x1000  }
0x16e: {  	v10 =	vld [tilespmem:s15+$0xFFFFFFC0];
	v21 =	vmin.u32 v21, $0x1000;
	v22 =	vshrl.u32 v18, $0x13;
	v23 =	vshll.u32 v13, $0x3;
	v9 =	vmovc v18  }
0x16f: {  	v13 =	vand.u32 $0x7F, v13;
	v18 =	vshrl.u32 v7, $0x13;
	v23 =	vand.u32 $0xFC00, v23;
	[tilespmem:v14+s2+$0x0] =	vst.idx.add.s32.msk vm4, v4  }
0x170: {  	vm4 =	vgt.s32 v20, $0xFFFFFFFF;
	v14 =	vshrl.u32 v5, $0x13;
	v13 =	vor.u32 v13, v23;
	[tilespmem:v19+s2+$0x0] =	vst.idx.add.s32.msk vm7, v4  }
0x171: {  	v19 =	vmin.u32 v22, $0x1000;
	v20 =	vshrl.u32 v6, $0x13;
	v13 =	vadd.s32 v3, v13;
	[tilespmem:v16+s2+$0x0] =	vst.idx.add.s32.msk vm6, v4  }
0x172: {  	v16 =	vmin.u32 v18, $0x1000;
	v14 =	vmin.u32 v14, $0x1000;
	v18 =	vshrl.u32 v8, $0x13;
	[tilespmem:v17+s2+$0x0] =	vst.idx.add.s32.msk vm5, v4  }
0x173: {  	v20 =	vmin.u32 v20, $0x1000;
	v17 =	vshrl.u32 v10, $0x13;
	v18 =	vmin.u32 v18, $0x1000;
	[tilespmem:v15+s2+$0x0] =	vst.idx.add.s32.msk vm3, v4  }
0x174: {  	v22 =	vshll.u32 v19, $0x3;
	v15 =	vmin.u32 v17, $0x1000;
	v17 =	vshll.u32 v21, $0x3;
	[tilespmem:v12+s2+$0x0] =	vst.idx.add.s32.msk vm2, v4  }
0x175: {  	v23 =	vshll.u32 v16, $0x3;
	v24 =	vshll.u32 v14, $0x3;
	v12 =	vshll.u32 v15, $0x3;
	[tilespmem:v11+s2+$0x0] =	vst.idx.add.s32.msk vm1, v4  }
0x176: {  	s1 =	simm.s32 $0xF70;
	v26 =	vshll.u32 v18, $0x3;
	v11 =	vshll.u32 v20, $0x3;
	v25 =	vand.u32 $0xFC00, v12;
	[tilespmem:v13+s2+$0x0] =	vst.idx.add.s32.msk vm4, v4  }
0x177: {  	v22 =	vand.u32 $0xFC00, v22;
	v23 =	vand.u32 $0xFC00, v23;
	v17 =	vand.u32 $0xFC00, v17  }
.Ltmp7:
0x178: {  	v24 =	vand.u32 $0xFC00, v24;
	v12 =	vand.u32 $0xFC00, v11;
	v11 =	vand.u32 $0xFC00, v26;
	(pc) =	sbr.rel @p2 .LBB2_16-.Ltmp7, $4  }
0x179: {  	v21 =	vand.u32 $0x7F, v21;
	v15 =	vand.u32 $0x7F, v15;
	v26 =	vand.u32 $0x7F, v19  }
0x17a: {  	v27 =	vand.u32 $0x7F, v16;
	v28 =	vand.u32 $0x7F, v14;
	v13 =	vand.u32 $0x7F, v20  }
0x17b: {  	v14 =	vand.u32 $0x7F, v18;
	v16 =	vor.u32 v21, v17;
	v19 =	vor.u32 v15, v25  }
0x17c: {  	s15 =	sadd.s32 $0x80, s15;
	v17 =	vor.u32 v27, v23;
	v18 =	vor.u32 v26, v22;
	v15 =	vor.u32 v28, v24  }
0x17d: {  	vm0 =	vmmov vm0  }
0x17e: {  	v16 =	vadd.s32 v3, v16;
	vm1 =	vgt.s32 v10, $0xFFFFFFFF  }
0x17f: {  	v61 =	vadd.s32 v3, v19;
	vm2 =	vgt.s32 v9, $0xFFFFFFFF  }
0x180: {  	v62 =	vadd.s32 v3, v18;
	vm3 =	vgt.s32 v7, $0xFFFFFFFF  }
0x181: {  	v7 =	vadd.s32 v3, v17;
	vm4 =	vgt.s32 v5, $0xFFFFFFFF  }
0x182: {  	v5 =	vor.u32 v13, v12;
	v63 =	vadd.s32 v3, v15;
	vm5 =	vgt.s32 v6, $0xFFFFFFFF  }
0x183: {  	v6 =	vor.u32 v14, v11;
	vm6 =	vgt.s32 v8, $0xFFFFFFFF;
	v5 =	vadd.s32 v3, v5;
	[tilespmem:v16+s2+$0x0] =	vst.idx.add.s32.msk vm0, v4  }
0x184: {  	v6 =	vadd.s32 v3, v6;
	[tilespmem:v61+s2+$0x0] =	vst.idx.add.s32.msk vm1, v4  }
0x185: {  	[tilespmem:v62+s2+$0x0] =	vst.idx.add.s32.msk vm2, v4  }
0x186: {  	[tilespmem:v7+s2+$0x0] =	vst.idx.add.s32.msk vm3, v4  }
0x187: {  	[tilespmem:v63+s2+$0x0] =	vst.idx.add.s32.msk vm4, v4  }
0x188: {  	[tilespmem:v5+s2+$0x0] =	vst.idx.add.s32.msk vm5, v4  }
0x189: {  	[tilespmem:v6+s2+$0x0] =	vst.idx.add.s32.msk vm6, v4  }
.LBB2_18:
0x18a: {  	v5 =	vld [tilespmem:s14+$0x0];
	_ =	sdelay $0x4  }
0x18b: {  	v6 =	vshrl.u32 v5, $0x13  }
0x18c: {  	v6 =	vmin.u32 v6, $0x1000  }
0x18d: {  	v7 =	vshll.u32 v6, $0x3  }
0x18e: {  	v6 =	vand.u32 $0x7F, v6;
	v7 =	vand.u32 $0xFC00, v7  }
0x18f: {  	s1 =	sadd.s32 $0x10, s1;
	vm0 =	vgt.s32 v5, $0xFFFFFFFF;
	v5 =	vor.u32 v6, v7  }
0x190: {  	p2 =	slt.u32 s1, $0xF90;
	v5 =	vadd.s32 v3, v5  }
.Ltmp8:
0x191: {  	_ = 	snop;
	(pc) =	sbr.rel @p2 .LBB2_18-.Ltmp8, $2  }
0x192: {  	_ =	sdelay $0x2  }
0x193: {  	s14 =	sadd.s32 $0x10, s14;
	[tilespmem:v5+s2+$0x0] =	vst.idx.add.s32.msk vm0, v4  }
0x194: {  	s0 =	simm.s32 $0x4  }
0x195: {  	_ =	swait.ge [sflag:s0], $0xFA0  }
0x196: {  	[sflag:s0] =	ssyncset.done $0x0  }
0x197: {  	s31 =	simm.s32 $0x3040;
	[sflag:s0] =	ssyncadd.s32 $0xFFFFF060  }
0x198: {  	v11 =	vld [tilespmem:s31+$0x30]  }
0x199: {  	v8 =	vld [tilespmem:s31+$0xFFFFFFD0]  }
0x19a: {  	v7 =	vld [tilespmem:s31+$0xFFFFFFF0]  }
0x19b: {  	v5 =	vld [tilespmem:s31+$0x0]  }
0x19c: {  	v9 =	vld [tilespmem:s31+$0xFFFFFFE0];
	_ =	sdelay $0x1  }
0x19d: {  	v10 =	vshrl.u32 v11, $0x13  }
0x19e: {  	v12 =	vshrl.u32 v8, $0x13;
	vm0 =	vgt.s32 v8, $0xFFFFFFFF;
	v16 =	vshrl.u32 v7, $0x13  }
0x19f: {  	v17 =	vshrl.u32 v5, $0x13;
	vm1 =	vgt.s32 v11, $0xFFFFFFFF;
	v13 =	vmin.u32 v10, $0x1000  }
0x1a0: {  	v6 =	vld [tilespmem:s31+$0x10];
	v14 =	vmin.u32 v12, $0x1000;
	v12 =	vshrl.u32 v9, $0x13;
	v16 =	vmin.u32 v16, $0x1000  }
0x1a1: {  	v8 =	vld [tilespmem:s31+$0x20];
	v17 =	vmin.u32 v17, $0x1000;
	v15 =	vshll.u32 v13, $0x3;
	v13 =	vand.u32 $0x7F, v13  }
0x1a2: {  	v10 =	vld [tilespmem:s31+$0xFFFFFFC0];
	v22 =	vshll.u32 v16, $0x3;
	v23 =	vshll.u32 v17, $0x3;
	v63 =	vand.u32 $0x7F, v16  }
0x1a3: {  	v28 =	vand.u32 $0x7F, v17;
	v15 =	vand.u32 $0xFC00, v15;
	v22 =	vand.u32 $0xFC00, v22  }
0x1a4: {  	v23 =	vand.u32 $0xFC00, v23;
	v11 =	vor.u32 v13, v15;
	v13 =	vmin.u32 v12, $0x1000  }
0x1a5: {  	v12 =	vshrl.u32 v6, $0x13;
	v17 =	vor.u32 v63, v22;
	v15 =	vadd.s32 v3, v11  }
0x1a6: {  	v11 =	vshrl.u32 v8, $0x13;
	v19 =	vmin.u32 v12, $0x1000;
	v12 =	vshll.u32 v13, $0x3  }
0x1a7: {  	v62 =	vand.u32 $0x7F, v13;
	v18 =	vshrl.u32 v10, $0x13;
	v20 =	vmin.u32 v11, $0x1000  }
0x1a8: {  	v11 =	vshll.u32 v14, $0x3;
	v24 =	vshll.u32 v19, $0x3;
	v27 =	vand.u32 $0xFC00, v12  }
0x1a9: {  	v14 =	vand.u32 $0x7F, v14;
	v13 =	vand.u32 $0x7F, v19;
	v18 =	vmin.u32 v18, $0x1000  }
0x1aa: {  	v25 =	vshll.u32 v20, $0x3;
	v26 =	vand.u32 $0xFC00, v11;
	v12 =	vand.u32 $0xFC00, v24  }
0x1ab: {  	v21 =	vshll.u32 v18, $0x3;
	v11 =	vand.u32 $0xFC00, v25;
	v18 =	vand.u32 $0x7F, v18  }
0x1ac: {  	v16 =	vor.u32 v14, v26;
	v14 =	vand.u32 $0x7F, v20;
	v21 =	vand.u32 $0xFC00, v21;
	[tilespmem:v15+s2+$0x0] =	vst.idx.add.s32.msk vm1, v4  }
0x1ad: {  	s14 =	simm.s32 $0x3F80;
	s15 =	simm.s32 $0x30C0;
	s0 =	simm.s32 $0x0;
	v19 =	vor.u32 v18, v21;
	v18 =	vor.u32 v62, v27;
	v15 =	vor.u32 v28, v23  }
.LBB2_20:
0x1ae: {  	v19 =	vadd.s32 v3, v19  }
0x1af: {  	v20 =	vld [tilespmem:s15+$0x30];
	s0 =	sadd.s32 $0x80, s0;
	v12 =	vor.u32 v13, v12;
	v11 =	vor.u32 v14, v11;
	vm4 =	vmmov vm0  }
0x1b0: {  	v14 =	vadd.s32 v3, v16;
	v16 =	vadd.s32 v3, v18;
	v17 =	vadd.s32 v3, v17;
	v13 =	vld [tilespmem:s15+$0xFFFFFFD0];
	p2 =	slt.u32 s0, $0xF00  }
0x1b1: {  	v15 =	vadd.s32 v3, v15;
	v12 =	vadd.s32 v3, v12;
	v11 =	vadd.s32 v3, v11;
	v18 =	vld [tilespmem:s15+$0xFFFFFFE0]  }
0x1b2: {  	vm7 =	vgt.s32 v10, $0xFFFFFFFF;
	vm6 =	vgt.s32 v9, $0xFFFFFFFF;
	vm5 =	vgt.s32 v7, $0xFFFFFFFF;
	v7 =	vld [tilespmem:s15+$0xFFFFFFF0]  }
0x1b3: {  	vm3 =	vgt.s32 v5, $0xFFFFFFFF;
	vm2 =	vgt.s32 v6, $0xFFFFFFFF;
	vm1 =	vgt.s32 v8, $0xFFFFFFFF;
	v5 =	vld [tilespmem:s15+$0x0]  }
0x1b4: {  	v6 =	vld [tilespmem:s15+$0x10];
	v24 =	vshrl.u32 v20, $0x13  }
0x1b5: {  	v21 =	vshrl.u32 v13, $0x13;
	vm0 =	vgt.s32 v13, $0xFFFFFFFF;
	v8 =	vld [tilespmem:s15+$0x20];
	v13 =	vmin.u32 v24, $0x1000  }
0x1b6: {  	v10 =	vld [tilespmem:s15+$0xFFFFFFC0];
	v21 =	vmin.u32 v21, $0x1000;
	v22 =	vshrl.u32 v18, $0x13;
	v23 =	vshll.u32 v13, $0x3;
	v9 =	vmovc v18  }
0x1b7: {  	v13 =	vand.u32 $0x7F, v13;
	v18 =	vshrl.u32 v7, $0x13;
	v23 =	vand.u32 $0xFC00, v23;
	[tilespmem:v14+s2+$0x0] =	vst.idx.add.s32.msk vm4, v4  }
0x1b8: {  	vm4 =	vgt.s32 v20, $0xFFFFFFFF;
	v14 =	vshrl.u32 v5, $0x13;
	v13 =	vor.u32 v13, v23;
	[tilespmem:v19+s2+$0x0] =	vst.idx.add.s32.msk vm7, v4  }
0x1b9: {  	v19 =	vmin.u32 v22, $0x1000;
	v20 =	vshrl.u32 v6, $0x13;
	v13 =	vadd.s32 v3, v13;
	[tilespmem:v16+s2+$0x0] =	vst.idx.add.s32.msk vm6, v4  }
0x1ba: {  	v16 =	vmin.u32 v18, $0x1000;
	v14 =	vmin.u32 v14, $0x1000;
	v18 =	vshrl.u32 v8, $0x13;
	[tilespmem:v17+s2+$0x0] =	vst.idx.add.s32.msk vm5, v4  }
0x1bb: {  	v20 =	vmin.u32 v20, $0x1000;
	v17 =	vshrl.u32 v10, $0x13;
	v18 =	vmin.u32 v18, $0x1000;
	[tilespmem:v15+s2+$0x0] =	vst.idx.add.s32.msk vm3, v4  }
0x1bc: {  	v22 =	vshll.u32 v19, $0x3;
	v15 =	vmin.u32 v17, $0x1000;
	v17 =	vshll.u32 v21, $0x3;
	[tilespmem:v12+s2+$0x0] =	vst.idx.add.s32.msk vm2, v4  }
0x1bd: {  	v23 =	vshll.u32 v16, $0x3;
	v24 =	vshll.u32 v14, $0x3;
	v12 =	vshll.u32 v15, $0x3;
	[tilespmem:v11+s2+$0x0] =	vst.idx.add.s32.msk vm1, v4  }
0x1be: {  	s1 =	simm.s32 $0xF70;
	v26 =	vshll.u32 v18, $0x3;
	v11 =	vshll.u32 v20, $0x3;
	v25 =	vand.u32 $0xFC00, v12;
	[tilespmem:v13+s2+$0x0] =	vst.idx.add.s32.msk vm4, v4  }
0x1bf: {  	v22 =	vand.u32 $0xFC00, v22;
	v23 =	vand.u32 $0xFC00, v23;
	v17 =	vand.u32 $0xFC00, v17  }
.Ltmp9:
0x1c0: {  	v24 =	vand.u32 $0xFC00, v24;
	v12 =	vand.u32 $0xFC00, v11;
	v11 =	vand.u32 $0xFC00, v26;
	(pc) =	sbr.rel @p2 .LBB2_20-.Ltmp9, $4  }
0x1c1: {  	v21 =	vand.u32 $0x7F, v21;
	v15 =	vand.u32 $0x7F, v15;
	v26 =	vand.u32 $0x7F, v19  }
0x1c2: {  	v27 =	vand.u32 $0x7F, v16;
	v28 =	vand.u32 $0x7F, v14;
	v13 =	vand.u32 $0x7F, v20  }
0x1c3: {  	v14 =	vand.u32 $0x7F, v18;
	v16 =	vor.u32 v21, v17;
	v19 =	vor.u32 v15, v25  }
0x1c4: {  	s15 =	sadd.s32 $0x80, s15;
	v17 =	vor.u32 v27, v23;
	v18 =	vor.u32 v26, v22;
	v15 =	vor.u32 v28, v24  }
0x1c5: {  	vm0 =	vmmov vm0  }
0x1c6: {  	v16 =	vadd.s32 v3, v16;
	vm1 =	vgt.s32 v10, $0xFFFFFFFF  }
0x1c7: {  	v61 =	vadd.s32 v3, v19;
	vm2 =	vgt.s32 v9, $0xFFFFFFFF  }
0x1c8: {  	v62 =	vadd.s32 v3, v18;
	vm3 =	vgt.s32 v7, $0xFFFFFFFF  }
0x1c9: {  	v7 =	vadd.s32 v3, v17;
	vm4 =	vgt.s32 v5, $0xFFFFFFFF  }
0x1ca: {  	v5 =	vor.u32 v13, v12;
	v63 =	vadd.s32 v3, v15;
	vm5 =	vgt.s32 v6, $0xFFFFFFFF  }
0x1cb: {  	v6 =	vor.u32 v14, v11;
	vm6 =	vgt.s32 v8, $0xFFFFFFFF;
	v5 =	vadd.s32 v3, v5;
	[tilespmem:v16+s2+$0x0] =	vst.idx.add.s32.msk vm0, v4  }
0x1cc: {  	v6 =	vadd.s32 v3, v6;
	[tilespmem:v61+s2+$0x0] =	vst.idx.add.s32.msk vm1, v4  }
0x1cd: {  	[tilespmem:v62+s2+$0x0] =	vst.idx.add.s32.msk vm2, v4  }
0x1ce: {  	[tilespmem:v7+s2+$0x0] =	vst.idx.add.s32.msk vm3, v4  }
0x1cf: {  	[tilespmem:v63+s2+$0x0] =	vst.idx.add.s32.msk vm4, v4  }
0x1d0: {  	[tilespmem:v5+s2+$0x0] =	vst.idx.add.s32.msk vm5, v4  }
0x1d1: {  	[tilespmem:v6+s2+$0x0] =	vst.idx.add.s32.msk vm6, v4  }
.LBB2_22:
0x1d2: {  	v5 =	vld [tilespmem:s14+$0x0];
	_ =	sdelay $0x4  }
0x1d3: {  	v6 =	vshrl.u32 v5, $0x13  }
0x1d4: {  	v6 =	vmin.u32 v6, $0x1000  }
0x1d5: {  	v7 =	vshll.u32 v6, $0x3  }
0x1d6: {  	v6 =	vand.u32 $0x7F, v6;
	v7 =	vand.u32 $0xFC00, v7  }
0x1d7: {  	s1 =	sadd.s32 $0x10, s1;
	vm0 =	vgt.s32 v5, $0xFFFFFFFF;
	v5 =	vor.u32 v6, v7  }
0x1d8: {  	p2 =	slt.u32 s1, $0xF90;
	v5 =	vadd.s32 v3, v5  }
.Ltmp10:
0x1d9: {  	_ = 	snop;
	(pc) =	sbr.rel @p2 .LBB2_22-.Ltmp10, $2  }
0x1da: {  	_ =	sdelay $0x2  }
0x1db: {  	s14 =	sadd.s32 $0x10, s14;
	[tilespmem:v5+s2+$0x0] =	vst.idx.add.s32.msk vm0, v4  }
0x1dc: {  	s0 =	simm.s32 $0x5  }
0x1dd: {  	_ =	swait.ge [sflag:s0], $0xFA0  }
0x1de: {  	[sflag:s0] =	ssyncset.done $0x0  }
0x1df: {  	s31 =	simm.s32 $0x4040;
	[sflag:s0] =	ssyncadd.s32 $0xFFFFF060  }
0x1e0: {  	v11 =	vld [tilespmem:s31+$0x30]  }
0x1e1: {  	v8 =	vld [tilespmem:s31+$0xFFFFFFD0]  }
0x1e2: {  	v7 =	vld [tilespmem:s31+$0xFFFFFFF0]  }
0x1e3: {  	v5 =	vld [tilespmem:s31+$0x0]  }
0x1e4: {  	v9 =	vld [tilespmem:s31+$0xFFFFFFE0];
	_ =	sdelay $0x1  }
0x1e5: {  	v10 =	vshrl.u32 v11, $0x13  }
0x1e6: {  	v12 =	vshrl.u32 v8, $0x13;
	vm0 =	vgt.s32 v8, $0xFFFFFFFF;
	v16 =	vshrl.u32 v7, $0x13  }
0x1e7: {  	v17 =	vshrl.u32 v5, $0x13;
	vm1 =	vgt.s32 v11, $0xFFFFFFFF;
	v13 =	vmin.u32 v10, $0x1000  }
0x1e8: {  	v6 =	vld [tilespmem:s31+$0x10];
	v14 =	vmin.u32 v12, $0x1000;
	v12 =	vshrl.u32 v9, $0x13;
	v16 =	vmin.u32 v16, $0x1000  }
0x1e9: {  	v8 =	vld [tilespmem:s31+$0x20];
	v17 =	vmin.u32 v17, $0x1000;
	v15 =	vshll.u32 v13, $0x3;
	v13 =	vand.u32 $0x7F, v13  }
0x1ea: {  	v10 =	vld [tilespmem:s31+$0xFFFFFFC0];
	v22 =	vshll.u32 v16, $0x3;
	v23 =	vshll.u32 v17, $0x3;
	v63 =	vand.u32 $0x7F, v16  }
0x1eb: {  	v28 =	vand.u32 $0x7F, v17;
	v15 =	vand.u32 $0xFC00, v15;
	v22 =	vand.u32 $0xFC00, v22  }
0x1ec: {  	v23 =	vand.u32 $0xFC00, v23;
	v11 =	vor.u32 v13, v15;
	v13 =	vmin.u32 v12, $0x1000  }
0x1ed: {  	v12 =	vshrl.u32 v6, $0x13;
	v17 =	vor.u32 v63, v22;
	v15 =	vadd.s32 v3, v11  }
0x1ee: {  	v11 =	vshrl.u32 v8, $0x13;
	v19 =	vmin.u32 v12, $0x1000;
	v12 =	vshll.u32 v13, $0x3  }
0x1ef: {  	v62 =	vand.u32 $0x7F, v13;
	v18 =	vshrl.u32 v10, $0x13;
	v20 =	vmin.u32 v11, $0x1000  }
0x1f0: {  	v11 =	vshll.u32 v14, $0x3;
	v24 =	vshll.u32 v19, $0x3;
	v27 =	vand.u32 $0xFC00, v12  }
0x1f1: {  	v14 =	vand.u32 $0x7F, v14;
	v13 =	vand.u32 $0x7F, v19;
	v18 =	vmin.u32 v18, $0x1000  }
0x1f2: {  	v25 =	vshll.u32 v20, $0x3;
	v26 =	vand.u32 $0xFC00, v11;
	v12 =	vand.u32 $0xFC00, v24  }
0x1f3: {  	v21 =	vshll.u32 v18, $0x3;
	v11 =	vand.u32 $0xFC00, v25;
	v18 =	vand.u32 $0x7F, v18  }
0x1f4: {  	v16 =	vor.u32 v14, v26;
	v14 =	vand.u32 $0x7F, v20;
	v21 =	vand.u32 $0xFC00, v21;
	[tilespmem:v15+s2+$0x0] =	vst.idx.add.s32.msk vm1, v4  }
0x1f5: {  	s14 =	simm.s32 $0x4F80;
	s15 =	simm.s32 $0x40C0;
	s0 =	simm.s32 $0x0;
	v19 =	vor.u32 v18, v21;
	v18 =	vor.u32 v62, v27;
	v15 =	vor.u32 v28, v23  }
.LBB2_24:
0x1f6: {  	v19 =	vadd.s32 v3, v19  }
0x1f7: {  	v20 =	vld [tilespmem:s15+$0x30];
	s0 =	sadd.s32 $0x80, s0;
	v12 =	vor.u32 v13, v12;
	v11 =	vor.u32 v14, v11;
	vm4 =	vmmov vm0  }
0x1f8: {  	v14 =	vadd.s32 v3, v16;
	v16 =	vadd.s32 v3, v18;
	v17 =	vadd.s32 v3, v17;
	v13 =	vld [tilespmem:s15+$0xFFFFFFD0];
	p2 =	slt.u32 s0, $0xF00  }
0x1f9: {  	v15 =	vadd.s32 v3, v15;
	v12 =	vadd.s32 v3, v12;
	v11 =	vadd.s32 v3, v11;
	v18 =	vld [tilespmem:s15+$0xFFFFFFE0]  }
0x1fa: {  	vm7 =	vgt.s32 v10, $0xFFFFFFFF;
	vm6 =	vgt.s32 v9, $0xFFFFFFFF;
	vm5 =	vgt.s32 v7, $0xFFFFFFFF;
	v7 =	vld [tilespmem:s15+$0xFFFFFFF0]  }
0x1fb: {  	vm3 =	vgt.s32 v5, $0xFFFFFFFF;
	vm2 =	vgt.s32 v6, $0xFFFFFFFF;
	vm1 =	vgt.s32 v8, $0xFFFFFFFF;
	v5 =	vld [tilespmem:s15+$0x0]  }
0x1fc: {  	v6 =	vld [tilespmem:s15+$0x10];
	v24 =	vshrl.u32 v20, $0x13  }
0x1fd: {  	v21 =	vshrl.u32 v13, $0x13;
	vm0 =	vgt.s32 v13, $0xFFFFFFFF;
	v8 =	vld [tilespmem:s15+$0x20];
	v13 =	vmin.u32 v24, $0x1000  }
0x1fe: {  	v10 =	vld [tilespmem:s15+$0xFFFFFFC0];
	v21 =	vmin.u32 v21, $0x1000;
	v22 =	vshrl.u32 v18, $0x13;
	v23 =	vshll.u32 v13, $0x3;
	v9 =	vmovc v18  }
0x1ff: {  	v13 =	vand.u32 $0x7F, v13;
	v18 =	vshrl.u32 v7, $0x13;
	v23 =	vand.u32 $0xFC00, v23;
	[tilespmem:v14+s2+$0x0] =	vst.idx.add.s32.msk vm4, v4  }
0x200: {  	vm4 =	vgt.s32 v20, $0xFFFFFFFF;
	v14 =	vshrl.u32 v5, $0x13;
	v13 =	vor.u32 v13, v23;
	[tilespmem:v19+s2+$0x0] =	vst.idx.add.s32.msk vm7, v4  }
0x201: {  	v19 =	vmin.u32 v22, $0x1000;
	v20 =	vshrl.u32 v6, $0x13;
	v13 =	vadd.s32 v3, v13;
	[tilespmem:v16+s2+$0x0] =	vst.idx.add.s32.msk vm6, v4  }
0x202: {  	v16 =	vmin.u32 v18, $0x1000;
	v14 =	vmin.u32 v14, $0x1000;
	v18 =	vshrl.u32 v8, $0x13;
	[tilespmem:v17+s2+$0x0] =	vst.idx.add.s32.msk vm5, v4  }
0x203: {  	v20 =	vmin.u32 v20, $0x1000;
	v17 =	vshrl.u32 v10, $0x13;
	v18 =	vmin.u32 v18, $0x1000;
	[tilespmem:v15+s2+$0x0] =	vst.idx.add.s32.msk vm3, v4  }
0x204: {  	v22 =	vshll.u32 v19, $0x3;
	v15 =	vmin.u32 v17, $0x1000;
	v17 =	vshll.u32 v21, $0x3;
	[tilespmem:v12+s2+$0x0] =	vst.idx.add.s32.msk vm2, v4  }
0x205: {  	v23 =	vshll.u32 v16, $0x3;
	v24 =	vshll.u32 v14, $0x3;
	v12 =	vshll.u32 v15, $0x3;
	[tilespmem:v11+s2+$0x0] =	vst.idx.add.s32.msk vm1, v4  }
0x206: {  	s1 =	simm.s32 $0xF70;
	v26 =	vshll.u32 v18, $0x3;
	v11 =	vshll.u32 v20, $0x3;
	v25 =	vand.u32 $0xFC00, v12;
	[tilespmem:v13+s2+$0x0] =	vst.idx.add.s32.msk vm4, v4  }
0x207: {  	v22 =	vand.u32 $0xFC00, v22;
	v23 =	vand.u32 $0xFC00, v23;
	v17 =	vand.u32 $0xFC00, v17  }
.Ltmp11:
0x208: {  	v24 =	vand.u32 $0xFC00, v24;
	v12 =	vand.u32 $0xFC00, v11;
	v11 =	vand.u32 $0xFC00, v26;
	(pc) =	sbr.rel @p2 .LBB2_24-.Ltmp11, $4  }
0x209: {  	v21 =	vand.u32 $0x7F, v21;
	v15 =	vand.u32 $0x7F, v15;
	v26 =	vand.u32 $0x7F, v19  }
0x20a: {  	v27 =	vand.u32 $0x7F, v16;
	v28 =	vand.u32 $0x7F, v14;
	v13 =	vand.u32 $0x7F, v20  }
0x20b: {  	v14 =	vand.u32 $0x7F, v18;
	v16 =	vor.u32 v21, v17;
	v19 =	vor.u32 v15, v25  }
0x20c: {  	s15 =	sadd.s32 $0x80, s15;
	v17 =	vor.u32 v27, v23;
	v18 =	vor.u32 v26, v22;
	v15 =	vor.u32 v28, v24  }
0x20d: {  	vm0 =	vmmov vm0  }
0x20e: {  	v16 =	vadd.s32 v3, v16;
	vm1 =	vgt.s32 v10, $0xFFFFFFFF  }
0x20f: {  	v61 =	vadd.s32 v3, v19;
	vm2 =	vgt.s32 v9, $0xFFFFFFFF  }
0x210: {  	v62 =	vadd.s32 v3, v18;
	vm3 =	vgt.s32 v7, $0xFFFFFFFF  }
0x211: {  	v7 =	vadd.s32 v3, v17;
	vm4 =	vgt.s32 v5, $0xFFFFFFFF  }
0x212: {  	v5 =	vor.u32 v13, v12;
	v63 =	vadd.s32 v3, v15;
	vm5 =	vgt.s32 v6, $0xFFFFFFFF  }
0x213: {  	v6 =	vor.u32 v14, v11;
	vm6 =	vgt.s32 v8, $0xFFFFFFFF;
	v5 =	vadd.s32 v3, v5;
	[tilespmem:v16+s2+$0x0] =	vst.idx.add.s32.msk vm0, v4  }
0x214: {  	v6 =	vadd.s32 v3, v6;
	[tilespmem:v61+s2+$0x0] =	vst.idx.add.s32.msk vm1, v4  }
0x215: {  	[tilespmem:v62+s2+$0x0] =	vst.idx.add.s32.msk vm2, v4  }
0x216: {  	[tilespmem:v7+s2+$0x0] =	vst.idx.add.s32.msk vm3, v4  }
0x217: {  	[tilespmem:v63+s2+$0x0] =	vst.idx.add.s32.msk vm4, v4  }
0x218: {  	[tilespmem:v5+s2+$0x0] =	vst.idx.add.s32.msk vm5, v4  }
0x219: {  	[tilespmem:v6+s2+$0x0] =	vst.idx.add.s32.msk vm6, v4  }
.LBB2_26:
0x21a: {  	v5 =	vld [tilespmem:s14+$0x0];
	_ =	sdelay $0x4  }
0x21b: {  	v6 =	vshrl.u32 v5, $0x13  }
0x21c: {  	v6 =	vmin.u32 v6, $0x1000  }
0x21d: {  	v7 =	vshll.u32 v6, $0x3  }
0x21e: {  	v6 =	vand.u32 $0x7F, v6;
	v7 =	vand.u32 $0xFC00, v7  }
0x21f: {  	s1 =	sadd.s32 $0x10, s1;
	vm0 =	vgt.s32 v5, $0xFFFFFFFF;
	v5 =	vor.u32 v6, v7  }
0x220: {  	p2 =	slt.u32 s1, $0xF90;
	v5 =	vadd.s32 v3, v5  }
.Ltmp12:
0x221: {  	_ = 	snop;
	(pc) =	sbr.rel @p2 .LBB2_26-.Ltmp12, $2  }
0x222: {  	_ =	sdelay $0x2  }
0x223: {  	s14 =	sadd.s32 $0x10, s14;
	[tilespmem:v5+s2+$0x0] =	vst.idx.add.s32.msk vm0, v4  }
0x224: {  	s0 =	simm.s32 $0x6  }
0x225: {  	_ =	swait.ge [sflag:s0], $0xFA0  }
0x226: {  	[sflag:s0] =	ssyncset.done $0x0  }
0x227: {  	s31 =	simm.s32 $0x5040;
	[sflag:s0] =	ssyncadd.s32 $0xFFFFF060  }
0x228: {  	v11 =	vld [tilespmem:s31+$0x30]  }
0x229: {  	v8 =	vld [tilespmem:s31+$0xFFFFFFD0]  }
0x22a: {  	v7 =	vld [tilespmem:s31+$0xFFFFFFF0]  }
0x22b: {  	v5 =	vld [tilespmem:s31+$0x0]  }
0x22c: {  	v9 =	vld [tilespmem:s31+$0xFFFFFFE0];
	_ =	sdelay $0x1  }
0x22d: {  	v10 =	vshrl.u32 v11, $0x13  }
0x22e: {  	v12 =	vshrl.u32 v8, $0x13;
	vm0 =	vgt.s32 v8, $0xFFFFFFFF;
	v16 =	vshrl.u32 v7, $0x13  }
0x22f: {  	v17 =	vshrl.u32 v5, $0x13;
	vm1 =	vgt.s32 v11, $0xFFFFFFFF;
	v13 =	vmin.u32 v10, $0x1000  }
0x230: {  	v6 =	vld [tilespmem:s31+$0x10];
	v14 =	vmin.u32 v12, $0x1000;
	v12 =	vshrl.u32 v9, $0x13;
	v16 =	vmin.u32 v16, $0x1000  }
0x231: {  	v8 =	vld [tilespmem:s31+$0x20];
	v17 =	vmin.u32 v17, $0x1000;
	v15 =	vshll.u32 v13, $0x3;
	v13 =	vand.u32 $0x7F, v13  }
0x232: {  	v10 =	vld [tilespmem:s31+$0xFFFFFFC0];
	v22 =	vshll.u32 v16, $0x3;
	v23 =	vshll.u32 v17, $0x3;
	v63 =	vand.u32 $0x7F, v16  }
0x233: {  	v28 =	vand.u32 $0x7F, v17;
	v15 =	vand.u32 $0xFC00, v15;
	v22 =	vand.u32 $0xFC00, v22  }
0x234: {  	v23 =	vand.u32 $0xFC00, v23;
	v11 =	vor.u32 v13, v15;
	v13 =	vmin.u32 v12, $0x1000  }
0x235: {  	v12 =	vshrl.u32 v6, $0x13;
	v17 =	vor.u32 v63, v22;
	v15 =	vadd.s32 v3, v11  }
0x236: {  	v11 =	vshrl.u32 v8, $0x13;
	v19 =	vmin.u32 v12, $0x1000;
	v12 =	vshll.u32 v13, $0x3  }
0x237: {  	v62 =	vand.u32 $0x7F, v13;
	v18 =	vshrl.u32 v10, $0x13;
	v20 =	vmin.u32 v11, $0x1000  }
0x238: {  	v11 =	vshll.u32 v14, $0x3;
	v24 =	vshll.u32 v19, $0x3;
	v27 =	vand.u32 $0xFC00, v12  }
0x239: {  	v14 =	vand.u32 $0x7F, v14;
	v13 =	vand.u32 $0x7F, v19;
	v18 =	vmin.u32 v18, $0x1000  }
0x23a: {  	v25 =	vshll.u32 v20, $0x3;
	v26 =	vand.u32 $0xFC00, v11;
	v12 =	vand.u32 $0xFC00, v24  }
0x23b: {  	v21 =	vshll.u32 v18, $0x3;
	v11 =	vand.u32 $0xFC00, v25;
	v18 =	vand.u32 $0x7F, v18  }
0x23c: {  	v16 =	vor.u32 v14, v26;
	v14 =	vand.u32 $0x7F, v20;
	v21 =	vand.u32 $0xFC00, v21;
	[tilespmem:v15+s2+$0x0] =	vst.idx.add.s32.msk vm1, v4  }
0x23d: {  	s14 =	simm.s32 $0x5F80;
	s15 =	simm.s32 $0x50C0;
	s0 =	simm.s32 $0x0;
	v19 =	vor.u32 v18, v21;
	v18 =	vor.u32 v62, v27;
	v15 =	vor.u32 v28, v23  }
.LBB2_28:
0x23e: {  	v19 =	vadd.s32 v3, v19  }
0x23f: {  	v20 =	vld [tilespmem:s15+$0x30];
	s0 =	sadd.s32 $0x80, s0;
	v12 =	vor.u32 v13, v12;
	v11 =	vor.u32 v14, v11;
	vm4 =	vmmov vm0  }
0x240: {  	v14 =	vadd.s32 v3, v16;
	v16 =	vadd.s32 v3, v18;
	v17 =	vadd.s32 v3, v17;
	v13 =	vld [tilespmem:s15+$0xFFFFFFD0];
	p2 =	slt.u32 s0, $0xF00  }
0x241: {  	v15 =	vadd.s32 v3, v15;
	v12 =	vadd.s32 v3, v12;
	v11 =	vadd.s32 v3, v11;
	v18 =	vld [tilespmem:s15+$0xFFFFFFE0]  }
0x242: {  	vm7 =	vgt.s32 v10, $0xFFFFFFFF;
	vm6 =	vgt.s32 v9, $0xFFFFFFFF;
	vm5 =	vgt.s32 v7, $0xFFFFFFFF;
	v7 =	vld [tilespmem:s15+$0xFFFFFFF0]  }
0x243: {  	vm3 =	vgt.s32 v5, $0xFFFFFFFF;
	vm2 =	vgt.s32 v6, $0xFFFFFFFF;
	vm1 =	vgt.s32 v8, $0xFFFFFFFF;
	v5 =	vld [tilespmem:s15+$0x0]  }
0x244: {  	v6 =	vld [tilespmem:s15+$0x10];
	v24 =	vshrl.u32 v20, $0x13  }
0x245: {  	v21 =	vshrl.u32 v13, $0x13;
	vm0 =	vgt.s32 v13, $0xFFFFFFFF;
	v8 =	vld [tilespmem:s15+$0x20];
	v13 =	vmin.u32 v24, $0x1000  }
0x246: {  	v10 =	vld [tilespmem:s15+$0xFFFFFFC0];
	v21 =	vmin.u32 v21, $0x1000;
	v22 =	vshrl.u32 v18, $0x13;
	v23 =	vshll.u32 v13, $0x3;
	v9 =	vmovc v18  }
0x247: {  	v13 =	vand.u32 $0x7F, v13;
	v18 =	vshrl.u32 v7, $0x13;
	v23 =	vand.u32 $0xFC00, v23;
	[tilespmem:v14+s2+$0x0] =	vst.idx.add.s32.msk vm4, v4  }
0x248: {  	vm4 =	vgt.s32 v20, $0xFFFFFFFF;
	v14 =	vshrl.u32 v5, $0x13;
	v13 =	vor.u32 v13, v23;
	[tilespmem:v19+s2+$0x0] =	vst.idx.add.s32.msk vm7, v4  }
0x249: {  	v19 =	vmin.u32 v22, $0x1000;
	v20 =	vshrl.u32 v6, $0x13;
	v13 =	vadd.s32 v3, v13;
	[tilespmem:v16+s2+$0x0] =	vst.idx.add.s32.msk vm6, v4  }
0x24a: {  	v16 =	vmin.u32 v18, $0x1000;
	v14 =	vmin.u32 v14, $0x1000;
	v18 =	vshrl.u32 v8, $0x13;
	[tilespmem:v17+s2+$0x0] =	vst.idx.add.s32.msk vm5, v4  }
0x24b: {  	v20 =	vmin.u32 v20, $0x1000;
	v17 =	vshrl.u32 v10, $0x13;
	v18 =	vmin.u32 v18, $0x1000;
	[tilespmem:v15+s2+$0x0] =	vst.idx.add.s32.msk vm3, v4  }
0x24c: {  	v22 =	vshll.u32 v19, $0x3;
	v15 =	vmin.u32 v17, $0x1000;
	v17 =	vshll.u32 v21, $0x3;
	[tilespmem:v12+s2+$0x0] =	vst.idx.add.s32.msk vm2, v4  }
0x24d: {  	v23 =	vshll.u32 v16, $0x3;
	v24 =	vshll.u32 v14, $0x3;
	v12 =	vshll.u32 v15, $0x3;
	[tilespmem:v11+s2+$0x0] =	vst.idx.add.s32.msk vm1, v4  }
0x24e: {  	s1 =	simm.s32 $0xF70;
	v26 =	vshll.u32 v18, $0x3;
	v11 =	vshll.u32 v20, $0x3;
	v25 =	vand.u32 $0xFC00, v12;
	[tilespmem:v13+s2+$0x0] =	vst.idx.add.s32.msk vm4, v4  }
0x24f: {  	v22 =	vand.u32 $0xFC00, v22;
	v23 =	vand.u32 $0xFC00, v23;
	v17 =	vand.u32 $0xFC00, v17  }
.Ltmp13:
0x250: {  	v24 =	vand.u32 $0xFC00, v24;
	v12 =	vand.u32 $0xFC00, v11;
	v11 =	vand.u32 $0xFC00, v26;
	(pc) =	sbr.rel @p2 .LBB2_28-.Ltmp13, $4  }
0x251: {  	v21 =	vand.u32 $0x7F, v21;
	v15 =	vand.u32 $0x7F, v15;
	v26 =	vand.u32 $0x7F, v19  }
0x252: {  	v27 =	vand.u32 $0x7F, v16;
	v28 =	vand.u32 $0x7F, v14;
	v13 =	vand.u32 $0x7F, v20  }
0x253: {  	v14 =	vand.u32 $0x7F, v18;
	v16 =	vor.u32 v21, v17;
	v19 =	vor.u32 v15, v25  }
0x254: {  	s15 =	sadd.s32 $0x80, s15;
	v17 =	vor.u32 v27, v23;
	v18 =	vor.u32 v26, v22;
	v15 =	vor.u32 v28, v24  }
0x255: {  	vm0 =	vmmov vm0  }
0x256: {  	v16 =	vadd.s32 v3, v16;
	vm1 =	vgt.s32 v10, $0xFFFFFFFF  }
0x257: {  	v61 =	vadd.s32 v3, v19;
	vm2 =	vgt.s32 v9, $0xFFFFFFFF  }
0x258: {  	v62 =	vadd.s32 v3, v18;
	vm3 =	vgt.s32 v7, $0xFFFFFFFF  }
0x259: {  	v7 =	vadd.s32 v3, v17;
	vm4 =	vgt.s32 v5, $0xFFFFFFFF  }
0x25a: {  	v5 =	vor.u32 v13, v12;
	v63 =	vadd.s32 v3, v15;
	vm5 =	vgt.s32 v6, $0xFFFFFFFF  }
0x25b: {  	v6 =	vor.u32 v14, v11;
	vm6 =	vgt.s32 v8, $0xFFFFFFFF;
	v5 =	vadd.s32 v3, v5;
	[tilespmem:v16+s2+$0x0] =	vst.idx.add.s32.msk vm0, v4  }
0x25c: {  	v6 =	vadd.s32 v3, v6;
	[tilespmem:v61+s2+$0x0] =	vst.idx.add.s32.msk vm1, v4  }
0x25d: {  	[tilespmem:v62+s2+$0x0] =	vst.idx.add.s32.msk vm2, v4  }
0x25e: {  	[tilespmem:v7+s2+$0x0] =	vst.idx.add.s32.msk vm3, v4  }
0x25f: {  	[tilespmem:v63+s2+$0x0] =	vst.idx.add.s32.msk vm4, v4  }
0x260: {  	[tilespmem:v5+s2+$0x0] =	vst.idx.add.s32.msk vm5, v4  }
0x261: {  	[tilespmem:v6+s2+$0x0] =	vst.idx.add.s32.msk vm6, v4  }
.LBB2_30:
0x262: {  	v5 =	vld [tilespmem:s14+$0x0];
	_ =	sdelay $0x4  }
0x263: {  	v6 =	vshrl.u32 v5, $0x13  }
0x264: {  	v6 =	vmin.u32 v6, $0x1000  }
0x265: {  	v7 =	vshll.u32 v6, $0x3  }
0x266: {  	v6 =	vand.u32 $0x7F, v6;
	v7 =	vand.u32 $0xFC00, v7  }
0x267: {  	s1 =	sadd.s32 $0x10, s1;
	vm0 =	vgt.s32 v5, $0xFFFFFFFF;
	v5 =	vor.u32 v6, v7  }
0x268: {  	p2 =	slt.u32 s1, $0xF90;
	v5 =	vadd.s32 v3, v5  }
.Ltmp14:
0x269: {  	_ = 	snop;
	(pc) =	sbr.rel @p2 .LBB2_30-.Ltmp14, $2  }
0x26a: {  	_ =	sdelay $0x2  }
0x26b: {  	s14 =	sadd.s32 $0x10, s14;
	[tilespmem:v5+s2+$0x0] =	vst.idx.add.s32.msk vm0, v4  }
0x26c: {  	s0 =	simm.s32 $0x7  }
0x26d: {  	_ =	swait.ge [sflag:s0], $0xFA0  }
0x26e: {  	[sflag:s0] =	ssyncset.done $0x0  }
0x26f: {  	s31 =	simm.s32 $0x6040;
	[sflag:s0] =	ssyncadd.s32 $0xFFFFF060  }
0x270: {  	v11 =	vld [tilespmem:s31+$0x30]  }
0x271: {  	v8 =	vld [tilespmem:s31+$0xFFFFFFD0]  }
0x272: {  	v7 =	vld [tilespmem:s31+$0xFFFFFFF0]  }
0x273: {  	v5 =	vld [tilespmem:s31+$0x0]  }
0x274: {  	v9 =	vld [tilespmem:s31+$0xFFFFFFE0];
	_ =	sdelay $0x1  }
0x275: {  	v10 =	vshrl.u32 v11, $0x13  }
0x276: {  	v12 =	vshrl.u32 v8, $0x13;
	vm0 =	vgt.s32 v8, $0xFFFFFFFF;
	v16 =	vshrl.u32 v7, $0x13  }
0x277: {  	v17 =	vshrl.u32 v5, $0x13;
	vm1 =	vgt.s32 v11, $0xFFFFFFFF;
	v13 =	vmin.u32 v10, $0x1000  }
0x278: {  	v6 =	vld [tilespmem:s31+$0x10];
	v14 =	vmin.u32 v12, $0x1000;
	v12 =	vshrl.u32 v9, $0x13;
	v16 =	vmin.u32 v16, $0x1000  }
0x279: {  	v8 =	vld [tilespmem:s31+$0x20];
	v17 =	vmin.u32 v17, $0x1000;
	v15 =	vshll.u32 v13, $0x3;
	v13 =	vand.u32 $0x7F, v13  }
0x27a: {  	v10 =	vld [tilespmem:s31+$0xFFFFFFC0];
	v22 =	vshll.u32 v16, $0x3;
	v23 =	vshll.u32 v17, $0x3;
	v63 =	vand.u32 $0x7F, v16  }
0x27b: {  	v28 =	vand.u32 $0x7F, v17;
	v15 =	vand.u32 $0xFC00, v15;
	v22 =	vand.u32 $0xFC00, v22  }
0x27c: {  	v23 =	vand.u32 $0xFC00, v23;
	v11 =	vor.u32 v13, v15;
	v13 =	vmin.u32 v12, $0x1000  }
0x27d: {  	v12 =	vshrl.u32 v6, $0x13;
	v17 =	vor.u32 v63, v22;
	v15 =	vadd.s32 v3, v11  }
0x27e: {  	v11 =	vshrl.u32 v8, $0x13;
	v19 =	vmin.u32 v12, $0x1000;
	v12 =	vshll.u32 v13, $0x3  }
0x27f: {  	v62 =	vand.u32 $0x7F, v13;
	v18 =	vshrl.u32 v10, $0x13;
	v20 =	vmin.u32 v11, $0x1000  }
0x280: {  	v11 =	vshll.u32 v14, $0x3;
	v24 =	vshll.u32 v19, $0x3;
	v27 =	vand.u32 $0xFC00, v12  }
0x281: {  	v14 =	vand.u32 $0x7F, v14;
	v13 =	vand.u32 $0x7F, v19;
	v18 =	vmin.u32 v18, $0x1000  }
0x282: {  	v25 =	vshll.u32 v20, $0x3;
	v26 =	vand.u32 $0xFC00, v11;
	v12 =	vand.u32 $0xFC00, v24  }
0x283: {  	v21 =	vshll.u32 v18, $0x3;
	v11 =	vand.u32 $0xFC00, v25;
	v18 =	vand.u32 $0x7F, v18  }
0x284: {  	v16 =	vor.u32 v14, v26;
	v14 =	vand.u32 $0x7F, v20;
	v21 =	vand.u32 $0xFC00, v21;
	[tilespmem:v15+s2+$0x0] =	vst.idx.add.s32.msk vm1, v4  }
0x285: {  	s14 =	simm.s32 $0x6F80;
	s15 =	simm.s32 $0x60C0;
	s0 =	simm.s32 $0x0;
	v19 =	vor.u32 v18, v21;
	v18 =	vor.u32 v62, v27;
	v15 =	vor.u32 v28, v23  }
.LBB2_32:
0x286: {  	v19 =	vadd.s32 v3, v19  }
0x287: {  	v20 =	vld [tilespmem:s15+$0x30];
	s0 =	sadd.s32 $0x80, s0;
	v12 =	vor.u32 v13, v12;
	v11 =	vor.u32 v14, v11;
	vm4 =	vmmov vm0  }
0x288: {  	v14 =	vadd.s32 v3, v16;
	v16 =	vadd.s32 v3, v18;
	v17 =	vadd.s32 v3, v17;
	v13 =	vld [tilespmem:s15+$0xFFFFFFD0];
	p2 =	slt.u32 s0, $0xF00  }
0x289: {  	v15 =	vadd.s32 v3, v15;
	v12 =	vadd.s32 v3, v12;
	v11 =	vadd.s32 v3, v11;
	v18 =	vld [tilespmem:s15+$0xFFFFFFE0]  }
0x28a: {  	vm7 =	vgt.s32 v10, $0xFFFFFFFF;
	vm6 =	vgt.s32 v9, $0xFFFFFFFF;
	vm5 =	vgt.s32 v7, $0xFFFFFFFF;
	v7 =	vld [tilespmem:s15+$0xFFFFFFF0]  }
0x28b: {  	vm3 =	vgt.s32 v5, $0xFFFFFFFF;
	vm2 =	vgt.s32 v6, $0xFFFFFFFF;
	vm1 =	vgt.s32 v8, $0xFFFFFFFF;
	v5 =	vld [tilespmem:s15+$0x0]  }
0x28c: {  	v6 =	vld [tilespmem:s15+$0x10];
	v24 =	vshrl.u32 v20, $0x13  }
0x28d: {  	v21 =	vshrl.u32 v13, $0x13;
	vm0 =	vgt.s32 v13, $0xFFFFFFFF;
	v8 =	vld [tilespmem:s15+$0x20];
	v13 =	vmin.u32 v24, $0x1000  }
0x28e: {  	v10 =	vld [tilespmem:s15+$0xFFFFFFC0];
	v21 =	vmin.u32 v21, $0x1000;
	v22 =	vshrl.u32 v18, $0x13;
	v23 =	vshll.u32 v13, $0x3;
	v9 =	vmovc v18  }
0x28f: {  	v13 =	vand.u32 $0x7F, v13;
	v18 =	vshrl.u32 v7, $0x13;
	v23 =	vand.u32 $0xFC00, v23;
	[tilespmem:v14+s2+$0x0] =	vst.idx.add.s32.msk vm4, v4  }
0x290: {  	vm4 =	vgt.s32 v20, $0xFFFFFFFF;
	v14 =	vshrl.u32 v5, $0x13;
	v13 =	vor.u32 v13, v23;
	[tilespmem:v19+s2+$0x0] =	vst.idx.add.s32.msk vm7, v4  }
0x291: {  	v19 =	vmin.u32 v22, $0x1000;
	v20 =	vshrl.u32 v6, $0x13;
	v13 =	vadd.s32 v3, v13;
	[tilespmem:v16+s2+$0x0] =	vst.idx.add.s32.msk vm6, v4  }
0x292: {  	v16 =	vmin.u32 v18, $0x1000;
	v14 =	vmin.u32 v14, $0x1000;
	v18 =	vshrl.u32 v8, $0x13;
	[tilespmem:v17+s2+$0x0] =	vst.idx.add.s32.msk vm5, v4  }
0x293: {  	v20 =	vmin.u32 v20, $0x1000;
	v17 =	vshrl.u32 v10, $0x13;
	v18 =	vmin.u32 v18, $0x1000;
	[tilespmem:v15+s2+$0x0] =	vst.idx.add.s32.msk vm3, v4  }
0x294: {  	v22 =	vshll.u32 v19, $0x3;
	v15 =	vmin.u32 v17, $0x1000;
	v17 =	vshll.u32 v21, $0x3;
	[tilespmem:v12+s2+$0x0] =	vst.idx.add.s32.msk vm2, v4  }
0x295: {  	v23 =	vshll.u32 v16, $0x3;
	v24 =	vshll.u32 v14, $0x3;
	v12 =	vshll.u32 v15, $0x3;
	[tilespmem:v11+s2+$0x0] =	vst.idx.add.s32.msk vm1, v4  }
0x296: {  	s1 =	simm.s32 $0xF70;
	v26 =	vshll.u32 v18, $0x3;
	v11 =	vshll.u32 v20, $0x3;
	v25 =	vand.u32 $0xFC00, v12;
	[tilespmem:v13+s2+$0x0] =	vst.idx.add.s32.msk vm4, v4  }
0x297: {  	v22 =	vand.u32 $0xFC00, v22;
	v23 =	vand.u32 $0xFC00, v23;
	v17 =	vand.u32 $0xFC00, v17  }
.Ltmp15:
0x298: {  	v24 =	vand.u32 $0xFC00, v24;
	v12 =	vand.u32 $0xFC00, v11;
	v11 =	vand.u32 $0xFC00, v26;
	(pc) =	sbr.rel @p2 .LBB2_32-.Ltmp15, $4  }
0x299: {  	v21 =	vand.u32 $0x7F, v21;
	v15 =	vand.u32 $0x7F, v15;
	v26 =	vand.u32 $0x7F, v19  }
0x29a: {  	v27 =	vand.u32 $0x7F, v16;
	v28 =	vand.u32 $0x7F, v14;
	v13 =	vand.u32 $0x7F, v20  }
0x29b: {  	v14 =	vand.u32 $0x7F, v18;
	v16 =	vor.u32 v21, v17;
	v19 =	vor.u32 v15, v25  }
0x29c: {  	s15 =	sadd.s32 $0x80, s15;
	v17 =	vor.u32 v27, v23;
	v18 =	vor.u32 v26, v22;
	v15 =	vor.u32 v28, v24  }
0x29d: {  	vm0 =	vmmov vm0  }
0x29e: {  	v16 =	vadd.s32 v3, v16;
	vm1 =	vgt.s32 v10, $0xFFFFFFFF  }
0x29f: {  	v61 =	vadd.s32 v3, v19;
	vm2 =	vgt.s32 v9, $0xFFFFFFFF  }
0x2a0: {  	v62 =	vadd.s32 v3, v18;
	vm3 =	vgt.s32 v7, $0xFFFFFFFF  }
0x2a1: {  	v7 =	vadd.s32 v3, v17;
	vm4 =	vgt.s32 v5, $0xFFFFFFFF  }
0x2a2: {  	v5 =	vor.u32 v13, v12;
	v63 =	vadd.s32 v3, v15;
	vm5 =	vgt.s32 v6, $0xFFFFFFFF  }
0x2a3: {  	v6 =	vor.u32 v14, v11;
	vm6 =	vgt.s32 v8, $0xFFFFFFFF;
	v5 =	vadd.s32 v3, v5;
	[tilespmem:v16+s2+$0x0] =	vst.idx.add.s32.msk vm0, v4  }
0x2a4: {  	v6 =	vadd.s32 v3, v6;
	[tilespmem:v61+s2+$0x0] =	vst.idx.add.s32.msk vm1, v4  }
0x2a5: {  	[tilespmem:v62+s2+$0x0] =	vst.idx.add.s32.msk vm2, v4  }
0x2a6: {  	[tilespmem:v7+s2+$0x0] =	vst.idx.add.s32.msk vm3, v4  }
0x2a7: {  	[tilespmem:v63+s2+$0x0] =	vst.idx.add.s32.msk vm4, v4  }
0x2a8: {  	[tilespmem:v5+s2+$0x0] =	vst.idx.add.s32.msk vm5, v4  }
0x2a9: {  	[tilespmem:v6+s2+$0x0] =	vst.idx.add.s32.msk vm6, v4  }
.LBB2_34:
0x2aa: {  	v5 =	vld [tilespmem:s14+$0x0];
	_ =	sdelay $0x4  }
0x2ab: {  	v6 =	vshrl.u32 v5, $0x13  }
0x2ac: {  	v6 =	vmin.u32 v6, $0x1000  }
0x2ad: {  	v7 =	vshll.u32 v6, $0x3  }
0x2ae: {  	v6 =	vand.u32 $0x7F, v6;
	v7 =	vand.u32 $0xFC00, v7  }
0x2af: {  	s1 =	sadd.s32 $0x10, s1;
	vm0 =	vgt.s32 v5, $0xFFFFFFFF;
	v5 =	vor.u32 v6, v7  }
0x2b0: {  	p2 =	slt.u32 s1, $0xF90;
	v5 =	vadd.s32 v3, v5  }
.Ltmp16:
0x2b1: {  	_ = 	snop;
	(pc) =	sbr.rel @p2 .LBB2_34-.Ltmp16, $2  }
0x2b2: {  	_ =	sdelay $0x2  }
0x2b3: {  	s14 =	sadd.s32 $0x10, s14;
	[tilespmem:v5+s2+$0x0] =	vst.idx.add.s32.msk vm0, v4  }
.Ltmp17:
0x2b4: {  	(pc) =	sbr.rel @p0 .LBB2_40-.Ltmp17, $1  }
0x2b5: {  	_ =	sdelay $0x3  }
0x2b6: {  	s0 =	simm.s32 $0x8  }
0x2b7: {  	_ =	swait.ge [sflag:s0], $0xFA0  }
0x2b8: {  	[sflag:s0] =	ssyncset.done $0x0  }
0x2b9: {  	s31 =	simm.s32 $0x7040;
	[sflag:s0] =	ssyncadd.s32 $0xFFFFF060  }
0x2ba: {  	v11 =	vld [tilespmem:s31+$0x30]  }
0x2bb: {  	v8 =	vld [tilespmem:s31+$0xFFFFFFD0]  }
0x2bc: {  	v7 =	vld [tilespmem:s31+$0xFFFFFFF0]  }
0x2bd: {  	v5 =	vld [tilespmem:s31+$0x0]  }
0x2be: {  	v9 =	vld [tilespmem:s31+$0xFFFFFFE0];
	_ =	sdelay $0x1  }
0x2bf: {  	v10 =	vshrl.u32 v11, $0x13  }
0x2c0: {  	v12 =	vshrl.u32 v8, $0x13;
	vm0 =	vgt.s32 v8, $0xFFFFFFFF;
	v16 =	vshrl.u32 v7, $0x13  }
0x2c1: {  	v17 =	vshrl.u32 v5, $0x13;
	vm1 =	vgt.s32 v11, $0xFFFFFFFF;
	v13 =	vmin.u32 v10, $0x1000  }
0x2c2: {  	v6 =	vld [tilespmem:s31+$0x10];
	v14 =	vmin.u32 v12, $0x1000;
	v12 =	vshrl.u32 v9, $0x13;
	v16 =	vmin.u32 v16, $0x1000  }
0x2c3: {  	v8 =	vld [tilespmem:s31+$0x20];
	v17 =	vmin.u32 v17, $0x1000;
	v15 =	vshll.u32 v13, $0x3;
	v13 =	vand.u32 $0x7F, v13  }
0x2c4: {  	v10 =	vld [tilespmem:s31+$0xFFFFFFC0];
	v22 =	vshll.u32 v16, $0x3;
	v23 =	vshll.u32 v17, $0x3;
	v63 =	vand.u32 $0x7F, v16  }
0x2c5: {  	v28 =	vand.u32 $0x7F, v17;
	v15 =	vand.u32 $0xFC00, v15;
	v22 =	vand.u32 $0xFC00, v22  }
0x2c6: {  	v23 =	vand.u32 $0xFC00, v23;
	v11 =	vor.u32 v13, v15;
	v13 =	vmin.u32 v12, $0x1000  }
0x2c7: {  	v12 =	vshrl.u32 v6, $0x13;
	v17 =	vor.u32 v63, v22;
	v15 =	vadd.s32 v3, v11  }
0x2c8: {  	v11 =	vshrl.u32 v8, $0x13;
	v19 =	vmin.u32 v12, $0x1000;
	v12 =	vshll.u32 v13, $0x3  }
0x2c9: {  	v62 =	vand.u32 $0x7F, v13;
	v18 =	vshrl.u32 v10, $0x13;
	v20 =	vmin.u32 v11, $0x1000  }
0x2ca: {  	v11 =	vshll.u32 v14, $0x3;
	v24 =	vshll.u32 v19, $0x3;
	v27 =	vand.u32 $0xFC00, v12  }
0x2cb: {  	v14 =	vand.u32 $0x7F, v14;
	v13 =	vand.u32 $0x7F, v19;
	v18 =	vmin.u32 v18, $0x1000  }
0x2cc: {  	v25 =	vshll.u32 v20, $0x3;
	v26 =	vand.u32 $0xFC00, v11;
	v12 =	vand.u32 $0xFC00, v24  }
0x2cd: {  	v21 =	vshll.u32 v18, $0x3;
	v11 =	vand.u32 $0xFC00, v25;
	v18 =	vand.u32 $0x7F, v18  }
0x2ce: {  	v16 =	vor.u32 v14, v26;
	v14 =	vand.u32 $0x7F, v20;
	v21 =	vand.u32 $0xFC00, v21;
	[tilespmem:v15+s2+$0x0] =	vst.idx.add.s32.msk vm1, v4  }
0x2cf: {  	s14 =	simm.s32 $0x7F80;
	s15 =	simm.s32 $0x70C0;
	s0 =	simm.s32 $0x0;
	v19 =	vor.u32 v18, v21;
	v18 =	vor.u32 v62, v27;
	v15 =	vor.u32 v28, v23  }
.LBB2_37:
0x2d0: {  	v19 =	vadd.s32 v3, v19  }
0x2d1: {  	v20 =	vld [tilespmem:s15+$0x30];
	s0 =	sadd.s32 $0x80, s0;
	v12 =	vor.u32 v13, v12;
	v11 =	vor.u32 v14, v11;
	vm4 =	vmmov vm0  }
0x2d2: {  	v14 =	vadd.s32 v3, v16;
	v16 =	vadd.s32 v3, v18;
	v17 =	vadd.s32 v3, v17;
	v13 =	vld [tilespmem:s15+$0xFFFFFFD0];
	p2 =	slt.u32 s0, $0xF00  }
0x2d3: {  	v15 =	vadd.s32 v3, v15;
	v12 =	vadd.s32 v3, v12;
	v11 =	vadd.s32 v3, v11;
	v18 =	vld [tilespmem:s15+$0xFFFFFFE0]  }
0x2d4: {  	vm7 =	vgt.s32 v10, $0xFFFFFFFF;
	vm6 =	vgt.s32 v9, $0xFFFFFFFF;
	vm5 =	vgt.s32 v7, $0xFFFFFFFF;
	v7 =	vld [tilespmem:s15+$0xFFFFFFF0]  }
0x2d5: {  	vm3 =	vgt.s32 v5, $0xFFFFFFFF;
	vm2 =	vgt.s32 v6, $0xFFFFFFFF;
	vm1 =	vgt.s32 v8, $0xFFFFFFFF;
	v5 =	vld [tilespmem:s15+$0x0]  }
0x2d6: {  	v6 =	vld [tilespmem:s15+$0x10];
	v24 =	vshrl.u32 v20, $0x13  }
0x2d7: {  	v21 =	vshrl.u32 v13, $0x13;
	vm0 =	vgt.s32 v13, $0xFFFFFFFF;
	v8 =	vld [tilespmem:s15+$0x20];
	v13 =	vmin.u32 v24, $0x1000  }
0x2d8: {  	v10 =	vld [tilespmem:s15+$0xFFFFFFC0];
	v21 =	vmin.u32 v21, $0x1000;
	v22 =	vshrl.u32 v18, $0x13;
	v23 =	vshll.u32 v13, $0x3;
	v9 =	vmovc v18  }
0x2d9: {  	v13 =	vand.u32 $0x7F, v13;
	v18 =	vshrl.u32 v7, $0x13;
	v23 =	vand.u32 $0xFC00, v23;
	[tilespmem:v14+s2+$0x0] =	vst.idx.add.s32.msk vm4, v4  }
0x2da: {  	vm4 =	vgt.s32 v20, $0xFFFFFFFF;
	v14 =	vshrl.u32 v5, $0x13;
	v13 =	vor.u32 v13, v23;
	[tilespmem:v19+s2+$0x0] =	vst.idx.add.s32.msk vm7, v4  }
0x2db: {  	v19 =	vmin.u32 v22, $0x1000;
	v20 =	vshrl.u32 v6, $0x13;
	v13 =	vadd.s32 v3, v13;
	[tilespmem:v16+s2+$0x0] =	vst.idx.add.s32.msk vm6, v4  }
0x2dc: {  	v16 =	vmin.u32 v18, $0x1000;
	v14 =	vmin.u32 v14, $0x1000;
	v18 =	vshrl.u32 v8, $0x13;
	[tilespmem:v17+s2+$0x0] =	vst.idx.add.s32.msk vm5, v4  }
0x2dd: {  	v20 =	vmin.u32 v20, $0x1000;
	v17 =	vshrl.u32 v10, $0x13;
	v18 =	vmin.u32 v18, $0x1000;
	[tilespmem:v15+s2+$0x0] =	vst.idx.add.s32.msk vm3, v4  }
0x2de: {  	v22 =	vshll.u32 v19, $0x3;
	v15 =	vmin.u32 v17, $0x1000;
	v17 =	vshll.u32 v21, $0x3;
	[tilespmem:v12+s2+$0x0] =	vst.idx.add.s32.msk vm2, v4  }
0x2df: {  	v23 =	vshll.u32 v16, $0x3;
	v24 =	vshll.u32 v14, $0x3;
	v12 =	vshll.u32 v15, $0x3;
	[tilespmem:v11+s2+$0x0] =	vst.idx.add.s32.msk vm1, v4  }
0x2e0: {  	s1 =	simm.s32 $0xF70;
	v26 =	vshll.u32 v18, $0x3;
	v11 =	vshll.u32 v20, $0x3;
	v25 =	vand.u32 $0xFC00, v12;
	[tilespmem:v13+s2+$0x0] =	vst.idx.add.s32.msk vm4, v4  }
0x2e1: {  	v22 =	vand.u32 $0xFC00, v22;
	v23 =	vand.u32 $0xFC00, v23;
	v17 =	vand.u32 $0xFC00, v17  }
.Ltmp18:
0x2e2: {  	v24 =	vand.u32 $0xFC00, v24;
	v12 =	vand.u32 $0xFC00, v11;
	v11 =	vand.u32 $0xFC00, v26;
	(pc) =	sbr.rel @p2 .LBB2_37-.Ltmp18, $4  }
0x2e3: {  	v21 =	vand.u32 $0x7F, v21;
	v15 =	vand.u32 $0x7F, v15;
	v26 =	vand.u32 $0x7F, v19  }
0x2e4: {  	v27 =	vand.u32 $0x7F, v16;
	v28 =	vand.u32 $0x7F, v14;
	v13 =	vand.u32 $0x7F, v20  }
0x2e5: {  	v14 =	vand.u32 $0x7F, v18;
	v16 =	vor.u32 v21, v17;
	v19 =	vor.u32 v15, v25  }
0x2e6: {  	s15 =	sadd.s32 $0x80, s15;
	v17 =	vor.u32 v27, v23;
	v18 =	vor.u32 v26, v22;
	v15 =	vor.u32 v28, v24  }
0x2e7: {  	vm0 =	vmmov vm0  }
0x2e8: {  	v16 =	vadd.s32 v3, v16;
	vm1 =	vgt.s32 v10, $0xFFFFFFFF  }
0x2e9: {  	v61 =	vadd.s32 v3, v19;
	vm2 =	vgt.s32 v9, $0xFFFFFFFF  }
0x2ea: {  	v62 =	vadd.s32 v3, v18;
	vm3 =	vgt.s32 v7, $0xFFFFFFFF  }
0x2eb: {  	v7 =	vadd.s32 v3, v17;
	vm4 =	vgt.s32 v5, $0xFFFFFFFF  }
0x2ec: {  	v5 =	vor.u32 v13, v12;
	v63 =	vadd.s32 v3, v15;
	vm5 =	vgt.s32 v6, $0xFFFFFFFF  }
0x2ed: {  	v6 =	vor.u32 v14, v11;
	vm6 =	vgt.s32 v8, $0xFFFFFFFF;
	v5 =	vadd.s32 v3, v5;
	[tilespmem:v16+s2+$0x0] =	vst.idx.add.s32.msk vm0, v4  }
0x2ee: {  	v6 =	vadd.s32 v3, v6;
	[tilespmem:v61+s2+$0x0] =	vst.idx.add.s32.msk vm1, v4  }
0x2ef: {  	[tilespmem:v62+s2+$0x0] =	vst.idx.add.s32.msk vm2, v4  }
0x2f0: {  	[tilespmem:v7+s2+$0x0] =	vst.idx.add.s32.msk vm3, v4  }
0x2f1: {  	[tilespmem:v63+s2+$0x0] =	vst.idx.add.s32.msk vm4, v4  }
0x2f2: {  	[tilespmem:v5+s2+$0x0] =	vst.idx.add.s32.msk vm5, v4  }
0x2f3: {  	[tilespmem:v6+s2+$0x0] =	vst.idx.add.s32.msk vm6, v4  }
.LBB2_39:
0x2f4: {  	v5 =	vld [tilespmem:s14+$0x0];
	_ =	sdelay $0x4  }
0x2f5: {  	v6 =	vshrl.u32 v5, $0x13  }
0x2f6: {  	v6 =	vmin.u32 v6, $0x1000  }
0x2f7: {  	v7 =	vshll.u32 v6, $0x3  }
0x2f8: {  	v6 =	vand.u32 $0x7F, v6;
	v7 =	vand.u32 $0xFC00, v7  }
0x2f9: {  	s1 =	sadd.s32 $0x10, s1;
	vm0 =	vgt.s32 v5, $0xFFFFFFFF;
	v5 =	vor.u32 v6, v7  }
0x2fa: {  	p2 =	slt.u32 s1, $0xF90;
	v5 =	vadd.s32 v3, v5  }
.Ltmp19:
0x2fb: {  	_ = 	snop;
	(pc) =	sbr.rel @p2 .LBB2_39-.Ltmp19, $2  }
0x2fc: {  	_ =	sdelay $0x2  }
0x2fd: {  	s14 =	sadd.s32 $0x10, s14;
	[tilespmem:v5+s2+$0x0] =	vst.idx.add.s32.msk vm0, v4  }
.LBB2_40:
0x2fe: {  	s14 =	simm.s32 $0x18800  }
0x2ff: {  	s15 =	simm.s32 $0x0;
	s16 =	simm.s32 $0x0;
	s17 =	simm.s32 $0x0  }
.LBB2_41:
0x300: {  	s0 =	sand.u32 $0x3FFFFC00, s16  }
0x301: {  	s0 =	sadd.s32 $0x0, s0  }
0x302: {  	v5 =	vld [tilespmem:s0+$0x8080]  }
0x303: {  	v6 =	vld [tilespmem:s0+$0x8000]  }
0x304: {  	v7 =	vld [tilespmem:s0+$0x8100]  }
0x305: {  	v8 =	vld [tilespmem:s0+$0x8180]  }
0x306: {  	v9 =	vld [tilespmem:s0+$0x8200]  }
0x307: {  	s1 =	sor.u32 s16, s15;
	v10 =	vld [tilespmem:s0+$0x8280]  }
0x308: {  	s1 =	sor.u32 $0x380, s1;
	v5 =	vadd.s32 v6, v5;
	v6 =	vld [tilespmem:s0+$0x8300]  }
0x309: {  	s0 =	sadd.s32 $0x8000, s0;
	v5 =	vadd.s32 v7, v5;
	v7 =	vld [tilespmem:s1+$0x8000]  }
0x30a: {  	v59 =	vld [tilespmem:s0+$0x8400];
	v5 =	vadd.s32 v8, v5  }
0x30b: {  	v60 =	vld [tilespmem:s0+$0x8480];
	v5 =	vadd.s32 v9, v5  }
0x30c: {  	v61 =	vld [tilespmem:s0+$0x8500];
	v5 =	vadd.s32 v10, v5  }
0x30d: {  	v5 =	vadd.s32 v6, v5;
	v6 =	vld [tilespmem:s0+$0x8580]  }
0x30e: {  	v5 =	vadd.s32 v7, v5;
	v7 =	vld [tilespmem:s0+$0x8600]  }
0x30f: {  	v62 =	vld [tilespmem:s0+$0x8680];
	v5 =	vadd.s32 v59, v5  }
0x310: {  	v63 =	vld [tilespmem:s0+$0x8700];
	v5 =	vadd.s32 v60, v5  }
0x311: {  	v11 =	vld [tilespmem:s0+$0x8780];
	v10 =	vadd.s32 v61, v5  }
0x312: {  	v5 =	vmov s14;
	v6 =	vadd.s32 v6, v10  }
0x313: {  	v6 =	vadd.s32 v7, v6  }
0x314: {  	v6 =	vadd.s32 v62, v6  }
0x315: {  	s1 =	sadd.s32 $0x80, s16;
	v6 =	vadd.s32 v63, v6  }
0x316: {  	s3 =	simm.s32 $0x0;
	s4 =	simm.s32 $0x80;
	s2 =	sand.u32 $0x3FFFFC00, s1;
	v6 =	vadd.s32 v11, v6  }
0x317: {  	s2 =	sadd.s32 $0x10, s2;
	s0 =	simm.s32 $0x10;
	[tilespmem:v5+s3+$0x0 ss:$0x1] =	vst.idx.msk $0xffff, v6;
	s3 =	simm.s32 $0x0  }
.LBB2_42:
0x318: {  	p2 =	sne.s32 s4, $0x1C0;
	v6 =	vld [tilespmem:s2+$0x8080]  }
0x319: {  	v7 =	vld [tilespmem:s2+$0x8000]  }
0x31a: {  	v8 =	vld [tilespmem:s2+$0x8100]  }
0x31b: {  	v9 =	vld [tilespmem:s2+$0x8180]  }
0x31c: {  	s3 =	sadd.s32 $0x10, s3;
	v10 =	vld [tilespmem:s2+$0x8200]  }
0x31d: {  	s5 =	sor.u32 s1, s3;
	v11 =	vld [tilespmem:s2+$0x8280]  }
0x31e: {  	s5 =	sor.u32 $0x380, s5;
	v6 =	vadd.s32 v7, v6;
	v7 =	vld [tilespmem:s2+$0x8300]  }
0x31f: {  	s2 =	sadd.s32 $0x8000, s2;
	v6 =	vadd.s32 v8, v6;
	v8 =	vld [tilespmem:s5+$0x8000]  }
0x320: {  	v6 =	vadd.s32 v9, v6;
	v9 =	vld [tilespmem:s2+$0x8400]  }
0x321: {  	v6 =	vadd.s32 v10, v6;
	v10 =	vld [tilespmem:s2+$0x8480]  }
0x322: {  	v6 =	vadd.s32 v11, v6;
	v11 =	vld [tilespmem:s2+$0x8500]  }
0x323: {  	v6 =	vadd.s32 v7, v6;
	v7 =	vld [tilespmem:s2+$0x8580]  }
0x324: {  	v6 =	vadd.s32 v8, v6;
	v8 =	vld [tilespmem:s2+$0x8600]  }
0x325: {  	v6 =	vadd.s32 v9, v6;
	v9 =	vld [tilespmem:s2+$0x8680]  }
0x326: {  	v6 =	vadd.s32 v10, v6;
	v10 =	vld [tilespmem:s2+$0x8700]  }
0x327: {  	v6 =	vadd.s32 v11, v6;
	v11 =	vld [tilespmem:s2+$0x8780]  }
0x328: {  	v6 =	vadd.s32 v7, v6  }
.Ltmp20:
0x329: {  	v6 =	vadd.s32 v8, v6;
	(pc) =	sbr.rel @p2 .LBB2_42-.Ltmp20, $4  }
0x32a: {  	v6 =	vadd.s32 v9, v6  }
0x32b: {  	s1 =	sadd.s32 $0x80, s1;
	v6 =	vadd.s32 v10, v6  }
0x32c: {  	s5 =	sshra.s32 s4, $0x2;
	s2 =	sand.u32 $0x3FFFFC00, s1;
	v6 =	vadd.s32 v11, v6  }
0x32d: {  	s4 =	sadd.s32 $0x40, s4;
	s2 =	sadd.s32 s5, s2;
	[tilespmem:v5+s0+$0x0 ss:$0x1] =	vst.idx.msk $0xffff, v6;
	s0 =	smov.u32 s5  }
0x32e: {  	v6 =	vld [tilespmem:s2+$0x8080]  }
0x32f: {  	v7 =	vld [tilespmem:s2+$0x8000]  }
0x330: {  	v8 =	vld [tilespmem:s2+$0x8100]  }
0x331: {  	v9 =	vld [tilespmem:s2+$0x8180]  }
0x332: {  	v10 =	vld [tilespmem:s2+$0x8200];
	s3 =	sadd.s32 $0x10, s3  }
0x333: {  	v11 =	vld [tilespmem:s2+$0x8280];
	s1 =	sor.u32 s1, s3  }
0x334: {  	s1 =	sor.u32 $0x380, s1;
	v6 =	vadd.s32 v7, v6;
	v7 =	vld [tilespmem:s2+$0x8300]  }
0x335: {  	s31 =	sadd.s32 $0x8000, s2;
	v56 =	vld [tilespmem:s1+$0x8000];
	v6 =	vadd.s32 v8, v6  }
0x336: {  	v57 =	vld [tilespmem:s31+$0x8400];
	v6 =	vadd.s32 v9, v6  }
0x337: {  	v58 =	vld [tilespmem:s31+$0x8480];
	v6 =	vadd.s32 v10, v6  }
0x338: {  	v59 =	vld [tilespmem:s31+$0x8500];
	v6 =	vadd.s32 v11, v6  }
0x339: {  	v6 =	vadd.s32 v7, v6;
	v7 =	vld [tilespmem:s31+$0x8580]  }
0x33a: {  	v60 =	vld [tilespmem:s31+$0x8600];
	v6 =	vadd.s32 v56, v6  }
0x33b: {  	v61 =	vld [tilespmem:s31+$0x8680];
	v6 =	vadd.s32 v57, v6  }
0x33c: {  	v62 =	vld [tilespmem:s31+$0x8700];
	v6 =	vadd.s32 v58, v6  }
0x33d: {  	s17 =	sadd.s32 $0x1, s17;
	v63 =	vld [tilespmem:s31+$0x8780];
	v6 =	vadd.s32 v59, v6  }
0x33e: {  	p2 =	sne.s32 s17, $0x20;
	v6 =	vadd.s32 v7, v6  }
.Ltmp21:
0x33f: {  	v6 =	vadd.s32 v60, v6;
	(pc) =	sbr.rel @p2 .LBB2_41-.Ltmp21, $4  }
0x340: {  	v6 =	vadd.s32 v61, v6  }
0x341: {  	v6 =	vadd.s32 v62, v6  }
0x342: {  	v6 =	vadd.s32 v63, v6  }
0x343: {  	s14 =	sadd.s32 $0x80, s14;
	s16 =	sadd.s32 $0x400, s16;
	[tilespmem:v5+s0+$0x0 ss:$0x1] =	vst.idx.msk $0xffff, v6  }
0x344: {  	s0 =	rddreg [dreg:$0x1];
	s1 =	simm.s32 $0x18800  }
0x345: {  	s2 =	simm.s32 $0x20;
	s3 =	simm.s32 $0x19800;
	s29 =	simm.s32 $0x9  }
0x346: {  	[spmem:s0] =	stream.indirect.scatter.add.s32 [tilespmem:s1], [sflag:$0x9], $0x80, s3, s2, $0xb8;
	[tilespmem:$0x19980] =	vst v63  }
0x347: {  	_ =	swait.ge [sflag:s29], $0x1000  }
0x348: {  	[sflag:s29] =	ssyncset.done $0x0  }
0x349: {  	[sflag:s29] =	ssyncadd.s32 $0xFFFFF000  }
0x34a: {  	[bflag:$0x0] =	sbarrier.arrive $0xFFFF  }
0x34b: {  	s0 =	sshrl.u32 @!p1 s0, $0x3;
	s1 =	simm.s32 @!p1 $0x1C09;
	s2 =	rddreg [dreg:$0x12]  }
0x34c: {  	[hbm:s2], [sflag:s1] =	dma.local @!p1 [spmem:s0], $0x200  }
0x34d: {  	s0 =	simm.s32 @!p1 $0x9  }
0x34e: {  	_ =	swait.ge @!p1 [sflag:s0], $0x200  }
0x34f: {  	s30 =	rddreg [dreg:$0x14]  }
0x350: {  	s31 =	rddreg [dreg:$0x13];
	s2 =	sadd.s32 $0x1, s30  }
0x351: {  	p2 =	sne.s32 s2, s31  }
.Ltmp22:
0x352: {  	_ = 	snop;
	(pc) =	sbr.rel @p2 .LBB2_1-.Ltmp22, $3  }
0x353: {  	_ =	sdelay $0x1  }
0x354: {  	[sflag:s0] =	ssyncset.done @!p1 $0x0  }
0x355: {  	[sflag:s0] =	ssyncadd.s32 @!p1 $0xFFFFFE00  }
0x356: {  	_ =	sfence.sel $0x180000  }
0x357: {  	[bflag:$0x0] =	sbarrier.arrive $0xFFFF  }
0x358: {  	_ =	strace $0x90000047  }
0x359: {  	[bflag:$0x2] =	sbarrier.arrive $0xFFFF  }
0x35a: {  	s0 =	rddreg [dreg:$0x2]  }
0x35b: {  	s0 =	sadd.s32 @!p1 $0x100000, s0  }
0x35c: {  	[sflag:s0] =	ssyncadd.tile.s32 @!p1 $0x1;
	_ =	shalt  }
.Lfunc_end2:
_tile_overlayer_lowered:
.L_overlay_start_2:
0x35d: {  	(tag) =	ssettag $0x2  }
0x35e: {  	s0 =	rddreg [dreg:$0x0];
	s2 =	stileid.u32  }
0x35f: {  	s1 =	rddreg [dreg:$0x1];
	p0 =	sne.s32 s2, $0x0  }
0x360: {  	s3 =	rddreg [dreg:$0x2];
	[bflag:$0x3] =	sbarrier.arrive $0xFFFF;
	s2 =	simm.s32 @!p0 $0x1C09  }
0x361: {  	[timem:s3], [sflag:s2] =	dma.local @!p0 [hbm:s0], s1  }
0x362: {  	s0 =	simm.s32 @!p0 $0x9  }
0x363: {  	_ =	swait.ge @!p0 [sflag:s0], s1  }
0x364: {  	s1 =	ssub.s32 @!p0 $0x0, s1;
	[sflag:s0] =	ssyncset.done @!p0 $0x0  }
0x365: {  	[sflag:s0] =	ssyncadd.s32 @!p0 s1  }
0x366: {  	[bflag:$0x3] =	sbarrier.arrive $0xFFFF  }
0x367: {  	_ =	shalt  }

</sc_bundles>
